<compile_context>
chip_gen: v7x
topology: tpu7x:2x2x1
jax: 0.10.2.dev20260603
libtpu: 0.0.44.dev20260713+nightly
codegen_flags: <defaults>
</compile_context>

<pallas_src>
import functools

import jax
import jax.numpy as jnp
from jax import lax
from jax.experimental import pallas as pl
from jax.experimental.pallas import tpu as pltpu
from jax.experimental.pallas import tpu_sc as plsc

N = 10000
E = 320000
D_IN = 128
D_H = 128
D_OUT = 64
BN_EPS = 1e-5

NC = 2
NS = 16
NW = NC * NS
EPW = E // NW
K = 128
NB = 1
EPWP = 10240
NCHUNK = EPWP // K
NHALF = 2
HCH = NCHUNK // NHALF
RA = 624
DEGW = 16

BR = 400
GRID = N // BR



def _sc_mesh():
    return plsc.VectorSubcoreMesh(core_axis_name="c", subcore_axis_name="s")


def _slab_copy(s, src_of, dst_of):
    pltpu.sync_copy(src_of(s * RA, RA), dst_of(s * RA, RA))

    @pl.when(s == NS - 1)
    def _tail():
        pltpu.sync_copy(src_of(NS * RA, N - NS * RA),
                        dst_of(NS * RA, N - NS * RA))


NP = 10240
SLICE = NP // NS


@functools.lru_cache(maxsize=None)
def _build_degree():
    @functools.partial(
        pl.kernel,
        out_type=jax.ShapeDtypeStruct((NC, 1, NP), jnp.float32),
        mesh=_sc_mesh(),
        compiler_params=pltpu.CompilerParams(needs_layout_passes=False),
        scratch_types=[
            pltpu.VMEM((EPW,), jnp.int32),
            pltpu.VMEM((NP,), jnp.float32),
            pltpu.VMEM((NS, SLICE), jnp.float32),
            pltpu.VMEM_SHARED((NS, NP), jnp.float32),
        ],
    )
    def deg_kernel(dst_hbm, out_hbm, didx, hist, red, shared):
        c = lax.axis_index("c")
        s = lax.axis_index("s")
        w = c * NS + s
        zeros16 = jnp.zeros((16,), jnp.float32)
        ones16 = jnp.ones((16,), jnp.float32)

        @pl.loop(0, NP // 16)
        def _zero(i):
            hist[pl.ds(i * 16, 16)] = zeros16

        pltpu.sync_copy(dst_hbm.at[pl.ds(w * EPW, EPW)], didx)

        @pl.loop(0, EPW // 16)
        def _hist(j):
            v = didx[pl.ds(j * 16, 16)]
            plsc.addupdate_scatter(hist, [v], ones16)

        pltpu.sync_copy(hist, shared.at[s])
        plsc.subcore_barrier()
        pltpu.sync_copy(shared.at[:, pl.ds(s * SLICE, SLICE)], red)

        @pl.loop(0, SLICE // 16)
        def _red(j):
            acc = red[0, pl.ds(j * 16, 16)]
            for r in range(1, NS):
                acc = acc + red[r, pl.ds(j * 16, 16)]
            hist[pl.ds(j * 16, 16)] = acc

        pltpu.sync_copy(hist.at[pl.ds(0, SLICE)],
                        out_hbm.at[c, 0, pl.ds(s * SLICE, SLICE)])

    return deg_kernel


KA = 80
NCHA = EPW // KA
NBUF = 4
NGRP = (NCHA - 1) // NBUF * NBUF


@functools.lru_cache(maxsize=None)
def _build_aggregate(d):
    scratch = (
        [pltpu.VMEM((KA,), jnp.int32) for _ in range(2 * NBUF)]
        + [pltpu.VMEM((KA, d), jnp.float32) for _ in range(NBUF)]
        + [pltpu.SemaphoreType.DMA for _ in range(4 * NBUF)]
        + [pltpu.VMEM_SHARED((N, d), jnp.float32)]
    )

    @functools.partial(
        pl.kernel,
        out_type=jax.ShapeDtypeStruct((NC, N, d), jnp.float32),
        mesh=_sc_mesh(),
        scratch_types=scratch,
    )
    def agg_kernel(y_hbm, src_hbm, dst_hbm, zeros_hbm, out_hbm, *bufs):
        sidx = bufs[:NBUF]
        didx = bufs[NBUF:2 * NBUF]
        rows = bufs[2 * NBUF:3 * NBUF]
        gsem = bufs[3 * NBUF:4 * NBUF]
        ssem = bufs[4 * NBUF:5 * NBUF]
        isem = bufs[5 * NBUF:6 * NBUF]
        jsem = bufs[6 * NBUF:7 * NBUF]
        acc = bufs[7 * NBUF]
        c = lax.axis_index("c")
        s = lax.axis_index("s")
        w = c * NS + s

        _slab_copy(s, lambda o, n: zeros_hbm.at[pl.ds(o, n)],
                   lambda o, n: acc.at[pl.ds(o, n)])
        plsc.subcore_barrier()

        @pl.loop(0, NGRP, step=NBUF)
        def _edges(i0):
            @pl.when(i0 > 0)
            def _drain_prev():
                for b in range(NBUF):
                    pltpu.make_async_copy(rows[b], acc.at[didx[b]],
                                          ssem[b]).wait()

            ils, jls = [], []
            for b in range(NBUF):
                base = w * EPW + (i0 + b) * KA
                ils.append(pltpu.async_copy(src_hbm.at[pl.ds(base, KA)],
                                            sidx[b], isem[b]))
                jls.append(pltpu.async_copy(dst_hbm.at[pl.ds(base, KA)],
                                            didx[b], jsem[b]))
            gs = []
            for b in range(NBUF):
                ils[b].wait()
                gs.append(pltpu.async_copy(y_hbm.at[sidx[b]], rows[b],
                                           gsem[b]))
            for b in range(NBUF):
                gs[b].wait()
                jls[b].wait()
                pltpu.async_copy(rows[b], acc.at[didx[b]], ssem[b], add=True)

        for b in range(NBUF):
            pltpu.make_async_copy(rows[b], acc.at[didx[b]], ssem[b]).wait()

        for t in range(NGRP, NCHA):
            tbase = w * EPW + t * KA
            pltpu.sync_copy(src_hbm.at[pl.ds(tbase, KA)], sidx[0])
            pltpu.sync_copy(dst_hbm.at[pl.ds(tbase, KA)], didx[0])
            pltpu.async_copy(y_hbm.at[sidx[0]], rows[0], gsem[0]).wait()
            pltpu.sync_copy(rows[0], acc.at[didx[0]], add=True)

        plsc.subcore_barrier()
        _slab_copy(s, lambda o, n: acc.at[pl.ds(o, n)],
                   lambda o, n: out_hbm.at[c, pl.ds(o, n)])

    return agg_kernel



def _tc1_body(x_ref, w_ref, deg_ref, y_ref, dinv_ref):
    indeg = deg_ref[:, 0:1] + deg_ref[:, 1:2]
    dinv = lax.rsqrt(1.0 + indeg)
    xw = jnp.dot(x_ref[...], w_ref[...], preferred_element_type=jnp.float32)
    y_ref[...] = xw * dinv
    dinv_ref[...] = dinv


@functools.lru_cache(maxsize=None)
def _build_tc1():
    return pl.pallas_call(
        _tc1_body,
        grid=(GRID,),
        in_specs=[
            pl.BlockSpec((BR, D_IN), lambda i: (i, 0)),
            pl.BlockSpec((D_IN, D_H), lambda i: (0, 0)),
            pl.BlockSpec((BR, NC), lambda i: (i, 0)),
        ],
        out_specs=[
            pl.BlockSpec((BR, D_H), lambda i: (i, 0)),
            pl.BlockSpec((BR, 1), lambda i: (i, 0)),
        ],
        out_shape=[
            jax.ShapeDtypeStruct((N, D_H), jnp.float32),
            jax.ShapeDtypeStruct((N, 1), jnp.float32),
        ],
    )


def _tcmid_body(agg_ref, y_ref, dinv_ref, b_ref, g_ref, be_ref, w_ref,
                out_ref):
    dinv = dinv_ref[...]
    z = dinv * (agg_ref[0] + agg_ref[1] + y_ref[...]) + b_ref[...]
    bn_scale = 1.0 / (1.0 + BN_EPS) ** 0.5
    h = jnp.maximum(g_ref[...] * (z * bn_scale) + be_ref[...], 0.0)
    out_ref[...] = dinv * jnp.dot(h, w_ref[...],
                                  preferred_element_type=jnp.float32)


@functools.lru_cache(maxsize=None)
def _build_tcmid(d_out):
    return pl.pallas_call(
        _tcmid_body,
        grid=(GRID,),
        in_specs=[
            pl.BlockSpec((NC, BR, D_H), lambda i: (0, i, 0)),
            pl.BlockSpec((BR, D_H), lambda i: (i, 0)),
            pl.BlockSpec((BR, 1), lambda i: (i, 0)),
            pl.BlockSpec((1, D_H), lambda i: (0, 0)),
            pl.BlockSpec((1, D_H), lambda i: (0, 0)),
            pl.BlockSpec((1, D_H), lambda i: (0, 0)),
            pl.BlockSpec((D_H, d_out), lambda i: (0, 0)),
        ],
        out_specs=pl.BlockSpec((BR, d_out), lambda i: (i, 0)),
        out_shape=jax.ShapeDtypeStruct((N, d_out), jnp.float32),
    )


def _tcf_body(agg_ref, y_ref, dinv_ref, b_ref, out_ref):
    zf = dinv_ref[...] * (agg_ref[0] + agg_ref[1] + y_ref[...])
    z = zf[:, :D_OUT] + b_ref[...]
    m = jnp.max(z, axis=1, keepdims=True)
    ez = jnp.exp(z - m)
    out_ref[...] = (z - m) - jnp.log(jnp.sum(ez, axis=1, keepdims=True))


@functools.lru_cache(maxsize=None)
def _build_tcf():
    return pl.pallas_call(
        _tcf_body,
        grid=(GRID,),
        in_specs=[
            pl.BlockSpec((NC, BR, D_H), lambda i: (0, i, 0)),
            pl.BlockSpec((BR, D_H), lambda i: (i, 0)),
            pl.BlockSpec((BR, 1), lambda i: (i, 0)),
            pl.BlockSpec((1, D_OUT), lambda i: (0, 0)),
        ],
        out_specs=pl.BlockSpec((BR, D_OUT), lambda i: (i, 0)),
        out_shape=jax.ShapeDtypeStruct((N, D_OUT), jnp.float32),
    )



def kernel(x, edge_index, W1, b1, g1, be1, W2, b2, g2, be2, W3, b3):
    src = edge_index[0]
    dst = edge_index[1]
    zeros_h = jnp.zeros((N, D_H), jnp.float32)
    W3p = jnp.pad(W3, ((0, 0), (0, D_H - D_OUT)))

    degp = _build_degree()(dst)
    degT = degp.reshape(NC, NP)[:, :N].T
    y1, dinv = _build_tc1()(x, W1, degT)

    agg1 = _build_aggregate(D_H)(y1, src, dst, zeros_h)
    y2 = _build_tcmid(D_H)(agg1, y1, dinv, b1.reshape(1, -1),
                           g1.reshape(1, -1), be1.reshape(1, -1), W2)

    agg2 = _build_aggregate(D_H)(y2, src, dst, zeros_h)
    y3 = _build_tcmid(D_H)(agg2, y2, dinv, b2.reshape(1, -1),
                           g2.reshape(1, -1), be2.reshape(1, -1), W3p)

    agg3 = _build_aggregate(D_H)(y3, src, dst, zeros_h)
    return _build_tcf()(agg3, y3, dinv, b3.reshape(1, -1))

# --- scband reference (transcript-rebuilt; emitter-appended) ---
"""Pipeline reference for scband-gcnmodel-15212774162444 (READ-ONLY COPY).

The authoritative reference and input builder live on the scoring server;
editing this copy changes nothing except your own understanding.
"""

import jax, jax.numpy as jnp
import numpy as np

N = 10000
E = 320000
D_IN = 128
D_H = 128
D_OUT = 64
BN_EPS = 1e-5


def _gcn_conv(x, edge_index, W, b):
    # PyG GCNConv: add self-loops, symmetric normalization D^-1/2 (A+I) D^-1/2 X W + b
    n = x.shape[0]
    loop = jnp.arange(n, dtype=edge_index.dtype)
    src = jnp.concatenate([edge_index[0], loop])
    dst = jnp.concatenate([edge_index[1], loop])
    xw = x @ W
    deg = jnp.zeros((n,), x.dtype).at[dst].add(1.0)
    dinv = jax.lax.rsqrt(deg)
    norm = dinv[src] * dinv[dst]
    msgs = jnp.take(xw, src, axis=0) * norm[:, None]
    out = jnp.zeros((n, W.shape[1]), x.dtype).at[dst].add(msgs)
    return out + b


def _bn_eval(h, gamma, beta):
    # BatchNorm1d in eval mode with fresh running stats (mean=0, var=1)
    return gamma * (h / jnp.sqrt(1.0 + BN_EPS)) + beta


def setup_inputs(seed: int = 0) -> dict:
    key = jax.random.key(seed)
    ks = jax.random.split(key, 12)
    x = jax.random.normal(ks[0], (N, D_IN), dtype=jnp.float32)
    edge_index = jax.random.randint(ks[1], (2, E), 0, N, dtype=jnp.int32)
    W1 = jax.random.normal(ks[2], (D_IN, D_H), dtype=jnp.float32) * (1.0 / np.sqrt(D_IN))
    b1 = jnp.zeros((D_H,), jnp.float32)
    g1 = jnp.ones((D_H,), jnp.float32)
    be1 = jnp.zeros((D_H,), jnp.float32)
    W2 = jax.random.normal(ks[3], (D_H, D_H), dtype=jnp.float32) * (1.0 / np.sqrt(D_H))
    b2 = jnp.zeros((D_H,), jnp.float32)
    g2 = jnp.ones((D_H,), jnp.float32)
    be2 = jnp.zeros((D_H,), jnp.float32)
    W3 = jax.random.normal(ks[4], (D_H, D_OUT), dtype=jnp.float32) * (1.0 / np.sqrt(D_H))
    b3 = jnp.zeros((D_OUT,), jnp.float32)
    return {"x": x, "edge_index": edge_index, "W1": W1, "b1": b1, "g1": g1, "be1": be1,
            "W2": W2, "b2": b2, "g2": g2, "be2": be2, "W3": W3, "b3": b3}


def reference(x, edge_index, W1, b1, g1, be1, W2, b2, g2, be2, W3, b3):
    h = _gcn_conv(x, edge_index, W1, b1)
    h = _bn_eval(h, g1, be1)
    h = jax.nn.relu(h)
    # dropout is identity in eval mode
    h = _gcn_conv(h, edge_index, W2, b2)
    h = _bn_eval(h, g2, be2)
    h = jax.nn.relu(h)
    h = _gcn_conv(h, edge_index, W3, b3)
    return jax.nn.log_softmax(h, axis=1)

if __name__ == "__main__":
    import jax
    _d = setup_inputs()
    print(jax.jit(kernel)(*tuple(_d.values())))

</pallas_src>

<mosaic_0001>
#map = affine_map<(d0, d1) -> (0, 0)>
#map1 = affine_map<(d0, d1) -> (0)>
#map2 = affine_map<(d0, d1) -> (0, 0, 0)>
module attributes {stable_mosaic.version = 14 : i64} {
  func.func @agg_kernel(%arg0: i32, %arg1: i32, %arg2: memref<10000x128xf32, #tpu.memory_space<hbm>>, %arg3: memref<320000xi32, #tpu.memory_space<hbm>>, %arg4: memref<320000xi32, #tpu.memory_space<hbm>>, %arg5: memref<10000x128xf32, #tpu.memory_space<hbm>>, %arg6: memref<2x10000x128xf32, #tpu.memory_space<hbm>>, %arg7: memref<80xi32, #tpu.memory_space<vmem>>, %arg8: memref<80xi32, #tpu.memory_space<vmem>>, %arg9: memref<80xi32, #tpu.memory_space<vmem>>, %arg10: memref<80xi32, #tpu.memory_space<vmem>>, %arg11: memref<80xi32, #tpu.memory_space<vmem>>, %arg12: memref<80xi32, #tpu.memory_space<vmem>>, %arg13: memref<80xi32, #tpu.memory_space<vmem>>, %arg14: memref<80xi32, #tpu.memory_space<vmem>>, %arg15: memref<80x128xf32, #tpu.memory_space<vmem>>, %arg16: memref<80x128xf32, #tpu.memory_space<vmem>>, %arg17: memref<80x128xf32, #tpu.memory_space<vmem>>, %arg18: memref<80x128xf32, #tpu.memory_space<vmem>>, %arg19: memref<!tpu.dma_semaphore, #tpu.memory_space<semaphore_mem>>, %arg20: memref<!tpu.dma_semaphore, #tpu.memory_space<semaphore_mem>>, %arg21: memref<!tpu.dma_semaphore, #tpu.memory_space<semaphore_mem>>, %arg22: memref<!tpu.dma_semaphore, #tpu.memory_space<semaphore_mem>>, %arg23: memref<!tpu.dma_semaphore, #tpu.memory_space<semaphore_mem>>, %arg24: memref<!tpu.dma_semaphore, #tpu.memory_space<semaphore_mem>>, %arg25: memref<!tpu.dma_semaphore, #tpu.memory_space<semaphore_mem>>, %arg26: memref<!tpu.dma_semaphore, #tpu.memory_space<semaphore_mem>>, %arg27: memref<!tpu.dma_semaphore, #tpu.memory_space<semaphore_mem>>, %arg28: memref<!tpu.dma_semaphore, #tpu.memory_space<semaphore_mem>>, %arg29: memref<!tpu.dma_semaphore, #tpu.memory_space<semaphore_mem>>, %arg30: memref<!tpu.dma_semaphore, #tpu.memory_space<semaphore_mem>>, %arg31: memref<!tpu.dma_semaphore, #tpu.memory_space<semaphore_mem>>, %arg32: memref<!tpu.dma_semaphore, #tpu.memory_space<semaphore_mem>>, %arg33: memref<!tpu.dma_semaphore, #tpu.memory_space<semaphore_mem>>, %arg34: memref<!tpu.dma_semaphore, #tpu.memory_space<semaphore_mem>>, %arg35: memref<10000x128xf32, #tpu.memory_space<vmem_shared>>) attributes {dimension_semantics = [#tpu.dimension_semantics<core_parallel>, #tpu.dimension_semantics<subcore_parallel>], iteration_bounds = array<i64: 2, 16>, scalar_prefetch = 0 : i64, scratch_operands = 29 : i64, tpu.core_type = #tpu.core_type<sc_vector_subcore>, window_params = [{transform_indices = #map}, {transform_indices = #map1}, {transform_indices = #map1}, {transform_indices = #map}, {transform_indices = #map2}]} {
    %mul3A = arith.constant 16 : i32
    %mul3A_0 = arith.muli %arg0, %mul3A : i32
    %add3A = arith.addi %mul3A_0, %arg1 : i32
    %mul3A_1 = arith.constant 624 : i32
    %mul3A_2 = arith.muli %arg1, %mul3A_1 : i32
    %mul3A_3 = arith.constant 624 : i32
    %mul3A_4 = arith.muli %arg1, %mul3A_3 : i32
    "tpu.region"() ({
      %run_scoped3A = tpu.sem_alloc : memref<!tpu.dma_semaphore, #tpu.memory_space<semaphore_mem>>
      %dma_start3A_41 = arith.constant 0 : i32
      %dma_start3A_42 = tpu.memref_slice %arg35[%mul3A_4, %dma_start3A_41] : memref<10000x128xf32, #tpu.memory_space<vmem_shared>> -> memref<624x128xf32, #tpu.memory_space<vmem_shared>>
      %dma_start3A_43 = arith.constant 0 : i32
      %dma_start3A_44 = tpu.memref_slice %arg5[%mul3A_2, %dma_start3A_43] : memref<10000x128xf32, #tpu.memory_space<hbm>> -> memref<624x128xf32, #tpu.memory_space<hbm>>
      tpu.enqueue_dma source(%dma_start3A_44 : memref<624x128xf32, #tpu.memory_space<hbm>>) target(%dma_start3A_42 : memref<624x128xf32, #tpu.memory_space<vmem_shared>>) target_semaphore(%run_scoped3A : memref<!tpu.dma_semaphore, #tpu.memory_space<semaphore_mem>>)
      %dma_wait3A_45 = arith.constant 0 : i32
      %dma_wait3A_46 = tpu.memref_slice %arg35[%mul3A_4, %dma_wait3A_45] : memref<10000x128xf32, #tpu.memory_space<vmem_shared>> -> memref<624x128xf32, #tpu.memory_space<vmem_shared>>
      %dma_wait3A_47 = arith.constant 0 : i32
      %dma_wait3A_48 = tpu.memref_slice %arg5[%mul3A_2, %dma_wait3A_47] : memref<10000x128xf32, #tpu.memory_space<hbm>> -> memref<624x128xf32, #tpu.memory_space<hbm>>
      tpu.wait_dma2 semaphore(%run_scoped3A : memref<!tpu.dma_semaphore, #tpu.memory_space<semaphore_mem>>) src(%dma_wait3A_48 : memref<624x128xf32, #tpu.memory_space<hbm>>) dst(%dma_wait3A_46 : memref<624x128xf32, #tpu.memory_space<vmem_shared>>)
      tpu.yield
    }) : () -> ()
    %eq3A = arith.constant 15 : i32
    %eq3A_5 = arith.cmpi eq, %arg1, %eq3A : i32
    %convert_element_type3A = arith.extui %eq3A_5 : i1 to i32
    %cond3A = arith.constant 0 : i32
    %cond3A_6 = arith.cmpi ne, %convert_element_type3A, %cond3A : i32
    scf.if %cond3A_6 {
      "tpu.region"() ({
        %run_scoped3A = tpu.sem_alloc : memref<!tpu.dma_semaphore, #tpu.memory_space<semaphore_mem>>
        %dma_start3A_41 = arith.constant 9984 : i32
        %dma_start3A_42 = arith.constant 0 : i32
        %dma_start3A_43 = tpu.memref_slice %arg35[%dma_start3A_41, %dma_start3A_42] : memref<10000x128xf32, #tpu.memory_space<vmem_shared>> -> memref<16x128xf32, #tpu.memory_space<vmem_shared>>
        %dma_start3A_44 = arith.constant 9984 : i32
        %dma_start3A_45 = arith.constant 0 : i32
        %dma_start3A_46 = tpu.memref_slice %arg5[%dma_start3A_44, %dma_start3A_45] : memref<10000x128xf32, #tpu.memory_space<hbm>> -> memref<16x128xf32, #tpu.memory_space<hbm>>
        tpu.enqueue_dma source(%dma_start3A_46 : memref<16x128xf32, #tpu.memory_space<hbm>>) target(%dma_start3A_43 : memref<16x128xf32, #tpu.memory_space<vmem_shared>>) target_semaphore(%run_scoped3A : memref<!tpu.dma_semaphore, #tpu.memory_space<semaphore_mem>>)
        %dma_wait3A_47 = arith.constant 9984 : i32
        %dma_wait3A_48 = arith.constant 0 : i32
        %dma_wait3A_49 = tpu.memref_slice %arg35[%dma_wait3A_47, %dma_wait3A_48] : memref<10000x128xf32, #tpu.memory_space<vmem_shared>> -> memref<16x128xf32, #tpu.memory_space<vmem_shared>>
        %dma_wait3A_50 = arith.constant 9984 : i32
        %dma_wait3A_51 = arith.constant 0 : i32
        %dma_wait3A_52 = tpu.memref_slice %arg5[%dma_wait3A_50, %dma_wait3A_51] : memref<10000x128xf32, #tpu.memory_space<hbm>> -> memref<16x128xf32, #tpu.memory_space<hbm>>
        tpu.wait_dma2 semaphore(%run_scoped3A : memref<!tpu.dma_semaphore, #tpu.memory_space<semaphore_mem>>) src(%dma_wait3A_52 : memref<16x128xf32, #tpu.memory_space<hbm>>) dst(%dma_wait3A_49 : memref<16x128xf32, #tpu.memory_space<vmem_shared>>)
        tpu.yield
      }) : () -> ()
    } else {
    }
    %barrier3A = arith.constant 0 : index
    tpu.barrier barrier_id(%barrier3A)
    %scan3A = arith.constant 0 : i32
    %scan3A_7 = arith.constant 31 : i32
    %scan3A_8 = arith.addi %scan3A, %scan3A_7 : i32
    %scan3A_9 = arith.constant 1 : i32
    scf.for %scan3A_41 = %scan3A to %scan3A_8 step %scan3A_9  : i32 {
      %mul3A_42 = arith.constant 4 : i32
      %mul3A_43 = arith.muli %scan3A_41, %mul3A_42 : i32
      %add3A_44 = arith.constant 0 : i32
      %add3A_45 = arith.addi %add3A_44, %mul3A_43 : i32
      %gt3A = arith.constant 0 : i32
      %gt3A_46 = arith.cmpi sgt, %add3A_45, %gt3A : i32
      %convert_element_type3A_47 = arith.extui %gt3A_46 : i1 to i32
      %cond3A_48 = arith.constant 0 : i32
      %cond3A_49 = arith.cmpi ne, %convert_element_type3A_47, %cond3A_48 : i32
      scf.if %cond3A_49 {
        %dma_wait3A_146 = arith.constant 0 : i32
        %dma_wait3A_147 = arith.constant 0 : i32
        %dma_wait3A_148 = tpu.memref_slice %arg35[%dma_wait3A_146, %dma_wait3A_147] : memref<10000x128xf32, #tpu.memory_space<vmem_shared>> -> memref<10000x128xf32, #tpu.memory_space<vmem_shared>>
        tpu.wait_indirect_dma semaphore(%arg23 : memref<!tpu.dma_semaphore, #tpu.memory_space<semaphore_mem>>) src(%arg15 : memref<80x128xf32, #tpu.memory_space<vmem>>) dst(%dma_wait3A_148 : memref<10000x128xf32, #tpu.memory_space<vmem_shared>>)
        %dma_wait3A_149 = arith.constant 0 : i32
        %dma_wait3A_150 = arith.constant 0 : i32
        %dma_wait3A_151 = tpu.memref_slice %arg35[%dma_wait3A_149, %dma_wait3A_150] : memref<10000x128xf32, #tpu.memory_space<vmem_shared>> -> memref<10000x128xf32, #tpu.memory_space<vmem_shared>>
        tpu.wait_indirect_dma semaphore(%arg24 : memref<!tpu.dma_semaphore, #tpu.memory_space<semaphore_mem>>) src(%arg16 : memref<80x128xf32, #tpu.memory_space<vmem>>) dst(%dma_wait3A_151 : memref<10000x128xf32, #tpu.memory_space<vmem_shared>>)
        %dma_wait3A_152 = arith.constant 0 : i32
        %dma_wait3A_153 = arith.constant 0 : i32
        %dma_wait3A_154 = tpu.memref_slice %arg35[%dma_wait3A_152, %dma_wait3A_153] : memref<10000x128xf32, #tpu.memory_space<vmem_shared>> -> memref<10000x128xf32, #tpu.memory_space<vmem_shared>>
        tpu.wait_indirect_dma semaphore(%arg25 : memref<!tpu.dma_semaphore, #tpu.memory_space<semaphore_mem>>) src(%arg17 : memref<80x128xf32, #tpu.memory_space<vmem>>) dst(%dma_wait3A_154 : memref<10000x128xf32, #tpu.memory_space<vmem_shared>>)
        %dma_wait3A_155 = arith.constant 0 : i32
        %dma_wait3A_156 = arith.constant 0 : i32
        %dma_wait3A_157 = tpu.memref_slice %arg35[%dma_wait3A_155, %dma_wait3A_156] : memref<10000x128xf32, #tpu.memory_space<vmem_shared>> -> memref<10000x128xf32, #tpu.memory_space<vmem_shared>>
        tpu.wait_indirect_dma semaphore(%arg26 : memref<!tpu.dma_semaphore, #tpu.memory_space<semaphore_mem>>) src(%arg18 : memref<80x128xf32, #tpu.memory_space<vmem>>) dst(%dma_wait3A_157 : memref<10000x128xf32, #tpu.memory_space<vmem_shared>>)
      } else {
      }
      %mul3A_50 = arith.constant 10000 : i32
      %mul3A_51 = arith.muli %add3A, %mul3A_50 : i32
      %add3A_52 = arith.constant 0 : i32
      %add3A_53 = arith.addi %add3A_45, %add3A_52 : i32
      %mul3A_54 = arith.constant 80 : i32
      %mul3A_55 = arith.muli %add3A_53, %mul3A_54 : i32
      %add3A_56 = arith.addi %mul3A_51, %mul3A_55 : i32
      %dma_start3A_57 = tpu.memref_slice %arg3[%add3A_56] : memref<320000xi32, #tpu.memory_space<hbm>> -> memref<80xi32, #tpu.memory_space<hbm>>
      %dma_start3A_58 = tpu.memref_slice %arg3[%add3A_56] : memref<320000xi32, #tpu.memory_space<hbm>> -> memref<80xi32, #tpu.memory_space<hbm>>
      tpu.enqueue_dma source(%dma_start3A_58 : memref<80xi32, #tpu.memory_space<hbm>>) target(%arg7 : memref<80xi32, #tpu.memory_space<vmem>>) target_semaphore(%arg27 : memref<!tpu.dma_semaphore, #tpu.memory_space<semaphore_mem>>)
      %dma_start3A_59 = tpu.memref_slice %arg4[%add3A_56] : memref<320000xi32, #tpu.memory_space<hbm>> -> memref<80xi32, #tpu.memory_space<hbm>>
      %dma_start3A_60 = tpu.memref_slice %arg4[%add3A_56] : memref<320000xi32, #tpu.memory_space<hbm>> -> memref<80xi32, #tpu.memory_space<hbm>>
      tpu.enqueue_dma source(%dma_start3A_60 : memref<80xi32, #tpu.memory_space<hbm>>) target(%arg11 : memref<80xi32, #tpu.memory_space<vmem>>) target_semaphore(%arg31 : memref<!tpu.dma_semaphore, #tpu.memory_space<semaphore_mem>>)
      %mul3A_61 = arith.constant 10000 : i32
      %mul3A_62 = arith.muli %add3A, %mul3A_61 : i32
      %add3A_63 = arith.constant 1 : i32
      %add3A_64 = arith.addi %add3A_45, %add3A_63 : i32
      %mul3A_65 = arith.constant 80 : i32
      %mul3A_66 = arith.muli %add3A_64, %mul3A_65 : i32
      %add3A_67 = arith.addi %mul3A_62, %mul3A_66 : i32
      %dma_start3A_68 = tpu.memref_slice %arg3[%add3A_67] : memref<320000xi32, #tpu.memory_space<hbm>> -> memref<80xi32, #tpu.memory_space<hbm>>
      %dma_start3A_69 = tpu.memref_slice %arg3[%add3A_67] : memref<320000xi32, #tpu.memory_space<hbm>> -> memref<80xi32, #tpu.memory_space<hbm>>
      tpu.enqueue_dma source(%dma_start3A_69 : memref<80xi32, #tpu.memory_space<hbm>>) target(%arg8 : memref<80xi32, #tpu.memory_space<vmem>>) target_semaphore(%arg28 : memref<!tpu.dma_semaphore, #tpu.memory_space<semaphore_mem>>)
      %dma_start3A_70 = tpu.memref_slice %arg4[%add3A_67] : memref<320000xi32, #tpu.memory_space<hbm>> -> memref<80xi32, #tpu.memory_space<hbm>>
      %dma_start3A_71 = tpu.memref_slice %arg4[%add3A_67] : memref<320000xi32, #tpu.memory_space<hbm>> -> memref<80xi32, #tpu.memory_space<hbm>>
      tpu.enqueue_dma source(%dma_start3A_71 : memref<80xi32, #tpu.memory_space<hbm>>) target(%arg12 : memref<80xi32, #tpu.memory_space<vmem>>) target_semaphore(%arg32 : memref<!tpu.dma_semaphore, #tpu.memory_space<semaphore_mem>>)
      %mul3A_72 = arith.constant 10000 : i32
      %mul3A_73 = arith.muli %add3A, %mul3A_72 : i32
      %add3A_74 = arith.constant 2 : i32
      %add3A_75 = arith.addi %add3A_45, %add3A_74 : i32
      %mul3A_76 = arith.constant 80 : i32
      %mul3A_77 = arith.muli %add3A_75, %mul3A_76 : i32
      %add3A_78 = arith.addi %mul3A_73, %mul3A_77 : i32
      %dma_start3A_79 = tpu.memref_slice %arg3[%add3A_78] : memref<320000xi32, #tpu.memory_space<hbm>> -> memref<80xi32, #tpu.memory_space<hbm>>
      %dma_start3A_80 = tpu.memref_slice %arg3[%add3A_78] : memref<320000xi32, #tpu.memory_space<hbm>> -> memref<80xi32, #tpu.memory_space<hbm>>
      tpu.enqueue_dma source(%dma_start3A_80 : memref<80xi32, #tpu.memory_space<hbm>>) target(%arg9 : memref<80xi32, #tpu.memory_space<vmem>>) target_semaphore(%arg29 : memref<!tpu.dma_semaphore, #tpu.memory_space<semaphore_mem>>)
      %dma_start3A_81 = tpu.memref_slice %arg4[%add3A_78] : memref<320000xi32, #tpu.memory_space<hbm>> -> memref<80xi32, #tpu.memory_space<hbm>>
      %dma_start3A_82 = tpu.memref_slice %arg4[%add3A_78] : memref<320000xi32, #tpu.memory_space<hbm>> -> memref<80xi32, #tpu.memory_space<hbm>>
      tpu.enqueue_dma source(%dma_start3A_82 : memref<80xi32, #tpu.memory_space<hbm>>) target(%arg13 : memref<80xi32, #tpu.memory_space<vmem>>) target_semaphore(%arg33 : memref<!tpu.dma_semaphore, #tpu.memory_space<semaphore_mem>>)
      %mul3A_83 = arith.constant 10000 : i32
      %mul3A_84 = arith.muli %add3A, %mul3A_83 : i32
      %add3A_85 = arith.constant 3 : i32
      %add3A_86 = arith.addi %add3A_45, %add3A_85 : i32
      %mul3A_87 = arith.constant 80 : i32
      %mul3A_88 = arith.muli %add3A_86, %mul3A_87 : i32
      %add3A_89 = arith.addi %mul3A_84, %mul3A_88 : i32
      %dma_start3A_90 = tpu.memref_slice %arg3[%add3A_89] : memref<320000xi32, #tpu.memory_space<hbm>> -> memref<80xi32, #tpu.memory_space<hbm>>
      %dma_start3A_91 = tpu.memref_slice %arg3[%add3A_89] : memref<320000xi32, #tpu.memory_space<hbm>> -> memref<80xi32, #tpu.memory_space<hbm>>
      tpu.enqueue_dma source(%dma_start3A_91 : memref<80xi32, #tpu.memory_space<hbm>>) target(%arg10 : memref<80xi32, #tpu.memory_space<vmem>>) target_semaphore(%arg30 : memref<!tpu.dma_semaphore, #tpu.memory_space<semaphore_mem>>)
      %dma_start3A_92 = tpu.memref_slice %arg4[%add3A_89] : memref<320000xi32, #tpu.memory_space<hbm>> -> memref<80xi32, #tpu.memory_space<hbm>>
      %dma_start3A_93 = tpu.memref_slice %arg4[%add3A_89] : memref<320000xi32, #tpu.memory_space<hbm>> -> memref<80xi32, #tpu.memory_space<hbm>>
      tpu.enqueue_dma source(%dma_start3A_93 : memref<80xi32, #tpu.memory_space<hbm>>) target(%arg14 : memref<80xi32, #tpu.memory_space<vmem>>) target_semaphore(%arg34 : memref<!tpu.dma_semaphore, #tpu.memory_space<semaphore_mem>>)
      %dma_wait3A_94 = tpu.memref_slice %arg3[%add3A_56] : memref<320000xi32, #tpu.memory_space<hbm>> -> memref<80xi32, #tpu.memory_space<hbm>>
      %dma_wait3A_95 = tpu.memref_slice %arg3[%add3A_56] : memref<320000xi32, #tpu.memory_space<hbm>> -> memref<80xi32, #tpu.memory_space<hbm>>
      tpu.wait_dma2 semaphore(%arg27 : memref<!tpu.dma_semaphore, #tpu.memory_space<semaphore_mem>>) src(%dma_wait3A_95 : memref<80xi32, #tpu.memory_space<hbm>>) dst(%arg7 : memref<80xi32, #tpu.memory_space<vmem>>)
      %dma_start3A_96 = arith.constant 0 : i32
      %dma_start3A_97 = arith.constant 0 : i32
      %dma_start3A_98 = tpu.memref_slice %arg2[%dma_start3A_96, %dma_start3A_97] : memref<10000x128xf32, #tpu.memory_space<hbm>> -> memref<10000x128xf32, #tpu.memory_space<hbm>>
      tpu.enqueue_indirect_dma source(%dma_start3A_98 : memref<10000x128xf32, #tpu.memory_space<hbm>>) target(%arg15 : memref<80x128xf32, #tpu.memory_space<vmem>>) offsets(%arg7 : memref<80xi32, #tpu.memory_space<vmem>>) semaphore(%arg19 : memref<!tpu.dma_semaphore, #tpu.memory_space<semaphore_mem>>)
      %dma_wait3A_99 = tpu.memref_slice %arg3[%add3A_67] : memref<320000xi32, #tpu.memory_space<hbm>> -> memref<80xi32, #tpu.memory_space<hbm>>
      %dma_wait3A_100 = tpu.memref_slice %arg3[%add3A_67] : memref<320000xi32, #tpu.memory_space<hbm>> -> memref<80xi32, #tpu.memory_space<hbm>>
      tpu.wait_dma2 semaphore(%arg28 : memref<!tpu.dma_semaphore, #tpu.memory_space<semaphore_mem>>) src(%dma_wait3A_100 : memref<80xi32, #tpu.memory_space<hbm>>) dst(%arg8 : memref<80xi32, #tpu.memory_space<vmem>>)
      %dma_start3A_101 = arith.constant 0 : i32
      %dma_start3A_102 = arith.constant 0 : i32
      %dma_start3A_103 = tpu.memref_slice %arg2[%dma_start3A_101, %dma_start3A_102] : memref<10000x128xf32, #tpu.memory_space<hbm>> -> memref<10000x128xf32, #tpu.memory_space<hbm>>
      tpu.enqueue_indirect_dma source(%dma_start3A_103 : memref<10000x128xf32, #tpu.memory_space<hbm>>) target(%arg16 : memref<80x128xf32, #tpu.memory_space<vmem>>) offsets(%arg8 : memref<80xi32, #tpu.memory_space<vmem>>) semaphore(%arg20 : memref<!tpu.dma_semaphore, #tpu.memory_space<semaphore_mem>>)
      %dma_wait3A_104 = tpu.memref_slice %arg3[%add3A_78] : memref<320000xi32, #tpu.memory_space<hbm>> -> memref<80xi32, #tpu.memory_space<hbm>>
      %dma_wait3A_105 = tpu.memref_slice %arg3[%add3A_78] : memref<320000xi32, #tpu.memory_space<hbm>> -> memref<80xi32, #tpu.memory_space<hbm>>
      tpu.wait_dma2 semaphore(%arg29 : memref<!tpu.dma_semaphore, #tpu.memory_space<semaphore_mem>>) src(%dma_wait3A_105 : memref<80xi32, #tpu.memory_space<hbm>>) dst(%arg9 : memref<80xi32, #tpu.memory_space<vmem>>)
      %dma_start3A_106 = arith.constant 0 : i32
      %dma_start3A_107 = arith.constant 0 : i32
      %dma_start3A_108 = tpu.memref_slice %arg2[%dma_start3A_106, %dma_start3A_107] : memref<10000x128xf32, #tpu.memory_space<hbm>> -> memref<10000x128xf32, #tpu.memory_space<hbm>>
      tpu.enqueue_indirect_dma source(%dma_start3A_108 : memref<10000x128xf32, #tpu.memory_space<hbm>>) target(%arg17 : memref<80x128xf32, #tpu.memory_space<vmem>>) offsets(%arg9 : memref<80xi32, #tpu.memory_space<vmem>>) semaphore(%arg21 : memref<!tpu.dma_semaphore, #tpu.memory_space<semaphore_mem>>)
      %dma_wait3A_109 = tpu.memref_slice %arg3[%add3A_89] : memref<320000xi32, #tpu.memory_space<hbm>> -> memref<80xi32, #tpu.memory_space<hbm>>
      %dma_wait3A_110 = tpu.memref_slice %arg3[%add3A_89] : memref<320000xi32, #tpu.memory_space<hbm>> -> memref<80xi32, #tpu.memory_space<hbm>>
      tpu.wait_dma2 semaphore(%arg30 : memref<!tpu.dma_semaphore, #tpu.memory_space<semaphore_mem>>) src(%dma_wait3A_110 : memref<80xi32, #tpu.memory_space<hbm>>) dst(%arg10 : memref<80xi32, #tpu.memory_space<vmem>>)
      %dma_start3A_111 = arith.constant 0 : i32
      %dma_start3A_112 = arith.constant 0 : i32
      %dma_start3A_113 = tpu.memref_slice %arg2[%dma_start3A_111, %dma_start3A_112] : memref<10000x128xf32, #tpu.memory_space<hbm>> -> memref<10000x128xf32, #tpu.memory_space<hbm>>
      tpu.enqueue_indirect_dma source(%dma_start3A_113 : memref<10000x128xf32, #tpu.memory_space<hbm>>) target(%arg18 : memref<80x128xf32, #tpu.memory_space<vmem>>) offsets(%arg10 : memref<80xi32, #tpu.memory_space<vmem>>) semaphore(%arg22 : memref<!tpu.dma_semaphore, #tpu.memory_space<semaphore_mem>>)
      %dma_wait3A_114 = arith.constant 0 : i32
      %dma_wait3A_115 = arith.constant 0 : i32
      %dma_wait3A_116 = tpu.memref_slice %arg2[%dma_wait3A_114, %dma_wait3A_115] : memref<10000x128xf32, #tpu.memory_space<hbm>> -> memref<10000x128xf32, #tpu.memory_space<hbm>>
      tpu.wait_indirect_dma semaphore(%arg19 : memref<!tpu.dma_semaphore, #tpu.memory_space<semaphore_mem>>) src(%dma_wait3A_116 : memref<10000x128xf32, #tpu.memory_space<hbm>>) dst(%arg15 : memref<80x128xf32, #tpu.memory_space<vmem>>)
      %dma_wait3A_117 = tpu.memref_slice %arg4[%add3A_56] : memref<320000xi32, #tpu.memory_space<hbm>> -> memref<80xi32, #tpu.memory_space<hbm>>
      %dma_wait3A_118 = tpu.memref_slice %arg4[%add3A_56] : memref<320000xi32, #tpu.memory_space<hbm>> -> memref<80xi32, #tpu.memory_space<hbm>>
      tpu.wait_dma2 semaphore(%arg31 : memref<!tpu.dma_semaphore, #tpu.memory_space<semaphore_mem>>) src(%dma_wait3A_118 : memref<80xi32, #tpu.memory_space<hbm>>) dst(%arg11 : memref<80xi32, #tpu.memory_space<vmem>>)
      %dma_start3A_119 = arith.constant 0 : i32
      %dma_start3A_120 = arith.constant 0 : i32
      %dma_start3A_121 = tpu.memref_slice %arg35[%dma_start3A_119, %dma_start3A_120] : memref<10000x128xf32, #tpu.memory_space<vmem_shared>> -> memref<10000x128xf32, #tpu.memory_space<vmem_shared>>
      tpu.enqueue_indirect_dma source(%arg15 : memref<80x128xf32, #tpu.memory_space<vmem>>) target(%dma_start3A_121 : memref<10000x128xf32, #tpu.memory_space<vmem_shared>>) offsets(%arg11 : memref<80xi32, #tpu.memory_space<vmem>>) semaphore(%arg23 : memref<!tpu.dma_semaphore, #tpu.memory_space<semaphore_mem>>) {add = true}
      %dma_wait3A_122 = arith.constant 0 : i32
      %dma_wait3A_123 = arith.constant 0 : i32
      %dma_wait3A_124 = tpu.memref_slice %arg2[%dma_wait3A_122, %dma_wait3A_123] : memref<10000x128xf32, #tpu.memory_space<hbm>> -> memref<10000x128xf32, #tpu.memory_space<hbm>>
      tpu.wait_indirect_dma semaphore(%arg20 : memref<!tpu.dma_semaphore, #tpu.memory_space<semaphore_mem>>) src(%dma_wait3A_124 : memref<10000x128xf32, #tpu.memory_space<hbm>>) dst(%arg16 : memref<80x128xf32, #tpu.memory_space<vmem>>)
      %dma_wait3A_125 = tpu.memref_slice %arg4[%add3A_67] : memref<320000xi32, #tpu.memory_space<hbm>> -> memref<80xi32, #tpu.memory_space<hbm>>
      %dma_wait3A_126 = tpu.memref_slice %arg4[%add3A_67] : memref<320000xi32, #tpu.memory_space<hbm>> -> memref<80xi32, #tpu.memory_space<hbm>>
      tpu.wait_dma2 semaphore(%arg32 : memref<!tpu.dma_semaphore, #tpu.memory_space<semaphore_mem>>) src(%dma_wait3A_126 : memref<80xi32, #tpu.memory_space<hbm>>) dst(%arg12 : memref<80xi32, #tpu.memory_space<vmem>>)
      %dma_start3A_127 = arith.constant 0 : i32
      %dma_start3A_128 = arith.constant 0 : i32
      %dma_start3A_129 = tpu.memref_slice %arg35[%dma_start3A_127, %dma_start3A_128] : memref<10000x128xf32, #tpu.memory_space<vmem_shared>> -> memref<10000x128xf32, #tpu.memory_space<vmem_shared>>
      tpu.enqueue_indirect_dma source(%arg16 : memref<80x128xf32, #tpu.memory_space<vmem>>) target(%dma_start3A_129 : memref<10000x128xf32, #tpu.memory_space<vmem_shared>>) offsets(%arg12 : memref<80xi32, #tpu.memory_space<vmem>>) semaphore(%arg24 : memref<!tpu.dma_semaphore, #tpu.memory_space<semaphore_mem>>) {add = true}
      %dma_wait3A_130 = arith.constant 0 : i32
      %dma_wait3A_131 = arith.constant 0 : i32
      %dma_wait3A_132 = tpu.memref_slice %arg2[%dma_wait3A_130, %dma_wait3A_131] : memref<10000x128xf32, #tpu.memory_space<hbm>> -> memref<10000x128xf32, #tpu.memory_space<hbm>>
      tpu.wait_indirect_dma semaphore(%arg21 : memref<!tpu.dma_semaphore, #tpu.memory_space<semaphore_mem>>) src(%dma_wait3A_132 : memref<10000x128xf32, #tpu.memory_space<hbm>>) dst(%arg17 : memref<80x128xf32, #tpu.memory_space<vmem>>)
      %dma_wait3A_133 = tpu.memref_slice %arg4[%add3A_78] : memref<320000xi32, #tpu.memory_space<hbm>> -> memref<80xi32, #tpu.memory_space<hbm>>
      %dma_wait3A_134 = tpu.memref_slice %arg4[%add3A_78] : memref<320000xi32, #tpu.memory_space<hbm>> -> memref<80xi32, #tpu.memory_space<hbm>>
      tpu.wait_dma2 semaphore(%arg33 : memref<!tpu.dma_semaphore, #tpu.memory_space<semaphore_mem>>) src(%dma_wait3A_134 : memref<80xi32, #tpu.memory_space<hbm>>) dst(%arg13 : memref<80xi32, #tpu.memory_space<vmem>>)
      %dma_start3A_135 = arith.constant 0 : i32
      %dma_start3A_136 = arith.constant 0 : i32
      %dma_start3A_137 = tpu.memref_slice %arg35[%dma_start3A_135, %dma_start3A_136] : memref<10000x128xf32, #tpu.memory_space<vmem_shared>> -> memref<10000x128xf32, #tpu.memory_space<vmem_shared>>
      tpu.enqueue_indirect_dma source(%arg17 : memref<80x128xf32, #tpu.memory_space<vmem>>) target(%dma_start3A_137 : memref<10000x128xf32, #tpu.memory_space<vmem_shared>>) offsets(%arg13 : memref<80xi32, #tpu.memory_space<vmem>>) semaphore(%arg25 : memref<!tpu.dma_semaphore, #tpu.memory_space<semaphore_mem>>) {add = true}
      %dma_wait3A_138 = arith.constant 0 : i32
      %dma_wait3A_139 = arith.constant 0 : i32
      %dma_wait3A_140 = tpu.memref_slice %arg2[%dma_wait3A_138, %dma_wait3A_139] : memref<10000x128xf32, #tpu.memory_space<hbm>> -> memref<10000x128xf32, #tpu.memory_space<hbm>>
      tpu.wait_indirect_dma semaphore(%arg22 : memref<!tpu.dma_semaphore, #tpu.memory_space<semaphore_mem>>) src(%dma_wait3A_140 : memref<10000x128xf32, #tpu.memory_space<hbm>>) dst(%arg18 : memref<80x128xf32, #tpu.memory_space<vmem>>)
      %dma_wait3A_141 = tpu.memref_slice %arg4[%add3A_89] : memref<320000xi32, #tpu.memory_space<hbm>> -> memref<80xi32, #tpu.memory_space<hbm>>
      %dma_wait3A_142 = tpu.memref_slice %arg4[%add3A_89] : memref<320000xi32, #tpu.memory_space<hbm>> -> memref<80xi32, #tpu.memory_space<hbm>>
      tpu.wait_dma2 semaphore(%arg34 : memref<!tpu.dma_semaphore, #tpu.memory_space<semaphore_mem>>) src(%dma_wait3A_142 : memref<80xi32, #tpu.memory_space<hbm>>) dst(%arg14 : memref<80xi32, #tpu.memory_space<vmem>>)
      %dma_start3A_143 = arith.constant 0 : i32
      %dma_start3A_144 = arith.constant 0 : i32
      %dma_start3A_145 = tpu.memref_slice %arg35[%dma_start3A_143, %dma_start3A_144] : memref<10000x128xf32, #tpu.memory_space<vmem_shared>> -> memref<10000x128xf32, #tpu.memory_space<vmem_shared>>
      tpu.enqueue_indirect_dma source(%arg18 : memref<80x128xf32, #tpu.memory_space<vmem>>) target(%dma_start3A_145 : memref<10000x128xf32, #tpu.memory_space<vmem_shared>>) offsets(%arg14 : memref<80xi32, #tpu.memory_space<vmem>>) semaphore(%arg26 : memref<!tpu.dma_semaphore, #tpu.memory_space<semaphore_mem>>) {add = true}
    }
    %scan3A_10 = arith.constant 31 : i32
    %dma_wait3A = arith.constant 0 : i32
    %dma_wait3A_11 = arith.constant 0 : i32
    %dma_wait3A_12 = tpu.memref_slice %arg35[%dma_wait3A, %dma_wait3A_11] : memref<10000x128xf32, #tpu.memory_space<vmem_shared>> -> memref<10000x128xf32, #tpu.memory_space<vmem_shared>>
    tpu.wait_indirect_dma semaphore(%arg23 : memref<!tpu.dma_semaphore, #tpu.memory_space<semaphore_mem>>) src(%arg15 : memref<80x128xf32, #tpu.memory_space<vmem>>) dst(%dma_wait3A_12 : memref<10000x128xf32, #tpu.memory_space<vmem_shared>>)
    %dma_wait3A_13 = arith.constant 0 : i32
    %dma_wait3A_14 = arith.constant 0 : i32
    %dma_wait3A_15 = tpu.memref_slice %arg35[%dma_wait3A_13, %dma_wait3A_14] : memref<10000x128xf32, #tpu.memory_space<vmem_shared>> -> memref<10000x128xf32, #tpu.memory_space<vmem_shared>>
    tpu.wait_indirect_dma semaphore(%arg24 : memref<!tpu.dma_semaphore, #tpu.memory_space<semaphore_mem>>) src(%arg16 : memref<80x128xf32, #tpu.memory_space<vmem>>) dst(%dma_wait3A_15 : memref<10000x128xf32, #tpu.memory_space<vmem_shared>>)
    %dma_wait3A_16 = arith.constant 0 : i32
    %dma_wait3A_17 = arith.constant 0 : i32
    %dma_wait3A_18 = tpu.memref_slice %arg35[%dma_wait3A_16, %dma_wait3A_17] : memref<10000x128xf32, #tpu.memory_space<vmem_shared>> -> memref<10000x128xf32, #tpu.memory_space<vmem_shared>>
    tpu.wait_indirect_dma semaphore(%arg25 : memref<!tpu.dma_semaphore, #tpu.memory_space<semaphore_mem>>) src(%arg17 : memref<80x128xf32, #tpu.memory_space<vmem>>) dst(%dma_wait3A_18 : memref<10000x128xf32, #tpu.memory_space<vmem_shared>>)
    %dma_wait3A_19 = arith.constant 0 : i32
    %dma_wait3A_20 = arith.constant 0 : i32
    %dma_wait3A_21 = tpu.memref_slice %arg35[%dma_wait3A_19, %dma_wait3A_20] : memref<10000x128xf32, #tpu.memory_space<vmem_shared>> -> memref<10000x128xf32, #tpu.memory_space<vmem_shared>>
    tpu.wait_indirect_dma semaphore(%arg26 : memref<!tpu.dma_semaphore, #tpu.memory_space<semaphore_mem>>) src(%arg18 : memref<80x128xf32, #tpu.memory_space<vmem>>) dst(%dma_wait3A_21 : memref<10000x128xf32, #tpu.memory_space<vmem_shared>>)
    %mul3A_22 = arith.constant 10000 : i32
    %mul3A_23 = arith.muli %add3A, %mul3A_22 : i32
    %add3A_24 = arith.constant 9920 : i32
    %add3A_25 = arith.addi %mul3A_23, %add3A_24 : i32
    "tpu.region"() ({
      %run_scoped3A = tpu.sem_alloc : memref<!tpu.dma_semaphore, #tpu.memory_space<semaphore_mem>>
      %dma_start3A_41 = tpu.memref_slice %arg3[%add3A_25] : memref<320000xi32, #tpu.memory_space<hbm>> -> memref<80xi32, #tpu.memory_space<hbm>>
      %dma_start3A_42 = tpu.memref_slice %arg3[%add3A_25] : memref<320000xi32, #tpu.memory_space<hbm>> -> memref<80xi32, #tpu.memory_space<hbm>>
      tpu.enqueue_dma source(%dma_start3A_42 : memref<80xi32, #tpu.memory_space<hbm>>) target(%arg7 : memref<80xi32, #tpu.memory_space<vmem>>) target_semaphore(%run_scoped3A : memref<!tpu.dma_semaphore, #tpu.memory_space<semaphore_mem>>)
      %dma_wait3A_43 = tpu.memref_slice %arg3[%add3A_25] : memref<320000xi32, #tpu.memory_space<hbm>> -> memref<80xi32, #tpu.memory_space<hbm>>
      %dma_wait3A_44 = tpu.memref_slice %arg3[%add3A_25] : memref<320000xi32, #tpu.memory_space<hbm>> -> memref<80xi32, #tpu.memory_space<hbm>>
      tpu.wait_dma2 semaphore(%run_scoped3A : memref<!tpu.dma_semaphore, #tpu.memory_space<semaphore_mem>>) src(%dma_wait3A_44 : memref<80xi32, #tpu.memory_space<hbm>>) dst(%arg7 : memref<80xi32, #tpu.memory_space<vmem>>)
      tpu.yield
    }) : () -> ()
    "tpu.region"() ({
      %run_scoped3A = tpu.sem_alloc : memref<!tpu.dma_semaphore, #tpu.memory_space<semaphore_mem>>
      %dma_start3A_41 = tpu.memref_slice %arg4[%add3A_25] : memref<320000xi32, #tpu.memory_space<hbm>> -> memref<80xi32, #tpu.memory_space<hbm>>
      %dma_start3A_42 = tpu.memref_slice %arg4[%add3A_25] : memref<320000xi32, #tpu.memory_space<hbm>> -> memref<80xi32, #tpu.memory_space<hbm>>
      tpu.enqueue_dma source(%dma_start3A_42 : memref<80xi32, #tpu.memory_space<hbm>>) target(%arg11 : memref<80xi32, #tpu.memory_space<vmem>>) target_semaphore(%run_scoped3A : memref<!tpu.dma_semaphore, #tpu.memory_space<semaphore_mem>>)
      %dma_wait3A_43 = tpu.memref_slice %arg4[%add3A_25] : memref<320000xi32, #tpu.memory_space<hbm>> -> memref<80xi32, #tpu.memory_space<hbm>>
      %dma_wait3A_44 = tpu.memref_slice %arg4[%add3A_25] : memref<320000xi32, #tpu.memory_space<hbm>> -> memref<80xi32, #tpu.memory_space<hbm>>
      tpu.wait_dma2 semaphore(%run_scoped3A : memref<!tpu.dma_semaphore, #tpu.memory_space<semaphore_mem>>) src(%dma_wait3A_44 : memref<80xi32, #tpu.memory_space<hbm>>) dst(%arg11 : memref<80xi32, #tpu.memory_space<vmem>>)
      tpu.yield
    }) : () -> ()
    %dma_start3A = arith.constant 0 : i32
    %dma_start3A_26 = arith.constant 0 : i32
    %dma_start3A_27 = tpu.memref_slice %arg2[%dma_start3A, %dma_start3A_26] : memref<10000x128xf32, #tpu.memory_space<hbm>> -> memref<10000x128xf32, #tpu.memory_space<hbm>>
    tpu.enqueue_indirect_dma source(%dma_start3A_27 : memref<10000x128xf32, #tpu.memory_space<hbm>>) target(%arg15 : memref<80x128xf32, #tpu.memory_space<vmem>>) offsets(%arg7 : memref<80xi32, #tpu.memory_space<vmem>>) semaphore(%arg19 : memref<!tpu.dma_semaphore, #tpu.memory_space<semaphore_mem>>)
    %dma_wait3A_28 = arith.constant 0 : i32
    %dma_wait3A_29 = arith.constant 0 : i32
    %dma_wait3A_30 = tpu.memref_slice %arg2[%dma_wait3A_28, %dma_wait3A_29] : memref<10000x128xf32, #tpu.memory_space<hbm>> -> memref<10000x128xf32, #tpu.memory_space<hbm>>
    tpu.wait_indirect_dma semaphore(%arg19 : memref<!tpu.dma_semaphore, #tpu.memory_space<semaphore_mem>>) src(%dma_wait3A_30 : memref<10000x128xf32, #tpu.memory_space<hbm>>) dst(%arg15 : memref<80x128xf32, #tpu.memory_space<vmem>>)
    "tpu.region"() ({
      %run_scoped3A = tpu.sem_alloc : memref<!tpu.dma_semaphore, #tpu.memory_space<semaphore_mem>>
      %dma_start3A_41 = arith.constant 0 : i32
      %dma_start3A_42 = arith.constant 0 : i32
      %dma_start3A_43 = tpu.memref_slice %arg35[%dma_start3A_41, %dma_start3A_42] : memref<10000x128xf32, #tpu.memory_space<vmem_shared>> -> memref<10000x128xf32, #tpu.memory_space<vmem_shared>>
      tpu.enqueue_indirect_dma source(%arg15 : memref<80x128xf32, #tpu.memory_space<vmem>>) target(%dma_start3A_43 : memref<10000x128xf32, #tpu.memory_space<vmem_shared>>) offsets(%arg11 : memref<80xi32, #tpu.memory_space<vmem>>) semaphore(%run_scoped3A : memref<!tpu.dma_semaphore, #tpu.memory_space<semaphore_mem>>) {add = true}
      %dma_wait3A_44 = arith.constant 0 : i32
      %dma_wait3A_45 = arith.constant 0 : i32
      %dma_wait3A_46 = tpu.memref_slice %arg35[%dma_wait3A_44, %dma_wait3A_45] : memref<10000x128xf32, #tpu.memory_space<vmem_shared>> -> memref<10000x128xf32, #tpu.memory_space<vmem_shared>>
      tpu.wait_indirect_dma semaphore(%run_scoped3A : memref<!tpu.dma_semaphore, #tpu.memory_space<semaphore_mem>>) src(%arg15 : memref<80x128xf32, #tpu.memory_space<vmem>>) dst(%dma_wait3A_46 : memref<10000x128xf32, #tpu.memory_space<vmem_shared>>)
      tpu.yield
    }) : () -> ()
    %barrier3A_31 = arith.constant 0 : index
    tpu.barrier barrier_id(%barrier3A_31)
    %mul3A_32 = arith.constant 624 : i32
    %mul3A_33 = arith.muli %arg1, %mul3A_32 : i32
    %mul3A_34 = arith.constant 624 : i32
    %mul3A_35 = arith.muli %arg1, %mul3A_34 : i32
    "tpu.region"() ({
      %run_scoped3A = tpu.sem_alloc : memref<!tpu.dma_semaphore, #tpu.memory_space<semaphore_mem>>
      %dma_start3A_41 = arith.constant 0 : i32
      %dma_start3A_42 = tpu.memref_slice %arg6[%arg0, %mul3A_35, %dma_start3A_41] : memref<2x10000x128xf32, #tpu.memory_space<hbm>> -> memref<1x624x128xf32, #tpu.memory_space<hbm>>
      %dma_start3A_43 = tpu.memref_squeeze %dma_start3A_42 : memref<1x624x128xf32, #tpu.memory_space<hbm>> -> memref<624x128xf32, #tpu.memory_space<hbm>>
      %dma_start3A_44 = arith.constant 0 : i32
      %dma_start3A_45 = tpu.memref_slice %arg35[%mul3A_33, %dma_start3A_44] : memref<10000x128xf32, #tpu.memory_space<vmem_shared>> -> memref<624x128xf32, #tpu.memory_space<vmem_shared>>
      tpu.enqueue_dma source(%dma_start3A_45 : memref<624x128xf32, #tpu.memory_space<vmem_shared>>) target(%dma_start3A_43 : memref<624x128xf32, #tpu.memory_space<hbm>>) target_semaphore(%run_scoped3A : memref<!tpu.dma_semaphore, #tpu.memory_space<semaphore_mem>>)
      %dma_wait3A_46 = arith.constant 0 : i32
      %dma_wait3A_47 = tpu.memref_slice %arg6[%arg0, %mul3A_35, %dma_wait3A_46] : memref<2x10000x128xf32, #tpu.memory_space<hbm>> -> memref<1x624x128xf32, #tpu.memory_space<hbm>>
      %dma_wait3A_48 = tpu.memref_squeeze %dma_wait3A_47 : memref<1x624x128xf32, #tpu.memory_space<hbm>> -> memref<624x128xf32, #tpu.memory_space<hbm>>
      %dma_wait3A_49 = arith.constant 0 : i32
      %dma_wait3A_50 = tpu.memref_slice %arg35[%mul3A_33, %dma_wait3A_49] : memref<10000x128xf32, #tpu.memory_space<vmem_shared>> -> memref<624x128xf32, #tpu.memory_space<vmem_shared>>
      tpu.wait_dma2 semaphore(%run_scoped3A : memref<!tpu.dma_semaphore, #tpu.memory_space<semaphore_mem>>) src(%dma_wait3A_50 : memref<624x128xf32, #tpu.memory_space<vmem_shared>>) dst(%dma_wait3A_48 : memref<624x128xf32, #tpu.memory_space<hbm>>)
      tpu.yield
    }) : () -> ()
    %eq3A_36 = arith.constant 15 : i32
    %eq3A_37 = arith.cmpi eq, %arg1, %eq3A_36 : i32
    %convert_element_type3A_38 = arith.extui %eq3A_37 : i1 to i32
    %cond3A_39 = arith.constant 0 : i32
    %cond3A_40 = arith.cmpi ne, %convert_element_type3A_38, %cond3A_39 : i32
    scf.if %cond3A_40 {
      "tpu.region"() ({
        %run_scoped3A = tpu.sem_alloc : memref<!tpu.dma_semaphore, #tpu.memory_space<semaphore_mem>>
        %dma_start3A_41 = arith.constant 9984 : i32
        %dma_start3A_42 = arith.constant 0 : i32
        %dma_start3A_43 = tpu.memref_slice %arg6[%arg0, %dma_start3A_41, %dma_start3A_42] : memref<2x10000x128xf32, #tpu.memory_space<hbm>> -> memref<1x16x128xf32, #tpu.memory_space<hbm>>
        %dma_start3A_44 = tpu.memref_squeeze %dma_start3A_43 : memref<1x16x128xf32, #tpu.memory_space<hbm>> -> memref<16x128xf32, #tpu.memory_space<hbm>>
        %dma_start3A_45 = arith.constant 9984 : i32
        %dma_start3A_46 = arith.constant 0 : i32
        %dma_start3A_47 = tpu.memref_slice %arg35[%dma_start3A_45, %dma_start3A_46] : memref<10000x128xf32, #tpu.memory_space<vmem_shared>> -> memref<16x128xf32, #tpu.memory_space<vmem_shared>>
        tpu.enqueue_dma source(%dma_start3A_47 : memref<16x128xf32, #tpu.memory_space<vmem_shared>>) target(%dma_start3A_44 : memref<16x128xf32, #tpu.memory_space<hbm>>) target_semaphore(%run_scoped3A : memref<!tpu.dma_semaphore, #tpu.memory_space<semaphore_mem>>)
        %dma_wait3A_48 = arith.constant 9984 : i32
        %dma_wait3A_49 = arith.constant 0 : i32
        %dma_wait3A_50 = tpu.memref_slice %arg6[%arg0, %dma_wait3A_48, %dma_wait3A_49] : memref<2x10000x128xf32, #tpu.memory_space<hbm>> -> memref<1x16x128xf32, #tpu.memory_space<hbm>>
        %dma_wait3A_51 = tpu.memref_squeeze %dma_wait3A_50 : memref<1x16x128xf32, #tpu.memory_space<hbm>> -> memref<16x128xf32, #tpu.memory_space<hbm>>
        %dma_wait3A_52 = arith.constant 9984 : i32
        %dma_wait3A_53 = arith.constant 0 : i32
        %dma_wait3A_54 = tpu.memref_slice %arg35[%dma_wait3A_52, %dma_wait3A_53] : memref<10000x128xf32, #tpu.memory_space<vmem_shared>> -> memref<16x128xf32, #tpu.memory_space<vmem_shared>>
        tpu.wait_dma2 semaphore(%run_scoped3A : memref<!tpu.dma_semaphore, #tpu.memory_space<semaphore_mem>>) src(%dma_wait3A_54 : memref<16x128xf32, #tpu.memory_space<vmem_shared>>) dst(%dma_wait3A_51 : memref<16x128xf32, #tpu.memory_space<hbm>>)
        tpu.yield
      }) : () -> ()
    } else {
    }
    return
  }
}

#map = affine_map<(d0, d1) -> (0)>
#map1 = affine_map<(d0, d1) -> (0, 0, 0)>
module attributes {stable_mosaic.version = 14 : i64} {
  func.func @deg_kernel(%arg0: i32, %arg1: i32, %arg2: memref<320000xi32, #tpu.memory_space<hbm>>, %arg3: memref<2x1x10240xf32, #tpu.memory_space<hbm>>, %arg4: memref<10000xi32, #tpu.memory_space<vmem>>, %arg5: memref<10240xf32, #tpu.memory_space<vmem>>, %arg6: memref<16x640xf32, #tpu.memory_space<vmem>>, %arg7: memref<16x10240xf32, #tpu.memory_space<vmem_shared>>) attributes {dimension_semantics = [#tpu.dimension_semantics<core_parallel>, #tpu.dimension_semantics<subcore_parallel>], iteration_bounds = array<i64: 2, 16>, scalar_prefetch = 0 : i64, scratch_operands = 4 : i64, tpu.core_type = #tpu.core_type<sc_vector_subcore>, window_params = [{transform_indices = #map}, {transform_indices = #map1}]} {
    %mul3A = arith.constant 16 : i32
    %mul3A_0 = arith.muli %arg0, %mul3A : i32
    %add3A = arith.addi %mul3A_0, %arg1 : i32
    %broadcast_in_dim3A = arith.constant 0.000000e+00 : f32
    %broadcast_in_dim3A_1 = vector.broadcast %broadcast_in_dim3A : f32 to vector<16xf32>
    %broadcast_in_dim3A_2 = arith.constant 1.000000e+00 : f32
    %broadcast_in_dim3A_3 = vector.broadcast %broadcast_in_dim3A_2 : f32 to vector<16xf32>
    %scan3A = arith.constant 0 : i32
    %scan3A_4 = arith.constant 640 : i32
    %scan3A_5 = arith.addi %scan3A, %scan3A_4 : i32
    %scan3A_6 = arith.constant 1 : i32
    scf.for %scan3A_24 = %scan3A to %scan3A_5 step %scan3A_6  : i32 {
      %mul3A_25 = arith.constant 1 : i32
      %mul3A_26 = arith.muli %scan3A_24, %mul3A_25 : i32
      %add3A_27 = arith.constant 0 : i32
      %add3A_28 = arith.addi %add3A_27, %mul3A_26 : i32
      %mul3A_29 = arith.constant 16 : i32
      %mul3A_30 = arith.muli %add3A_28, %mul3A_29 : i32
      %swap3A = arith.index_cast %mul3A_30 : i32 to index
      %swap3A_31 = tpu.vector_load %arg5[%swap3A] {strides = array<i32>} : memref<10240xf32, #tpu.memory_space<vmem>>, vector<16xf32>,
      tpu.vector_store %arg5[%swap3A], %broadcast_in_dim3A_1 {strides = array<i32>} : memref<10240xf32, #tpu.memory_space<vmem>>, vector<16xf32>,
    }
    %scan3A_7 = arith.constant 640 : i32
    %mul3A_8 = arith.constant 10000 : i32
    %mul3A_9 = arith.muli %add3A, %mul3A_8 : i32
    "tpu.region"() ({
      %run_scoped3A_24 = tpu.sem_alloc : memref<!tpu.dma_semaphore, #tpu.memory_space<semaphore_mem>>
      %dma_start3A = tpu.memref_slice %arg2[%mul3A_9] : memref<320000xi32, #tpu.memory_space<hbm>> -> memref<10000xi32, #tpu.memory_space<hbm>>
      %dma_start3A_25 = tpu.memref_slice %arg2[%mul3A_9] : memref<320000xi32, #tpu.memory_space<hbm>> -> memref<10000xi32, #tpu.memory_space<hbm>>
      tpu.enqueue_dma source(%dma_start3A_25 : memref<10000xi32, #tpu.memory_space<hbm>>) target(%arg4 : memref<10000xi32, #tpu.memory_space<vmem>>) target_semaphore(%run_scoped3A_24 : memref<!tpu.dma_semaphore, #tpu.memory_space<semaphore_mem>>)
      %dma_wait3A = tpu.memref_slice %arg2[%mul3A_9] : memref<320000xi32, #tpu.memory_space<hbm>> -> memref<10000xi32, #tpu.memory_space<hbm>>
      %dma_wait3A_26 = tpu.memref_slice %arg2[%mul3A_9] : memref<320000xi32, #tpu.memory_space<hbm>> -> memref<10000xi32, #tpu.memory_space<hbm>>
      tpu.wait_dma2 semaphore(%run_scoped3A_24 : memref<!tpu.dma_semaphore, #tpu.memory_space<semaphore_mem>>) src(%dma_wait3A_26 : memref<10000xi32, #tpu.memory_space<hbm>>) dst(%arg4 : memref<10000xi32, #tpu.memory_space<vmem>>)
      tpu.yield
    }) : () -> ()
    %scan3A_10 = arith.constant 0 : i32
    %scan3A_11 = arith.constant 625 : i32
    %scan3A_12 = arith.addi %scan3A_10, %scan3A_11 : i32
    %scan3A_13 = arith.constant 1 : i32
    scf.for %scan3A_24 = %scan3A_10 to %scan3A_12 step %scan3A_13  : i32 {
      %mul3A_25 = arith.constant 1 : i32
      %mul3A_26 = arith.muli %scan3A_24, %mul3A_25 : i32
      %add3A_27 = arith.constant 0 : i32
      %add3A_28 = arith.addi %add3A_27, %mul3A_26 : i32
      %mul3A_29 = arith.constant 16 : i32
      %mul3A_30 = arith.muli %add3A_28, %mul3A_29 : i32
      %get3A = arith.index_cast %mul3A_30 : i32 to index
      %get3A_31 = tpu.vector_load %arg4[%get3A] {strides = array<i32>} : memref<10000xi32, #tpu.memory_space<vmem>>, vector<16xi32>,
      tpu.vector_store_idx %arg5[%get3A_31], %broadcast_in_dim3A_3 {add = true} : memref<10240xf32, #tpu.memory_space<vmem>>[vector<16xi32>], vector<16xf32>,
    }
    %scan3A_14 = arith.constant 625 : i32
    "tpu.region"() ({
      %run_scoped3A_24 = tpu.sem_alloc : memref<!tpu.dma_semaphore, #tpu.memory_space<semaphore_mem>>
      %dma_start3A = arith.constant 0 : i32
      %dma_start3A_25 = tpu.memref_slice %arg7[%arg1, %dma_start3A] : memref<16x10240xf32, #tpu.memory_space<vmem_shared>> -> memref<1x10240xf32, #tpu.memory_space<vmem_shared>>
      %dma_start3A_26 = tpu.memref_squeeze %dma_start3A_25 : memref<1x10240xf32, #tpu.memory_space<vmem_shared>> -> memref<10240xf32, #tpu.memory_space<vmem_shared>>
      %dma_start3A_27 = arith.constant 0 : i32
      %dma_start3A_28 = tpu.memref_slice %arg7[%arg1, %dma_start3A_27] : memref<16x10240xf32, #tpu.memory_space<vmem_shared>> -> memref<1x10240xf32, #tpu.memory_space<vmem_shared>>
      %dma_start3A_29 = tpu.memref_squeeze %dma_start3A_28 : memref<1x10240xf32, #tpu.memory_space<vmem_shared>> -> memref<10240xf32, #tpu.memory_space<vmem_shared>>
      tpu.enqueue_dma source(%arg5 : memref<10240xf32, #tpu.memory_space<vmem>>) target(%dma_start3A_29 : memref<10240xf32, #tpu.memory_space<vmem_shared>>) target_semaphore(%run_scoped3A_24 : memref<!tpu.dma_semaphore, #tpu.memory_space<semaphore_mem>>)
      %dma_wait3A = arith.constant 0 : i32
      %dma_wait3A_30 = tpu.memref_slice %arg7[%arg1, %dma_wait3A] : memref<16x10240xf32, #tpu.memory_space<vmem_shared>> -> memref<1x10240xf32, #tpu.memory_space<vmem_shared>>
      %dma_wait3A_31 = tpu.memref_squeeze %dma_wait3A_30 : memref<1x10240xf32, #tpu.memory_space<vmem_shared>> -> memref<10240xf32, #tpu.memory_space<vmem_shared>>
      %dma_wait3A_32 = arith.constant 0 : i32
      %dma_wait3A_33 = tpu.memref_slice %arg7[%arg1, %dma_wait3A_32] : memref<16x10240xf32, #tpu.memory_space<vmem_shared>> -> memref<1x10240xf32, #tpu.memory_space<vmem_shared>>
      %dma_wait3A_34 = tpu.memref_squeeze %dma_wait3A_33 : memref<1x10240xf32, #tpu.memory_space<vmem_shared>> -> memref<10240xf32, #tpu.memory_space<vmem_shared>>
      tpu.wait_dma2 semaphore(%run_scoped3A_24 : memref<!tpu.dma_semaphore, #tpu.memory_space<semaphore_mem>>) src(%arg5 : memref<10240xf32, #tpu.memory_space<vmem>>) dst(%dma_wait3A_34 : memref<10240xf32, #tpu.memory_space<vmem_shared>>)
      tpu.yield
    }) : () -> ()
    %barrier3A = arith.constant 0 : index
    tpu.barrier barrier_id(%barrier3A)
    %mul3A_15 = arith.constant 640 : i32
    %mul3A_16 = arith.muli %arg1, %mul3A_15 : i32
    "tpu.region"() ({
      %run_scoped3A_24 = tpu.sem_alloc : memref<!tpu.dma_semaphore, #tpu.memory_space<semaphore_mem>>
      %dma_start3A = arith.constant 0 : i32
      %dma_start3A_25 = tpu.memref_slice %arg7[%dma_start3A, %mul3A_16] : memref<16x10240xf32, #tpu.memory_space<vmem_shared>> -> memref<16x640xf32, #tpu.memory_space<vmem_shared>>
      %dma_start3A_26 = arith.constant 0 : i32
      %dma_start3A_27 = tpu.memref_slice %arg7[%dma_start3A_26, %mul3A_16] : memref<16x10240xf32, #tpu.memory_space<vmem_shared>> -> memref<16x640xf32, #tpu.memory_space<vmem_shared>>
      tpu.enqueue_dma source(%dma_start3A_27 : memref<16x640xf32, #tpu.memory_space<vmem_shared>>) target(%arg6 : memref<16x640xf32, #tpu.memory_space<vmem>>) target_semaphore(%run_scoped3A_24 : memref<!tpu.dma_semaphore, #tpu.memory_space<semaphore_mem>>)
      %dma_wait3A = arith.constant 0 : i32
      %dma_wait3A_28 = tpu.memref_slice %arg7[%dma_wait3A, %mul3A_16] : memref<16x10240xf32, #tpu.memory_space<vmem_shared>> -> memref<16x640xf32, #tpu.memory_space<vmem_shared>>
      %dma_wait3A_29 = arith.constant 0 : i32
      %dma_wait3A_30 = tpu.memref_slice %arg7[%dma_wait3A_29, %mul3A_16] : memref<16x10240xf32, #tpu.memory_space<vmem_shared>> -> memref<16x640xf32, #tpu.memory_space<vmem_shared>>
      tpu.wait_dma2 semaphore(%run_scoped3A_24 : memref<!tpu.dma_semaphore, #tpu.memory_space<semaphore_mem>>) src(%dma_wait3A_30 : memref<16x640xf32, #tpu.memory_space<vmem_shared>>) dst(%arg6 : memref<16x640xf32, #tpu.memory_space<vmem>>)
      tpu.yield
    }) : () -> ()
    %scan3A_17 = arith.constant 0 : i32
    %scan3A_18 = arith.constant 40 : i32
    %scan3A_19 = arith.addi %scan3A_17, %scan3A_18 : i32
    %scan3A_20 = arith.constant 1 : i32
    scf.for %scan3A_24 = %scan3A_17 to %scan3A_19 step %scan3A_20  : i32 {
      %mul3A_25 = arith.constant 1 : i32
      %mul3A_26 = arith.muli %scan3A_24, %mul3A_25 : i32
      %add3A_27 = arith.constant 0 : i32
      %add3A_28 = arith.addi %add3A_27, %mul3A_26 : i32
      %mul3A_29 = arith.constant 16 : i32
      %mul3A_30 = arith.muli %add3A_28, %mul3A_29 : i32
      %get3A = arith.constant 0 : i32
      %get3A_31 = arith.index_cast %get3A : i32 to index
      %get3A_32 = arith.index_cast %mul3A_30 : i32 to index
      %get3A_33 = tpu.vector_load %arg6[%get3A_31, %get3A_32] {strides = array<i32>} : memref<16x640xf32, #tpu.memory_space<vmem>>, vector<16xf32>,
      %mul3A_34 = arith.constant 16 : i32
      %mul3A_35 = arith.muli %add3A_28, %mul3A_34 : i32
      %get3A_36 = arith.constant 1 : i32
      %get3A_37 = arith.index_cast %get3A_36 : i32 to index
      %get3A_38 = arith.index_cast %mul3A_35 : i32 to index
      %get3A_39 = tpu.vector_load %arg6[%get3A_37, %get3A_38] {strides = array<i32>} : memref<16x640xf32, #tpu.memory_space<vmem>>, vector<16xf32>,
      %add3A_40 = arith.addf %get3A_33, %get3A_39 : vector<16xf32>
      %mul3A_41 = arith.constant 16 : i32
      %mul3A_42 = arith.muli %add3A_28, %mul3A_41 : i32
      %get3A_43 = arith.constant 2 : i32
      %get3A_44 = arith.index_cast %get3A_43 : i32 to index
      %get3A_45 = arith.index_cast %mul3A_42 : i32 to index
      %get3A_46 = tpu.vector_load %arg6[%get3A_44, %get3A_45] {strides = array<i32>} : memref<16x640xf32, #tpu.memory_space<vmem>>, vector<16xf32>,
      %add3A_47 = arith.addf %add3A_40, %get3A_46 : vector<16xf32>
      %mul3A_48 = arith.constant 16 : i32
      %mul3A_49 = arith.muli %add3A_28, %mul3A_48 : i32
      %get3A_50 = arith.constant 3 : i32
      %get3A_51 = arith.index_cast %get3A_50 : i32 to index
      %get3A_52 = arith.index_cast %mul3A_49 : i32 to index
      %get3A_53 = tpu.vector_load %arg6[%get3A_51, %get3A_52] {strides = array<i32>} : memref<16x640xf32, #tpu.memory_space<vmem>>, vector<16xf32>,
      %add3A_54 = arith.addf %add3A_47, %get3A_53 : vector<16xf32>
      %mul3A_55 = arith.constant 16 : i32
      %mul3A_56 = arith.muli %add3A_28, %mul3A_55 : i32
      %get3A_57 = arith.constant 4 : i32
      %get3A_58 = arith.index_cast %get3A_57 : i32 to index
      %get3A_59 = arith.index_cast %mul3A_56 : i32 to index
      %get3A_60 = tpu.vector_load %arg6[%get3A_58, %get3A_59] {strides = array<i32>} : memref<16x640xf32, #tpu.memory_space<vmem>>, vector<16xf32>,
      %add3A_61 = arith.addf %add3A_54, %get3A_60 : vector<16xf32>
      %mul3A_62 = arith.constant 16 : i32
      %mul3A_63 = arith.muli %add3A_28, %mul3A_62 : i32
      %get3A_64 = arith.constant 5 : i32
      %get3A_65 = arith.index_cast %get3A_64 : i32 to index
      %get3A_66 = arith.index_cast %mul3A_63 : i32 to index
      %get3A_67 = tpu.vector_load %arg6[%get3A_65, %get3A_66] {strides = array<i32>} : memref<16x640xf32, #tpu.memory_space<vmem>>, vector<16xf32>,
      %add3A_68 = arith.addf %add3A_61, %get3A_67 : vector<16xf32>
      %mul3A_69 = arith.constant 16 : i32
      %mul3A_70 = arith.muli %add3A_28, %mul3A_69 : i32
      %get3A_71 = arith.constant 6 : i32
      %get3A_72 = arith.index_cast %get3A_71 : i32 to index
      %get3A_73 = arith.index_cast %mul3A_70 : i32 to index
      %get3A_74 = tpu.vector_load %arg6[%get3A_72, %get3A_73] {strides = array<i32>} : memref<16x640xf32, #tpu.memory_space<vmem>>, vector<16xf32>,
      %add3A_75 = arith.addf %add3A_68, %get3A_74 : vector<16xf32>
      %mul3A_76 = arith.constant 16 : i32
      %mul3A_77 = arith.muli %add3A_28, %mul3A_76 : i32
      %get3A_78 = arith.constant 7 : i32
      %get3A_79 = arith.index_cast %get3A_78 : i32 to index
      %get3A_80 = arith.index_cast %mul3A_77 : i32 to index
      %get3A_81 = tpu.vector_load %arg6[%get3A_79, %get3A_80] {strides = array<i32>} : memref<16x640xf32, #tpu.memory_space<vmem>>, vector<16xf32>,
      %add3A_82 = arith.addf %add3A_75, %get3A_81 : vector<16xf32>
      %mul3A_83 = arith.constant 16 : i32
      %mul3A_84 = arith.muli %add3A_28, %mul3A_83 : i32
      %get3A_85 = arith.constant 8 : i32
      %get3A_86 = arith.index_cast %get3A_85 : i32 to index
      %get3A_87 = arith.index_cast %mul3A_84 : i32 to index
      %get3A_88 = tpu.vector_load %arg6[%get3A_86, %get3A_87] {strides = array<i32>} : memref<16x640xf32, #tpu.memory_space<vmem>>, vector<16xf32>,
      %add3A_89 = arith.addf %add3A_82, %get3A_88 : vector<16xf32>
      %mul3A_90 = arith.constant 16 : i32
      %mul3A_91 = arith.muli %add3A_28, %mul3A_90 : i32
      %get3A_92 = arith.constant 9 : i32
      %get3A_93 = arith.index_cast %get3A_92 : i32 to index
      %get3A_94 = arith.index_cast %mul3A_91 : i32 to index
      %get3A_95 = tpu.vector_load %arg6[%get3A_93, %get3A_94] {strides = array<i32>} : memref<16x640xf32, #tpu.memory_space<vmem>>, vector<16xf32>,
      %add3A_96 = arith.addf %add3A_89, %get3A_95 : vector<16xf32>
      %mul3A_97 = arith.constant 16 : i32
      %mul3A_98 = arith.muli %add3A_28, %mul3A_97 : i32
      %get3A_99 = arith.constant 10 : i32
      %get3A_100 = arith.index_cast %get3A_99 : i32 to index
      %get3A_101 = arith.index_cast %mul3A_98 : i32 to index
      %get3A_102 = tpu.vector_load %arg6[%get3A_100, %get3A_101] {strides = array<i32>} : memref<16x640xf32, #tpu.memory_space<vmem>>, vector<16xf32>,
      %add3A_103 = arith.addf %add3A_96, %get3A_102 : vector<16xf32>
      %mul3A_104 = arith.constant 16 : i32
      %mul3A_105 = arith.muli %add3A_28, %mul3A_104 : i32
      %get3A_106 = arith.constant 11 : i32
      %get3A_107 = arith.index_cast %get3A_106 : i32 to index
      %get3A_108 = arith.index_cast %mul3A_105 : i32 to index
      %get3A_109 = tpu.vector_load %arg6[%get3A_107, %get3A_108] {strides = array<i32>} : memref<16x640xf32, #tpu.memory_space<vmem>>, vector<16xf32>,
      %add3A_110 = arith.addf %add3A_103, %get3A_109 : vector<16xf32>
      %mul3A_111 = arith.constant 16 : i32
      %mul3A_112 = arith.muli %add3A_28, %mul3A_111 : i32
      %get3A_113 = arith.constant 12 : i32
      %get3A_114 = arith.index_cast %get3A_113 : i32 to index
      %get3A_115 = arith.index_cast %mul3A_112 : i32 to index
      %get3A_116 = tpu.vector_load %arg6[%get3A_114, %get3A_115] {strides = array<i32>} : memref<16x640xf32, #tpu.memory_space<vmem>>, vector<16xf32>,
      %add3A_117 = arith.addf %add3A_110, %get3A_116 : vector<16xf32>
      %mul3A_118 = arith.constant 16 : i32
      %mul3A_119 = arith.muli %add3A_28, %mul3A_118 : i32
      %get3A_120 = arith.constant 13 : i32
      %get3A_121 = arith.index_cast %get3A_120 : i32 to index
      %get3A_122 = arith.index_cast %mul3A_119 : i32 to index
      %get3A_123 = tpu.vector_load %arg6[%get3A_121, %get3A_122] {strides = array<i32>} : memref<16x640xf32, #tpu.memory_space<vmem>>, vector<16xf32>,
      %add3A_124 = arith.addf %add3A_117, %get3A_123 : vector<16xf32>
      %mul3A_125 = arith.constant 16 : i32
      %mul3A_126 = arith.muli %add3A_28, %mul3A_125 : i32
      %get3A_127 = arith.constant 14 : i32
      %get3A_128 = arith.index_cast %get3A_127 : i32 to index
      %get3A_129 = arith.index_cast %mul3A_126 : i32 to index
      %get3A_130 = tpu.vector_load %arg6[%get3A_128, %get3A_129] {strides = array<i32>} : memref<16x640xf32, #tpu.memory_space<vmem>>, vector<16xf32>,
      %add3A_131 = arith.addf %add3A_124, %get3A_130 : vector<16xf32>
      %mul3A_132 = arith.constant 16 : i32
      %mul3A_133 = arith.muli %add3A_28, %mul3A_132 : i32
      %get3A_134 = arith.constant 15 : i32
      %get3A_135 = arith.index_cast %get3A_134 : i32 to index
      %get3A_136 = arith.index_cast %mul3A_133 : i32 to index
      %get3A_137 = tpu.vector_load %arg6[%get3A_135, %get3A_136] {strides = array<i32>} : memref<16x640xf32, #tpu.memory_space<vmem>>, vector<16xf32>,
      %add3A_138 = arith.addf %add3A_131, %get3A_137 : vector<16xf32>
      %mul3A_139 = arith.constant 16 : i32
      %mul3A_140 = arith.muli %add3A_28, %mul3A_139 : i32
      %swap3A = arith.index_cast %mul3A_140 : i32 to index
      %swap3A_141 = tpu.vector_load %arg5[%swap3A] {strides = array<i32>} : memref<10240xf32, #tpu.memory_space<vmem>>, vector<16xf32>,
      tpu.vector_store %arg5[%swap3A], %add3A_138 {strides = array<i32>} : memref<10240xf32, #tpu.memory_space<vmem>>, vector<16xf32>,
    }
    %scan3A_21 = arith.constant 40 : i32
    %mul3A_22 = arith.constant 640 : i32
    %mul3A_23 = arith.muli %arg1, %mul3A_22 : i32
    %run_scoped3A = arith.constant 0 : i32
    "tpu.region"() ({
      %run_scoped3A_24 = tpu.sem_alloc : memref<!tpu.dma_semaphore, #tpu.memory_space<semaphore_mem>>
      %dma_start3A = arith.constant 0 : i32
      %dma_start3A_25 = tpu.memref_slice %arg5[%dma_start3A] : memref<10240xf32, #tpu.memory_space<vmem>> -> memref<640xf32, #tpu.memory_space<vmem>>
      %dma_start3A_26 = tpu.memref_slice %arg3[%arg0, %run_scoped3A, %mul3A_23] : memref<2x1x10240xf32, #tpu.memory_space<hbm>> -> memref<1x1x640xf32, #tpu.memory_space<hbm>>
      %dma_start3A_27 = tpu.memref_squeeze %dma_start3A_26 : memref<1x1x640xf32, #tpu.memory_space<hbm>> -> memref<640xf32, #tpu.memory_space<hbm>>
      %dma_start3A_28 = tpu.memref_slice %arg3[%arg0, %run_scoped3A, %mul3A_23] : memref<2x1x10240xf32, #tpu.memory_space<hbm>> -> memref<1x1x640xf32, #tpu.memory_space<hbm>>
      %dma_start3A_29 = tpu.memref_squeeze %dma_start3A_28 : memref<1x1x640xf32, #tpu.memory_space<hbm>> -> memref<640xf32, #tpu.memory_space<hbm>>
      %dma_start3A_30 = arith.constant 0 : i32
      %dma_start3A_31 = tpu.memref_slice %arg5[%dma_start3A_30] : memref<10240xf32, #tpu.memory_space<vmem>> -> memref<640xf32, #tpu.memory_space<vmem>>
      tpu.enqueue_dma source(%dma_start3A_31 : memref<640xf32, #tpu.memory_space<vmem>>) target(%dma_start3A_29 : memref<640xf32, #tpu.memory_space<hbm>>) target_semaphore(%run_scoped3A_24 : memref<!tpu.dma_semaphore, #tpu.memory_space<semaphore_mem>>)
      %dma_wait3A = arith.constant 0 : i32
      %dma_wait3A_32 = tpu.memref_slice %arg5[%dma_wait3A] : memref<10240xf32, #tpu.memory_space<vmem>> -> memref<640xf32, #tpu.memory_space<vmem>>
      %dma_wait3A_33 = tpu.memref_slice %arg3[%arg0, %run_scoped3A, %mul3A_23] : memref<2x1x10240xf32, #tpu.memory_space<hbm>> -> memref<1x1x640xf32, #tpu.memory_space<hbm>>
      %dma_wait3A_34 = tpu.memref_squeeze %dma_wait3A_33 : memref<1x1x640xf32, #tpu.memory_space<hbm>> -> memref<640xf32, #tpu.memory_space<hbm>>
      %dma_wait3A_35 = tpu.memref_slice %arg3[%arg0, %run_scoped3A, %mul3A_23] : memref<2x1x10240xf32, #tpu.memory_space<hbm>> -> memref<1x1x640xf32, #tpu.memory_space<hbm>>
      %dma_wait3A_36 = tpu.memref_squeeze %dma_wait3A_35 : memref<1x1x640xf32, #tpu.memory_space<hbm>> -> memref<640xf32, #tpu.memory_space<hbm>>
      %dma_wait3A_37 = arith.constant 0 : i32
      %dma_wait3A_38 = tpu.memref_slice %arg5[%dma_wait3A_37] : memref<10240xf32, #tpu.memory_space<vmem>> -> memref<640xf32, #tpu.memory_space<vmem>>
      tpu.wait_dma2 semaphore(%run_scoped3A_24 : memref<!tpu.dma_semaphore, #tpu.memory_space<semaphore_mem>>) src(%dma_wait3A_38 : memref<640xf32, #tpu.memory_space<vmem>>) dst(%dma_wait3A_36 : memref<640xf32, #tpu.memory_space<hbm>>)
      tpu.yield
    }) : () -> ()
    return
  }
}

#map = affine_map<(d0, d1) -> (0, 0)>
#map1 = affine_map<(d0, d1) -> (0)>
#map2 = affine_map<(d0, d1) -> (0, 0, 0)>
module attributes {stable_mosaic.version = 14 : i64} {
  func.func @agg_kernel(%arg0: i32, %arg1: i32, %arg2: memref<10000x128xf32, #tpu.memory_space<hbm>>, %arg3: memref<320000xi32, #tpu.memory_space<hbm>>, %arg4: memref<320000xi32, #tpu.memory_space<hbm>>, %arg5: memref<10000x128xf32, #tpu.memory_space<hbm>>, %arg6: memref<2x10000x128xf32, #tpu.memory_space<hbm>>, %arg7: memref<80xi32, #tpu.memory_space<vmem>>, %arg8: memref<80xi32, #tpu.memory_space<vmem>>, %arg9: memref<80xi32, #tpu.memory_space<vmem>>, %arg10: memref<80xi32, #tpu.memory_space<vmem>>, %arg11: memref<80xi32, #tpu.memory_space<vmem>>, %arg12: memref<80xi32, #tpu.memory_space<vmem>>, %arg13: memref<80xi32, #tpu.memory_space<vmem>>, %arg14: memref<80xi32, #tpu.memory_space<vmem>>, %arg15: memref<80x128xf32, #tpu.memory_space<vmem>>, %arg16: memref<80x128xf32, #tpu.memory_space<vmem>>, %arg17: memref<80x128xf32, #tpu.memory_space<vmem>>, %arg18: memref<80x128xf32, #tpu.memory_space<vmem>>, %arg19: memref<!tpu.dma_semaphore, #tpu.memory_space<semaphore_mem>>, %arg20: memref<!tpu.dma_semaphore, #tpu.memory_space<semaphore_mem>>, %arg21: memref<!tpu.dma_semaphore, #tpu.memory_space<semaphore_mem>>, %arg22: memref<!tpu.dma_semaphore, #tpu.memory_space<semaphore_mem>>, %arg23: memref<!tpu.dma_semaphore, #tpu.memory_space<semaphore_mem>>, %arg24: memref<!tpu.dma_semaphore, #tpu.memory_space<semaphore_mem>>, %arg25: memref<!tpu.dma_semaphore, #tpu.memory_space<semaphore_mem>>, %arg26: memref<!tpu.dma_semaphore, #tpu.memory_space<semaphore_mem>>, %arg27: memref<!tpu.dma_semaphore, #tpu.memory_space<semaphore_mem>>, %arg28: memref<!tpu.dma_semaphore, #tpu.memory_space<semaphore_mem>>, %arg29: memref<!tpu.dma_semaphore, #tpu.memory_space<semaphore_mem>>, %arg30: memref<!tpu.dma_semaphore, #tpu.memory_space<semaphore_mem>>, %arg31: memref<!tpu.dma_semaphore, #tpu.memory_space<semaphore_mem>>, %arg32: memref<!tpu.dma_semaphore, #tpu.memory_space<semaphore_mem>>, %arg33: memref<!tpu.dma_semaphore, #tpu.memory_space<semaphore_mem>>, %arg34: memref<!tpu.dma_semaphore, #tpu.memory_space<semaphore_mem>>, %arg35: memref<10000x128xf32, #tpu.memory_space<vmem_shared>>) attributes {dimension_semantics = [#tpu.dimension_semantics<core_parallel>, #tpu.dimension_semantics<subcore_parallel>], iteration_bounds = array<i64: 2, 16>, scalar_prefetch = 0 : i64, scratch_operands = 29 : i64, tpu.core_type = #tpu.core_type<sc_vector_subcore>, window_params = [{transform_indices = #map}, {transform_indices = #map1}, {transform_indices = #map1}, {transform_indices = #map}, {transform_indices = #map2}]} {
    %mul3A = arith.constant 16 : i32
    %mul3A_0 = arith.muli %arg0, %mul3A : i32
    %add3A = arith.addi %mul3A_0, %arg1 : i32
    %mul3A_1 = arith.constant 624 : i32
    %mul3A_2 = arith.muli %arg1, %mul3A_1 : i32
    %mul3A_3 = arith.constant 624 : i32
    %mul3A_4 = arith.muli %arg1, %mul3A_3 : i32
    "tpu.region"() ({
      %run_scoped3A = tpu.sem_alloc : memref<!tpu.dma_semaphore, #tpu.memory_space<semaphore_mem>>
      %dma_start3A_41 = arith.constant 0 : i32
      %dma_start3A_42 = tpu.memref_slice %arg35[%mul3A_4, %dma_start3A_41] : memref<10000x128xf32, #tpu.memory_space<vmem_shared>> -> memref<624x128xf32, #tpu.memory_space<vmem_shared>>
      %dma_start3A_43 = arith.constant 0 : i32
      %dma_start3A_44 = tpu.memref_slice %arg5[%mul3A_2, %dma_start3A_43] : memref<10000x128xf32, #tpu.memory_space<hbm>> -> memref<624x128xf32, #tpu.memory_space<hbm>>
      tpu.enqueue_dma source(%dma_start3A_44 : memref<624x128xf32, #tpu.memory_space<hbm>>) target(%dma_start3A_42 : memref<624x128xf32, #tpu.memory_space<vmem_shared>>) target_semaphore(%run_scoped3A : memref<!tpu.dma_semaphore, #tpu.memory_space<semaphore_mem>>)
      %dma_wait3A_45 = arith.constant 0 : i32
      %dma_wait3A_46 = tpu.memref_slice %arg35[%mul3A_4, %dma_wait3A_45] : memref<10000x128xf32, #tpu.memory_space<vmem_shared>> -> memref<624x128xf32, #tpu.memory_space<vmem_shared>>
      %dma_wait3A_47 = arith.constant 0 : i32
      %dma_wait3A_48 = tpu.memref_slice %arg5[%mul3A_2, %dma_wait3A_47] : memref<10000x128xf32, #tpu.memory_space<hbm>> -> memref<624x128xf32, #tpu.memory_space<hbm>>
      tpu.wait_dma2 semaphore(%run_scoped3A : memref<!tpu.dma_semaphore, #tpu.memory_space<semaphore_mem>>) src(%dma_wait3A_48 : memref<624x128xf32, #tpu.memory_space<hbm>>) dst(%dma_wait3A_46 : memref<624x128xf32, #tpu.memory_space<vmem_shared>>)
      tpu.yield
    }) : () -> ()
    %eq3A = arith.constant 15 : i32
    %eq3A_5 = arith.cmpi eq, %arg1, %eq3A : i32
    %convert_element_type3A = arith.extui %eq3A_5 : i1 to i32
    %cond3A = arith.constant 0 : i32
    %cond3A_6 = arith.cmpi ne, %convert_element_type3A, %cond3A : i32
    scf.if %cond3A_6 {
      "tpu.region"() ({
        %run_scoped3A = tpu.sem_alloc : memref<!tpu.dma_semaphore, #tpu.memory_space<semaphore_mem>>
        %dma_start3A_41 = arith.constant 9984 : i32
        %dma_start3A_42 = arith.constant 0 : i32
        %dma_start3A_43 = tpu.memref_slice %arg35[%dma_start3A_41, %dma_start3A_42] : memref<10000x128xf32, #tpu.memory_space<vmem_shared>> -> memref<16x128xf32, #tpu.memory_space<vmem_shared>>
        %dma_start3A_44 = arith.constant 9984 : i32
        %dma_start3A_45 = arith.constant 0 : i32
        %dma_start3A_46 = tpu.memref_slice %arg5[%dma_start3A_44, %dma_start3A_45] : memref<10000x128xf32, #tpu.memory_space<hbm>> -> memref<16x128xf32, #tpu.memory_space<hbm>>
        tpu.enqueue_dma source(%dma_start3A_46 : memref<16x128xf32, #tpu.memory_space<hbm>>) target(%dma_start3A_43 : memref<16x128xf32, #tpu.memory_space<vmem_shared>>) target_semaphore(%run_scoped3A : memref<!tpu.dma_semaphore, #tpu.memory_space<semaphore_mem>>)
        %dma_wait3A_47 = arith.constant 9984 : i32
        %dma_wait3A_48 = arith.constant 0 : i32
        %dma_wait3A_49 = tpu.memref_slice %arg35[%dma_wait3A_47, %dma_wait3A_48] : memref<10000x128xf32, #tpu.memory_space<vmem_shared>> -> memref<16x128xf32, #tpu.memory_space<vmem_shared>>
        %dma_wait3A_50 = arith.constant 9984 : i32
        %dma_wait3A_51 = arith.constant 0 : i32
        %dma_wait3A_52 = tpu.memref_slice %arg5[%dma_wait3A_50, %dma_wait3A_51] : memref<10000x128xf32, #tpu.memory_space<hbm>> -> memref<16x128xf32, #tpu.memory_space<hbm>>
        tpu.wait_dma2 semaphore(%run_scoped3A : memref<!tpu.dma_semaphore, #tpu.memory_space<semaphore_mem>>) src(%dma_wait3A_52 : memref<16x128xf32, #tpu.memory_space<hbm>>) dst(%dma_wait3A_49 : memref<16x128xf32, #tpu.memory_space<vmem_shared>>)
        tpu.yield
      }) : () -> ()
    } else {
    }
    %barrier3A = arith.constant 0 : index
    tpu.barrier barrier_id(%barrier3A)
    %scan3A = arith.constant 0 : i32
    %scan3A_7 = arith.constant 31 : i32
    %scan3A_8 = arith.addi %scan3A, %scan3A_7 : i32
    %scan3A_9 = arith.constant 1 : i32
    scf.for %scan3A_41 = %scan3A to %scan3A_8 step %scan3A_9  : i32 {
      %mul3A_42 = arith.constant 4 : i32
      %mul3A_43 = arith.muli %scan3A_41, %mul3A_42 : i32
      %add3A_44 = arith.constant 0 : i32
      %add3A_45 = arith.addi %add3A_44, %mul3A_43 : i32
      %gt3A = arith.constant 0 : i32
      %gt3A_46 = arith.cmpi sgt, %add3A_45, %gt3A : i32
      %convert_element_type3A_47 = arith.extui %gt3A_46 : i1 to i32
      %cond3A_48 = arith.constant 0 : i32
      %cond3A_49 = arith.cmpi ne, %convert_element_type3A_47, %cond3A_48 : i32
      scf.if %cond3A_49 {
        %dma_wait3A_146 = arith.constant 0 : i32
        %dma_wait3A_147 = arith.constant 0 : i32
        %dma_wait3A_148 = tpu.memref_slice %arg35[%dma_wait3A_146, %dma_wait3A_147] : memref<10000x128xf32, #tpu.memory_space<vmem_shared>> -> memref<10000x128xf32, #tpu.memory_space<vmem_shared>>
        tpu.wait_indirect_dma semaphore(%arg23 : memref<!tpu.dma_semaphore, #tpu.memory_space<semaphore_mem>>) src(%arg15 : memref<80x128xf32, #tpu.memory_space<vmem>>) dst(%dma_wait3A_148 : memref<10000x128xf32, #tpu.memory_space<vmem_shared>>)
        %dma_wait3A_149 = arith.constant 0 : i32
        %dma_wait3A_150 = arith.constant 0 : i32
        %dma_wait3A_151 = tpu.memref_slice %arg35[%dma_wait3A_149, %dma_wait3A_150] : memref<10000x128xf32, #tpu.memory_space<vmem_shared>> -> memref<10000x128xf32, #tpu.memory_space<vmem_shared>>
        tpu.wait_indirect_dma semaphore(%arg24 : memref<!tpu.dma_semaphore, #tpu.memory_space<semaphore_mem>>) src(%arg16 : memref<80x128xf32, #tpu.memory_space<vmem>>) dst(%dma_wait3A_151 : memref<10000x128xf32, #tpu.memory_space<vmem_shared>>)
        %dma_wait3A_152 = arith.constant 0 : i32
        %dma_wait3A_153 = arith.constant 0 : i32
        %dma_wait3A_154 = tpu.memref_slice %arg35[%dma_wait3A_152, %dma_wait3A_153] : memref<10000x128xf32, #tpu.memory_space<vmem_shared>> -> memref<10000x128xf32, #tpu.memory_space<vmem_shared>>
        tpu.wait_indirect_dma semaphore(%arg25 : memref<!tpu.dma_semaphore, #tpu.memory_space<semaphore_mem>>) src(%arg17 : memref<80x128xf32, #tpu.memory_space<vmem>>) dst(%dma_wait3A_154 : memref<10000x128xf32, #tpu.memory_space<vmem_shared>>)
        %dma_wait3A_155 = arith.constant 0 : i32
        %dma_wait3A_156 = arith.constant 0 : i32
        %dma_wait3A_157 = tpu.memref_slice %arg35[%dma_wait3A_155, %dma_wait3A_156] : memref<10000x128xf32, #tpu.memory_space<vmem_shared>> -> memref<10000x128xf32, #tpu.memory_space<vmem_shared>>
        tpu.wait_indirect_dma semaphore(%arg26 : memref<!tpu.dma_semaphore, #tpu.memory_space<semaphore_mem>>) src(%arg18 : memref<80x128xf32, #tpu.memory_space<vmem>>) dst(%dma_wait3A_157 : memref<10000x128xf32, #tpu.memory_space<vmem_shared>>)
      } else {
      }
      %mul3A_50 = arith.constant 10000 : i32
      %mul3A_51 = arith.muli %add3A, %mul3A_50 : i32
      %add3A_52 = arith.constant 0 : i32
      %add3A_53 = arith.addi %add3A_45, %add3A_52 : i32
      %mul3A_54 = arith.constant 80 : i32
      %mul3A_55 = arith.muli %add3A_53, %mul3A_54 : i32
      %add3A_56 = arith.addi %mul3A_51, %mul3A_55 : i32
      %dma_start3A_57 = tpu.memref_slice %arg3[%add3A_56] : memref<320000xi32, #tpu.memory_space<hbm>> -> memref<80xi32, #tpu.memory_space<hbm>>
      %dma_start3A_58 = tpu.memref_slice %arg3[%add3A_56] : memref<320000xi32, #tpu.memory_space<hbm>> -> memref<80xi32, #tpu.memory_space<hbm>>
      tpu.enqueue_dma source(%dma_start3A_58 : memref<80xi32, #tpu.memory_space<hbm>>) target(%arg7 : memref<80xi32, #tpu.memory_space<vmem>>) target_semaphore(%arg27 : memref<!tpu.dma_semaphore, #tpu.memory_space<semaphore_mem>>)
      %dma_start3A_59 = tpu.memref_slice %arg4[%add3A_56] : memref<320000xi32, #tpu.memory_space<hbm>> -> memref<80xi32, #tpu.memory_space<hbm>>
      %dma_start3A_60 = tpu.memref_slice %arg4[%add3A_56] : memref<320000xi32, #tpu.memory_space<hbm>> -> memref<80xi32, #tpu.memory_space<hbm>>
      tpu.enqueue_dma source(%dma_start3A_60 : memref<80xi32, #tpu.memory_space<hbm>>) target(%arg11 : memref<80xi32, #tpu.memory_space<vmem>>) target_semaphore(%arg31 : memref<!tpu.dma_semaphore, #tpu.memory_space<semaphore_mem>>)
      %mul3A_61 = arith.constant 10000 : i32
      %mul3A_62 = arith.muli %add3A, %mul3A_61 : i32
      %add3A_63 = arith.constant 1 : i32
      %add3A_64 = arith.addi %add3A_45, %add3A_63 : i32
      %mul3A_65 = arith.constant 80 : i32
      %mul3A_66 = arith.muli %add3A_64, %mul3A_65 : i32
      %add3A_67 = arith.addi %mul3A_62, %mul3A_66 : i32
      %dma_start3A_68 = tpu.memref_slice %arg3[%add3A_67] : memref<320000xi32, #tpu.memory_space<hbm>> -> memref<80xi32, #tpu.memory_space<hbm>>
      %dma_start3A_69 = tpu.memref_slice %arg3[%add3A_67] : memref<320000xi32, #tpu.memory_space<hbm>> -> memref<80xi32, #tpu.memory_space<hbm>>
      tpu.enqueue_dma source(%dma_start3A_69 : memref<80xi32, #tpu.memory_space<hbm>>) target(%arg8 : memref<80xi32, #tpu.memory_space<vmem>>) target_semaphore(%arg28 : memref<!tpu.dma_semaphore, #tpu.memory_space<semaphore_mem>>)
      %dma_start3A_70 = tpu.memref_slice %arg4[%add3A_67] : memref<320000xi32, #tpu.memory_space<hbm>> -> memref<80xi32, #tpu.memory_space<hbm>>
      %dma_start3A_71 = tpu.memref_slice %arg4[%add3A_67] : memref<320000xi32, #tpu.memory_space<hbm>> -> memref<80xi32, #tpu.memory_space<hbm>>
      tpu.enqueue_dma source(%dma_start3A_71 : memref<80xi32, #tpu.memory_space<hbm>>) target(%arg12 : memref<80xi32, #tpu.memory_space<vmem>>) target_semaphore(%arg32 : memref<!tpu.dma_semaphore, #tpu.memory_space<semaphore_mem>>)
      %mul3A_72 = arith.constant 10000 : i32
      %mul3A_73 = arith.muli %add3A, %mul3A_72 : i32
      %add3A_74 = arith.constant 2 : i32
      %add3A_75 = arith.addi %add3A_45, %add3A_74 : i32
      %mul3A_76 = arith.constant 80 : i32
      %mul3A_77 = arith.muli %add3A_75, %mul3A_76 : i32
      %add3A_78 = arith.addi %mul3A_73, %mul3A_77 : i32
      %dma_start3A_79 = tpu.memref_slice %arg3[%add3A_78] : memref<320000xi32, #tpu.memory_space<hbm>> -> memref<80xi32, #tpu.memory_space<hbm>>
      %dma_start3A_80 = tpu.memref_slice %arg3[%add3A_78] : memref<320000xi32, #tpu.memory_space<hbm>> -> memref<80xi32, #tpu.memory_space<hbm>>
      tpu.enqueue_dma source(%dma_start3A_80 : memref<80xi32, #tpu.memory_space<hbm>>) target(%arg9 : memref<80xi32, #tpu.memory_space<vmem>>) target_semaphore(%arg29 : memref<!tpu.dma_semaphore, #tpu.memory_space<semaphore_mem>>)
      %dma_start3A_81 = tpu.memref_slice %arg4[%add3A_78] : memref<320000xi32, #tpu.memory_space<hbm>> -> memref<80xi32, #tpu.memory_space<hbm>>
      %dma_start3A_82 = tpu.memref_slice %arg4[%add3A_78] : memref<320000xi32, #tpu.memory_space<hbm>> -> memref<80xi32, #tpu.memory_space<hbm>>
      tpu.enqueue_dma source(%dma_start3A_82 : memref<80xi32, #tpu.memory_space<hbm>>) target(%arg13 : memref<80xi32, #tpu.memory_space<vmem>>) target_semaphore(%arg33 : memref<!tpu.dma_semaphore, #tpu.memory_space<semaphore_mem>>)
      %mul3A_83 = arith.constant 10000 : i32
      %mul3A_84 = arith.muli %add3A, %mul3A_83 : i32
      %add3A_85 = arith.constant 3 : i32
      %add3A_86 = arith.addi %add3A_45, %add3A_85 : i32
      %mul3A_87 = arith.constant 80 : i32
      %mul3A_88 = arith.muli %add3A_86, %mul3A_87 : i32
      %add3A_89 = arith.addi %mul3A_84, %mul3A_88 : i32
      %dma_start3A_90 = tpu.memref_slice %arg3[%add3A_89] : memref<320000xi32, #tpu.memory_space<hbm>> -> memref<80xi32, #tpu.memory_space<hbm>>
      %dma_start3A_91 = tpu.memref_slice %arg3[%add3A_89] : memref<320000xi32, #tpu.memory_space<hbm>> -> memref<80xi32, #tpu.memory_space<hbm>>
      tpu.enqueue_dma source(%dma_start3A_91 : memref<80xi32, #tpu.memory_space<hbm>>) target(%arg10 : memref<80xi32, #tpu.memory_space<vmem>>) target_semaphore(%arg30 : memref<!tpu.dma_semaphore, #tpu.memory_space<semaphore_mem>>)
      %dma_start3A_92 = tpu.memref_slice %arg4[%add3A_89] : memref<320000xi32, #tpu.memory_space<hbm>> -> memref<80xi32, #tpu.memory_space<hbm>>
      %dma_start3A_93 = tpu.memref_slice %arg4[%add3A_89] : memref<320000xi32, #tpu.memory_space<hbm>> -> memref<80xi32, #tpu.memory_space<hbm>>
      tpu.enqueue_dma source(%dma_start3A_93 : memref<80xi32, #tpu.memory_space<hbm>>) target(%arg14 : memref<80xi32, #tpu.memory_space<vmem>>) target_semaphore(%arg34 : memref<!tpu.dma_semaphore, #tpu.memory_space<semaphore_mem>>)
      %dma_wait3A_94 = tpu.memref_slice %arg3[%add3A_56] : memref<320000xi32, #tpu.memory_space<hbm>> -> memref<80xi32, #tpu.memory_space<hbm>>
      %dma_wait3A_95 = tpu.memref_slice %arg3[%add3A_56] : memref<320000xi32, #tpu.memory_space<hbm>> -> memref<80xi32, #tpu.memory_space<hbm>>
      tpu.wait_dma2 semaphore(%arg27 : memref<!tpu.dma_semaphore, #tpu.memory_space<semaphore_mem>>) src(%dma_wait3A_95 : memref<80xi32, #tpu.memory_space<hbm>>) dst(%arg7 : memref<80xi32, #tpu.memory_space<vmem>>)
      %dma_start3A_96 = arith.constant 0 : i32
      %dma_start3A_97 = arith.constant 0 : i32
      %dma_start3A_98 = tpu.memref_slice %arg2[%dma_start3A_96, %dma_start3A_97] : memref<10000x128xf32, #tpu.memory_space<hbm>> -> memref<10000x128xf32, #tpu.memory_space<hbm>>
      tpu.enqueue_indirect_dma source(%dma_start3A_98 : memref<10000x128xf32, #tpu.memory_space<hbm>>) target(%arg15 : memref<80x128xf32, #tpu.memory_space<vmem>>) offsets(%arg7 : memref<80xi32, #tpu.memory_space<vmem>>) semaphore(%arg19 : memref<!tpu.dma_semaphore, #tpu.memory_space<semaphore_mem>>)
      %dma_wait3A_99 = tpu.memref_slice %arg3[%add3A_67] : memref<320000xi32, #tpu.memory_space<hbm>> -> memref<80xi32, #tpu.memory_space<hbm>>
      %dma_wait3A_100 = tpu.memref_slice %arg3[%add3A_67] : memref<320000xi32, #tpu.memory_space<hbm>> -> memref<80xi32, #tpu.memory_space<hbm>>
      tpu.wait_dma2 semaphore(%arg28 : memref<!tpu.dma_semaphore, #tpu.memory_space<semaphore_mem>>) src(%dma_wait3A_100 : memref<80xi32, #tpu.memory_space<hbm>>) dst(%arg8 : memref<80xi32, #tpu.memory_space<vmem>>)
      %dma_start3A_101 = arith.constant 0 : i32
      %dma_start3A_102 = arith.constant 0 : i32
      %dma_start3A_103 = tpu.memref_slice %arg2[%dma_start3A_101, %dma_start3A_102] : memref<10000x128xf32, #tpu.memory_space<hbm>> -> memref<10000x128xf32, #tpu.memory_space<hbm>>
      tpu.enqueue_indirect_dma source(%dma_start3A_103 : memref<10000x128xf32, #tpu.memory_space<hbm>>) target(%arg16 : memref<80x128xf32, #tpu.memory_space<vmem>>) offsets(%arg8 : memref<80xi32, #tpu.memory_space<vmem>>) semaphore(%arg20 : memref<!tpu.dma_semaphore, #tpu.memory_space<semaphore_mem>>)
      %dma_wait3A_104 = tpu.memref_slice %arg3[%add3A_78] : memref<320000xi32, #tpu.memory_space<hbm>> -> memref<80xi32, #tpu.memory_space<hbm>>
      %dma_wait3A_105 = tpu.memref_slice %arg3[%add3A_78] : memref<320000xi32, #tpu.memory_space<hbm>> -> memref<80xi32, #tpu.memory_space<hbm>>
      tpu.wait_dma2 semaphore(%arg29 : memref<!tpu.dma_semaphore, #tpu.memory_space<semaphore_mem>>) src(%dma_wait3A_105 : memref<80xi32, #tpu.memory_space<hbm>>) dst(%arg9 : memref<80xi32, #tpu.memory_space<vmem>>)
      %dma_start3A_106 = arith.constant 0 : i32
      %dma_start3A_107 = arith.constant 0 : i32
      %dma_start3A_108 = tpu.memref_slice %arg2[%dma_start3A_106, %dma_start3A_107] : memref<10000x128xf32, #tpu.memory_space<hbm>> -> memref<10000x128xf32, #tpu.memory_space<hbm>>
      tpu.enqueue_indirect_dma source(%dma_start3A_108 : memref<10000x128xf32, #tpu.memory_space<hbm>>) target(%arg17 : memref<80x128xf32, #tpu.memory_space<vmem>>) offsets(%arg9 : memref<80xi32, #tpu.memory_space<vmem>>) semaphore(%arg21 : memref<!tpu.dma_semaphore, #tpu.memory_space<semaphore_mem>>)
      %dma_wait3A_109 = tpu.memref_slice %arg3[%add3A_89] : memref<320000xi32, #tpu.memory_space<hbm>> -> memref<80xi32, #tpu.memory_space<hbm>>
      %dma_wait3A_110 = tpu.memref_slice %arg3[%add3A_89] : memref<320000xi32, #tpu.memory_space<hbm>> -> memref<80xi32, #tpu.memory_space<hbm>>
      tpu.wait_dma2 semaphore(%arg30 : memref<!tpu.dma_semaphore, #tpu.memory_space<semaphore_mem>>) src(%dma_wait3A_110 : memref<80xi32, #tpu.memory_space<hbm>>) dst(%arg10 : memref<80xi32, #tpu.memory_space<vmem>>)
      %dma_start3A_111 = arith.constant 0 : i32
      %dma_start3A_112 = arith.constant 0 : i32
      %dma_start3A_113 = tpu.memref_slice %arg2[%dma_start3A_111, %dma_start3A_112] : memref<10000x128xf32, #tpu.memory_space<hbm>> -> memref<10000x128xf32, #tpu.memory_space<hbm>>
      tpu.enqueue_indirect_dma source(%dma_start3A_113 : memref<10000x128xf32, #tpu.memory_space<hbm>>) target(%arg18 : memref<80x128xf32, #tpu.memory_space<vmem>>) offsets(%arg10 : memref<80xi32, #tpu.memory_space<vmem>>) semaphore(%arg22 : memref<!tpu.dma_semaphore, #tpu.memory_space<semaphore_mem>>)
      %dma_wait3A_114 = arith.constant 0 : i32
      %dma_wait3A_115 = arith.constant 0 : i32
      %dma_wait3A_116 = tpu.memref_slice %arg2[%dma_wait3A_114, %dma_wait3A_115] : memref<10000x128xf32, #tpu.memory_space<hbm>> -> memref<10000x128xf32, #tpu.memory_space<hbm>>
      tpu.wait_indirect_dma semaphore(%arg19 : memref<!tpu.dma_semaphore, #tpu.memory_space<semaphore_mem>>) src(%dma_wait3A_116 : memref<10000x128xf32, #tpu.memory_space<hbm>>) dst(%arg15 : memref<80x128xf32, #tpu.memory_space<vmem>>)
      %dma_wait3A_117 = tpu.memref_slice %arg4[%add3A_56] : memref<320000xi32, #tpu.memory_space<hbm>> -> memref<80xi32, #tpu.memory_space<hbm>>
      %dma_wait3A_118 = tpu.memref_slice %arg4[%add3A_56] : memref<320000xi32, #tpu.memory_space<hbm>> -> memref<80xi32, #tpu.memory_space<hbm>>
      tpu.wait_dma2 semaphore(%arg31 : memref<!tpu.dma_semaphore, #tpu.memory_space<semaphore_mem>>) src(%dma_wait3A_118 : memref<80xi32, #tpu.memory_space<hbm>>) dst(%arg11 : memref<80xi32, #tpu.memory_space<vmem>>)
      %dma_start3A_119 = arith.constant 0 : i32
      %dma_start3A_120 = arith.constant 0 : i32
      %dma_start3A_121 = tpu.memref_slice %arg35[%dma_start3A_119, %dma_start3A_120] : memref<10000x128xf32, #tpu.memory_space<vmem_shared>> -> memref<10000x128xf32, #tpu.memory_space<vmem_shared>>
      tpu.enqueue_indirect_dma source(%arg15 : memref<80x128xf32, #tpu.memory_space<vmem>>) target(%dma_start3A_121 : memref<10000x128xf32, #tpu.memory_space<vmem_shared>>) offsets(%arg11 : memref<80xi32, #tpu.memory_space<vmem>>) semaphore(%arg23 : memref<!tpu.dma_semaphore, #tpu.memory_space<semaphore_mem>>) {add = true}
      %dma_wait3A_122 = arith.constant 0 : i32
      %dma_wait3A_123 = arith.constant 0 : i32
      %dma_wait3A_124 = tpu.memref_slice %arg2[%dma_wait3A_122, %dma_wait3A_123] : memref<10000x128xf32, #tpu.memory_space<hbm>> -> memref<10000x128xf32, #tpu.memory_space<hbm>>
      tpu.wait_indirect_dma semaphore(%arg20 : memref<!tpu.dma_semaphore, #tpu.memory_space<semaphore_mem>>) src(%dma_wait3A_124 : memref<10000x128xf32, #tpu.memory_space<hbm>>) dst(%arg16 : memref<80x128xf32, #tpu.memory_space<vmem>>)
      %dma_wait3A_125 = tpu.memref_slice %arg4[%add3A_67] : memref<320000xi32, #tpu.memory_space<hbm>> -> memref<80xi32, #tpu.memory_space<hbm>>
      %dma_wait3A_126 = tpu.memref_slice %arg4[%add3A_67] : memref<320000xi32, #tpu.memory_space<hbm>> -> memref<80xi32, #tpu.memory_space<hbm>>
      tpu.wait_dma2 semaphore(%arg32 : memref<!tpu.dma_semaphore, #tpu.memory_space<semaphore_mem>>) src(%dma_wait3A_126 : memref<80xi32, #tpu.memory_space<hbm>>) dst(%arg12 : memref<80xi32, #tpu.memory_space<vmem>>)
      %dma_start3A_127 = arith.constant 0 : i32
      %dma_start3A_128 = arith.constant 0 : i32
      %dma_start3A_129 = tpu.memref_slice %arg35[%dma_start3A_127, %dma_start3A_128] : memref<10000x128xf32, #tpu.memory_space<vmem_shared>> -> memref<10000x128xf32, #tpu.memory_space<vmem_shared>>
      tpu.enqueue_indirect_dma source(%arg16 : memref<80x128xf32, #tpu.memory_space<vmem>>) target(%dma_start3A_129 : memref<10000x128xf32, #tpu.memory_space<vmem_shared>>) offsets(%arg12 : memref<80xi32, #tpu.memory_space<vmem>>) semaphore(%arg24 : memref<!tpu.dma_semaphore, #tpu.memory_space<semaphore_mem>>) {add = true}
      %dma_wait3A_130 = arith.constant 0 : i32
      %dma_wait3A_131 = arith.constant 0 : i32
      %dma_wait3A_132 = tpu.memref_slice %arg2[%dma_wait3A_130, %dma_wait3A_131] : memref<10000x128xf32, #tpu.memory_space<hbm>> -> memref<10000x128xf32, #tpu.memory_space<hbm>>
      tpu.wait_indirect_dma semaphore(%arg21 : memref<!tpu.dma_semaphore, #tpu.memory_space<semaphore_mem>>) src(%dma_wait3A_132 : memref<10000x128xf32, #tpu.memory_space<hbm>>) dst(%arg17 : memref<80x128xf32, #tpu.memory_space<vmem>>)
      %dma_wait3A_133 = tpu.memref_slice %arg4[%add3A_78] : memref<320000xi32, #tpu.memory_space<hbm>> -> memref<80xi32, #tpu.memory_space<hbm>>
      %dma_wait3A_134 = tpu.memref_slice %arg4[%add3A_78] : memref<320000xi32, #tpu.memory_space<hbm>> -> memref<80xi32, #tpu.memory_space<hbm>>
      tpu.wait_dma2 semaphore(%arg33 : memref<!tpu.dma_semaphore, #tpu.memory_space<semaphore_mem>>) src(%dma_wait3A_134 : memref<80xi32, #tpu.memory_space<hbm>>) dst(%arg13 : memref<80xi32, #tpu.memory_space<vmem>>)
      %dma_start3A_135 = arith.constant 0 : i32
      %dma_start3A_136 = arith.constant 0 : i32
      %dma_start3A_137 = tpu.memref_slice %arg35[%dma_start3A_135, %dma_start3A_136] : memref<10000x128xf32, #tpu.memory_space<vmem_shared>> -> memref<10000x128xf32, #tpu.memory_space<vmem_shared>>
      tpu.enqueue_indirect_dma source(%arg17 : memref<80x128xf32, #tpu.memory_space<vmem>>) target(%dma_start3A_137 : memref<10000x128xf32, #tpu.memory_space<vmem_shared>>) offsets(%arg13 : memref<80xi32, #tpu.memory_space<vmem>>) semaphore(%arg25 : memref<!tpu.dma_semaphore, #tpu.memory_space<semaphore_mem>>) {add = true}
      %dma_wait3A_138 = arith.constant 0 : i32
      %dma_wait3A_139 = arith.constant 0 : i32
      %dma_wait3A_140 = tpu.memref_slice %arg2[%dma_wait3A_138, %dma_wait3A_139] : memref<10000x128xf32, #tpu.memory_space<hbm>> -> memref<10000x128xf32, #tpu.memory_space<hbm>>
      tpu.wait_indirect_dma semaphore(%arg22 : memref<!tpu.dma_semaphore, #tpu.memory_space<semaphore_mem>>) src(%dma_wait3A_140 : memref<10000x128xf32, #tpu.memory_space<hbm>>) dst(%arg18 : memref<80x128xf32, #tpu.memory_space<vmem>>)
      %dma_wait3A_141 = tpu.memref_slice %arg4[%add3A_89] : memref<320000xi32, #tpu.memory_space<hbm>> -> memref<80xi32, #tpu.memory_space<hbm>>
      %dma_wait3A_142 = tpu.memref_slice %arg4[%add3A_89] : memref<320000xi32, #tpu.memory_space<hbm>> -> memref<80xi32, #tpu.memory_space<hbm>>
      tpu.wait_dma2 semaphore(%arg34 : memref<!tpu.dma_semaphore, #tpu.memory_space<semaphore_mem>>) src(%dma_wait3A_142 : memref<80xi32, #tpu.memory_space<hbm>>) dst(%arg14 : memref<80xi32, #tpu.memory_space<vmem>>)
      %dma_start3A_143 = arith.constant 0 : i32
      %dma_start3A_144 = arith.constant 0 : i32
      %dma_start3A_145 = tpu.memref_slice %arg35[%dma_start3A_143, %dma_start3A_144] : memref<10000x128xf32, #tpu.memory_space<vmem_shared>> -> memref<10000x128xf32, #tpu.memory_space<vmem_shared>>
      tpu.enqueue_indirect_dma source(%arg18 : memref<80x128xf32, #tpu.memory_space<vmem>>) target(%dma_start3A_145 : memref<10000x128xf32, #tpu.memory_space<vmem_shared>>) offsets(%arg14 : memref<80xi32, #tpu.memory_space<vmem>>) semaphore(%arg26 : memref<!tpu.dma_semaphore, #tpu.memory_space<semaphore_mem>>) {add = true}
    }
    %scan3A_10 = arith.constant 31 : i32
    %dma_wait3A = arith.constant 0 : i32
    %dma_wait3A_11 = arith.constant 0 : i32
    %dma_wait3A_12 = tpu.memref_slice %arg35[%dma_wait3A, %dma_wait3A_11] : memref<10000x128xf32, #tpu.memory_space<vmem_shared>> -> memref<10000x128xf32, #tpu.memory_space<vmem_shared>>
    tpu.wait_indirect_dma semaphore(%arg23 : memref<!tpu.dma_semaphore, #tpu.memory_space<semaphore_mem>>) src(%arg15 : memref<80x128xf32, #tpu.memory_space<vmem>>) dst(%dma_wait3A_12 : memref<10000x128xf32, #tpu.memory_space<vmem_shared>>)
    %dma_wait3A_13 = arith.constant 0 : i32
    %dma_wait3A_14 = arith.constant 0 : i32
    %dma_wait3A_15 = tpu.memref_slice %arg35[%dma_wait3A_13, %dma_wait3A_14] : memref<10000x128xf32, #tpu.memory_space<vmem_shared>> -> memref<10000x128xf32, #tpu.memory_space<vmem_shared>>
    tpu.wait_indirect_dma semaphore(%arg24 : memref<!tpu.dma_semaphore, #tpu.memory_space<semaphore_mem>>) src(%arg16 : memref<80x128xf32, #tpu.memory_space<vmem>>) dst(%dma_wait3A_15 : memref<10000x128xf32, #tpu.memory_space<vmem_shared>>)
    %dma_wait3A_16 = arith.constant 0 : i32
    %dma_wait3A_17 = arith.constant 0 : i32
    %dma_wait3A_18 = tpu.memref_slice %arg35[%dma_wait3A_16, %dma_wait3A_17] : memref<10000x128xf32, #tpu.memory_space<vmem_shared>> -> memref<10000x128xf32, #tpu.memory_space<vmem_shared>>
    tpu.wait_indirect_dma semaphore(%arg25 : memref<!tpu.dma_semaphore, #tpu.memory_space<semaphore_mem>>) src(%arg17 : memref<80x128xf32, #tpu.memory_space<vmem>>) dst(%dma_wait3A_18 : memref<10000x128xf32, #tpu.memory_space<vmem_shared>>)
    %dma_wait3A_19 = arith.constant 0 : i32
    %dma_wait3A_20 = arith.constant 0 : i32
    %dma_wait3A_21 = tpu.memref_slice %arg35[%dma_wait3A_19, %dma_wait3A_20] : memref<10000x128xf32, #tpu.memory_space<vmem_shared>> -> memref<10000x128xf32, #tpu.memory_space<vmem_shared>>
    tpu.wait_indirect_dma semaphore(%arg26 : memref<!tpu.dma_semaphore, #tpu.memory_space<semaphore_mem>>) src(%arg18 : memref<80x128xf32, #tpu.memory_space<vmem>>) dst(%dma_wait3A_21 : memref<10000x128xf32, #tpu.memory_space<vmem_shared>>)
    %mul3A_22 = arith.constant 10000 : i32
    %mul3A_23 = arith.muli %add3A, %mul3A_22 : i32
    %add3A_24 = arith.constant 9920 : i32
    %add3A_25 = arith.addi %mul3A_23, %add3A_24 : i32
    "tpu.region"() ({
      %run_scoped3A = tpu.sem_alloc : memref<!tpu.dma_semaphore, #tpu.memory_space<semaphore_mem>>
      %dma_start3A_41 = tpu.memref_slice %arg3[%add3A_25] : memref<320000xi32, #tpu.memory_space<hbm>> -> memref<80xi32, #tpu.memory_space<hbm>>
      %dma_start3A_42 = tpu.memref_slice %arg3[%add3A_25] : memref<320000xi32, #tpu.memory_space<hbm>> -> memref<80xi32, #tpu.memory_space<hbm>>
      tpu.enqueue_dma source(%dma_start3A_42 : memref<80xi32, #tpu.memory_space<hbm>>) target(%arg7 : memref<80xi32, #tpu.memory_space<vmem>>) target_semaphore(%run_scoped3A : memref<!tpu.dma_semaphore, #tpu.memory_space<semaphore_mem>>)
      %dma_wait3A_43 = tpu.memref_slice %arg3[%add3A_25] : memref<320000xi32, #tpu.memory_space<hbm>> -> memref<80xi32, #tpu.memory_space<hbm>>
      %dma_wait3A_44 = tpu.memref_slice %arg3[%add3A_25] : memref<320000xi32, #tpu.memory_space<hbm>> -> memref<80xi32, #tpu.memory_space<hbm>>
      tpu.wait_dma2 semaphore(%run_scoped3A : memref<!tpu.dma_semaphore, #tpu.memory_space<semaphore_mem>>) src(%dma_wait3A_44 : memref<80xi32, #tpu.memory_space<hbm>>) dst(%arg7 : memref<80xi32, #tpu.memory_space<vmem>>)
      tpu.yield
    }) : () -> ()
    "tpu.region"() ({
      %run_scoped3A = tpu.sem_alloc : memref<!tpu.dma_semaphore, #tpu.memory_space<semaphore_mem>>
      %dma_start3A_41 = tpu.memref_slice %arg4[%add3A_25] : memref<320000xi32, #tpu.memory_space<hbm>> -> memref<80xi32, #tpu.memory_space<hbm>>
      %dma_start3A_42 = tpu.memref_slice %arg4[%add3A_25] : memref<320000xi32, #tpu.memory_space<hbm>> -> memref<80xi32, #tpu.memory_space<hbm>>
      tpu.enqueue_dma source(%dma_start3A_42 : memref<80xi32, #tpu.memory_space<hbm>>) target(%arg11 : memref<80xi32, #tpu.memory_space<vmem>>) target_semaphore(%run_scoped3A : memref<!tpu.dma_semaphore, #tpu.memory_space<semaphore_mem>>)
      %dma_wait3A_43 = tpu.memref_slice %arg4[%add3A_25] : memref<320000xi32, #tpu.memory_space<hbm>> -> memref<80xi32, #tpu.memory_space<hbm>>
      %dma_wait3A_44 = tpu.memref_slice %arg4[%add3A_25] : memref<320000xi32, #tpu.memory_space<hbm>> -> memref<80xi32, #tpu.memory_space<hbm>>
      tpu.wait_dma2 semaphore(%run_scoped3A : memref<!tpu.dma_semaphore, #tpu.memory_space<semaphore_mem>>) src(%dma_wait3A_44 : memref<80xi32, #tpu.memory_space<hbm>>) dst(%arg11 : memref<80xi32, #tpu.memory_space<vmem>>)
      tpu.yield
    }) : () -> ()
    %dma_start3A = arith.constant 0 : i32
    %dma_start3A_26 = arith.constant 0 : i32
    %dma_start3A_27 = tpu.memref_slice %arg2[%dma_start3A, %dma_start3A_26] : memref<10000x128xf32, #tpu.memory_space<hbm>> -> memref<10000x128xf32, #tpu.memory_space<hbm>>
    tpu.enqueue_indirect_dma source(%dma_start3A_27 : memref<10000x128xf32, #tpu.memory_space<hbm>>) target(%arg15 : memref<80x128xf32, #tpu.memory_space<vmem>>) offsets(%arg7 : memref<80xi32, #tpu.memory_space<vmem>>) semaphore(%arg19 : memref<!tpu.dma_semaphore, #tpu.memory_space<semaphore_mem>>)
    %dma_wait3A_28 = arith.constant 0 : i32
    %dma_wait3A_29 = arith.constant 0 : i32
    %dma_wait3A_30 = tpu.memref_slice %arg2[%dma_wait3A_28, %dma_wait3A_29] : memref<10000x128xf32, #tpu.memory_space<hbm>> -> memref<10000x128xf32, #tpu.memory_space<hbm>>
    tpu.wait_indirect_dma semaphore(%arg19 : memref<!tpu.dma_semaphore, #tpu.memory_space<semaphore_mem>>) src(%dma_wait3A_30 : memref<10000x128xf32, #tpu.memory_space<hbm>>) dst(%arg15 : memref<80x128xf32, #tpu.memory_space<vmem>>)
    "tpu.region"() ({
      %run_scoped3A = tpu.sem_alloc : memref<!tpu.dma_semaphore, #tpu.memory_space<semaphore_mem>>
      %dma_start3A_41 = arith.constant 0 : i32
      %dma_start3A_42 = arith.constant 0 : i32
      %dma_start3A_43 = tpu.memref_slice %arg35[%dma_start3A_41, %dma_start3A_42] : memref<10000x128xf32, #tpu.memory_space<vmem_shared>> -> memref<10000x128xf32, #tpu.memory_space<vmem_shared>>
      tpu.enqueue_indirect_dma source(%arg15 : memref<80x128xf32, #tpu.memory_space<vmem>>) target(%dma_start3A_43 : memref<10000x128xf32, #tpu.memory_space<vmem_shared>>) offsets(%arg11 : memref<80xi32, #tpu.memory_space<vmem>>) semaphore(%run_scoped3A : memref<!tpu.dma_semaphore, #tpu.memory_space<semaphore_mem>>) {add = true}
      %dma_wait3A_44 = arith.constant 0 : i32
      %dma_wait3A_45 = arith.constant 0 : i32
      %dma_wait3A_46 = tpu.memref_slice %arg35[%dma_wait3A_44, %dma_wait3A_45] : memref<10000x128xf32, #tpu.memory_space<vmem_shared>> -> memref<10000x128xf32, #tpu.memory_space<vmem_shared>>
      tpu.wait_indirect_dma semaphore(%run_scoped3A : memref<!tpu.dma_semaphore, #tpu.memory_space<semaphore_mem>>) src(%arg15 : memref<80x128xf32, #tpu.memory_space<vmem>>) dst(%dma_wait3A_46 : memref<10000x128xf32, #tpu.memory_space<vmem_shared>>)
      tpu.yield
    }) : () -> ()
    %barrier3A_31 = arith.constant 0 : index
    tpu.barrier barrier_id(%barrier3A_31)
    %mul3A_32 = arith.constant 624 : i32
    %mul3A_33 = arith.muli %arg1, %mul3A_32 : i32
    %mul3A_34 = arith.constant 624 : i32
    %mul3A_35 = arith.muli %arg1, %mul3A_34 : i32
    "tpu.region"() ({
      %run_scoped3A = tpu.sem_alloc : memref<!tpu.dma_semaphore, #tpu.memory_space<semaphore_mem>>
      %dma_start3A_41 = arith.constant 0 : i32
      %dma_start3A_42 = tpu.memref_slice %arg6[%arg0, %mul3A_35, %dma_start3A_41] : memref<2x10000x128xf32, #tpu.memory_space<hbm>> -> memref<1x624x128xf32, #tpu.memory_space<hbm>>
      %dma_start3A_43 = tpu.memref_squeeze %dma_start3A_42 : memref<1x624x128xf32, #tpu.memory_space<hbm>> -> memref<624x128xf32, #tpu.memory_space<hbm>>
      %dma_start3A_44 = arith.constant 0 : i32
      %dma_start3A_45 = tpu.memref_slice %arg35[%mul3A_33, %dma_start3A_44] : memref<10000x128xf32, #tpu.memory_space<vmem_shared>> -> memref<624x128xf32, #tpu.memory_space<vmem_shared>>
      tpu.enqueue_dma source(%dma_start3A_45 : memref<624x128xf32, #tpu.memory_space<vmem_shared>>) target(%dma_start3A_43 : memref<624x128xf32, #tpu.memory_space<hbm>>) target_semaphore(%run_scoped3A : memref<!tpu.dma_semaphore, #tpu.memory_space<semaphore_mem>>)
      %dma_wait3A_46 = arith.constant 0 : i32
      %dma_wait3A_47 = tpu.memref_slice %arg6[%arg0, %mul3A_35, %dma_wait3A_46] : memref<2x10000x128xf32, #tpu.memory_space<hbm>> -> memref<1x624x128xf32, #tpu.memory_space<hbm>>
      %dma_wait3A_48 = tpu.memref_squeeze %dma_wait3A_47 : memref<1x624x128xf32, #tpu.memory_space<hbm>> -> memref<624x128xf32, #tpu.memory_space<hbm>>
      %dma_wait3A_49 = arith.constant 0 : i32
      %dma_wait3A_50 = tpu.memref_slice %arg35[%mul3A_33, %dma_wait3A_49] : memref<10000x128xf32, #tpu.memory_space<vmem_shared>> -> memref<624x128xf32, #tpu.memory_space<vmem_shared>>
      tpu.wait_dma2 semaphore(%run_scoped3A : memref<!tpu.dma_semaphore, #tpu.memory_space<semaphore_mem>>) src(%dma_wait3A_50 : memref<624x128xf32, #tpu.memory_space<vmem_shared>>) dst(%dma_wait3A_48 : memref<624x128xf32, #tpu.memory_space<hbm>>)
      tpu.yield
    }) : () -> ()
    %eq3A_36 = arith.constant 15 : i32
    %eq3A_37 = arith.cmpi eq, %arg1, %eq3A_36 : i32
    %convert_element_type3A_38 = arith.extui %eq3A_37 : i1 to i32
    %cond3A_39 = arith.constant 0 : i32
    %cond3A_40 = arith.cmpi ne, %convert_element_type3A_38, %cond3A_39 : i32
    scf.if %cond3A_40 {
      "tpu.region"() ({
        %run_scoped3A = tpu.sem_alloc : memref<!tpu.dma_semaphore, #tpu.memory_space<semaphore_mem>>
        %dma_start3A_41 = arith.constant 9984 : i32
        %dma_start3A_42 = arith.constant 0 : i32
        %dma_start3A_43 = tpu.memref_slice %arg6[%arg0, %dma_start3A_41, %dma_start3A_42] : memref<2x10000x128xf32, #tpu.memory_space<hbm>> -> memref<1x16x128xf32, #tpu.memory_space<hbm>>
        %dma_start3A_44 = tpu.memref_squeeze %dma_start3A_43 : memref<1x16x128xf32, #tpu.memory_space<hbm>> -> memref<16x128xf32, #tpu.memory_space<hbm>>
        %dma_start3A_45 = arith.constant 9984 : i32
        %dma_start3A_46 = arith.constant 0 : i32
        %dma_start3A_47 = tpu.memref_slice %arg35[%dma_start3A_45, %dma_start3A_46] : memref<10000x128xf32, #tpu.memory_space<vmem_shared>> -> memref<16x128xf32, #tpu.memory_space<vmem_shared>>
        tpu.enqueue_dma source(%dma_start3A_47 : memref<16x128xf32, #tpu.memory_space<vmem_shared>>) target(%dma_start3A_44 : memref<16x128xf32, #tpu.memory_space<hbm>>) target_semaphore(%run_scoped3A : memref<!tpu.dma_semaphore, #tpu.memory_space<semaphore_mem>>)
        %dma_wait3A_48 = arith.constant 9984 : i32
        %dma_wait3A_49 = arith.constant 0 : i32
        %dma_wait3A_50 = tpu.memref_slice %arg6[%arg0, %dma_wait3A_48, %dma_wait3A_49] : memref<2x10000x128xf32, #tpu.memory_space<hbm>> -> memref<1x16x128xf32, #tpu.memory_space<hbm>>
        %dma_wait3A_51 = tpu.memref_squeeze %dma_wait3A_50 : memref<1x16x128xf32, #tpu.memory_space<hbm>> -> memref<16x128xf32, #tpu.memory_space<hbm>>
        %dma_wait3A_52 = arith.constant 9984 : i32
        %dma_wait3A_53 = arith.constant 0 : i32
        %dma_wait3A_54 = tpu.memref_slice %arg35[%dma_wait3A_52, %dma_wait3A_53] : memref<10000x128xf32, #tpu.memory_space<vmem_shared>> -> memref<16x128xf32, #tpu.memory_space<vmem_shared>>
        tpu.wait_dma2 semaphore(%run_scoped3A : memref<!tpu.dma_semaphore, #tpu.memory_space<semaphore_mem>>) src(%dma_wait3A_54 : memref<16x128xf32, #tpu.memory_space<vmem_shared>>) dst(%dma_wait3A_51 : memref<16x128xf32, #tpu.memory_space<hbm>>)
        tpu.yield
      }) : () -> ()
    } else {
    }
    return
  }
}

#map = affine_map<(d0, d1) -> (0, 0)>
#map1 = affine_map<(d0, d1) -> (0)>
#map2 = affine_map<(d0, d1) -> (0, 0, 0)>
module attributes {stable_mosaic.version = 14 : i64} {
  func.func @agg_kernel(%arg0: i32, %arg1: i32, %arg2: memref<10000x128xf32, #tpu.memory_space<hbm>>, %arg3: memref<320000xi32, #tpu.memory_space<hbm>>, %arg4: memref<320000xi32, #tpu.memory_space<hbm>>, %arg5: memref<10000x128xf32, #tpu.memory_space<hbm>>, %arg6: memref<2x10000x128xf32, #tpu.memory_space<hbm>>, %arg7: memref<80xi32, #tpu.memory_space<vmem>>, %arg8: memref<80xi32, #tpu.memory_space<vmem>>, %arg9: memref<80xi32, #tpu.memory_space<vmem>>, %arg10: memref<80xi32, #tpu.memory_space<vmem>>, %arg11: memref<80xi32, #tpu.memory_space<vmem>>, %arg12: memref<80xi32, #tpu.memory_space<vmem>>, %arg13: memref<80xi32, #tpu.memory_space<vmem>>, %arg14: memref<80xi32, #tpu.memory_space<vmem>>, %arg15: memref<80x128xf32, #tpu.memory_space<vmem>>, %arg16: memref<80x128xf32, #tpu.memory_space<vmem>>, %arg17: memref<80x128xf32, #tpu.memory_space<vmem>>, %arg18: memref<80x128xf32, #tpu.memory_space<vmem>>, %arg19: memref<!tpu.dma_semaphore, #tpu.memory_space<semaphore_mem>>, %arg20: memref<!tpu.dma_semaphore, #tpu.memory_space<semaphore_mem>>, %arg21: memref<!tpu.dma_semaphore, #tpu.memory_space<semaphore_mem>>, %arg22: memref<!tpu.dma_semaphore, #tpu.memory_space<semaphore_mem>>, %arg23: memref<!tpu.dma_semaphore, #tpu.memory_space<semaphore_mem>>, %arg24: memref<!tpu.dma_semaphore, #tpu.memory_space<semaphore_mem>>, %arg25: memref<!tpu.dma_semaphore, #tpu.memory_space<semaphore_mem>>, %arg26: memref<!tpu.dma_semaphore, #tpu.memory_space<semaphore_mem>>, %arg27: memref<!tpu.dma_semaphore, #tpu.memory_space<semaphore_mem>>, %arg28: memref<!tpu.dma_semaphore, #tpu.memory_space<semaphore_mem>>, %arg29: memref<!tpu.dma_semaphore, #tpu.memory_space<semaphore_mem>>, %arg30: memref<!tpu.dma_semaphore, #tpu.memory_space<semaphore_mem>>, %arg31: memref<!tpu.dma_semaphore, #tpu.memory_space<semaphore_mem>>, %arg32: memref<!tpu.dma_semaphore, #tpu.memory_space<semaphore_mem>>, %arg33: memref<!tpu.dma_semaphore, #tpu.memory_space<semaphore_mem>>, %arg34: memref<!tpu.dma_semaphore, #tpu.memory_space<semaphore_mem>>, %arg35: memref<10000x128xf32, #tpu.memory_space<vmem_shared>>) attributes {dimension_semantics = [#tpu.dimension_semantics<core_parallel>, #tpu.dimension_semantics<subcore_parallel>], iteration_bounds = array<i64: 2, 16>, scalar_prefetch = 0 : i64, scratch_operands = 29 : i64, tpu.core_type = #tpu.core_type<sc_vector_subcore>, window_params = [{transform_indices = #map}, {transform_indices = #map1}, {transform_indices = #map1}, {transform_indices = #map}, {transform_indices = #map2}]} {
    %mul3A = arith.constant 16 : i32
    %mul3A_0 = arith.muli %arg0, %mul3A : i32
    %add3A = arith.addi %mul3A_0, %arg1 : i32
    %mul3A_1 = arith.constant 624 : i32
    %mul3A_2 = arith.muli %arg1, %mul3A_1 : i32
    %mul3A_3 = arith.constant 624 : i32
    %mul3A_4 = arith.muli %arg1, %mul3A_3 : i32
    "tpu.region"() ({
      %run_scoped3A = tpu.sem_alloc : memref<!tpu.dma_semaphore, #tpu.memory_space<semaphore_mem>>
      %dma_start3A_41 = arith.constant 0 : i32
      %dma_start3A_42 = tpu.memref_slice %arg35[%mul3A_4, %dma_start3A_41] : memref<10000x128xf32, #tpu.memory_space<vmem_shared>> -> memref<624x128xf32, #tpu.memory_space<vmem_shared>>
      %dma_start3A_43 = arith.constant 0 : i32
      %dma_start3A_44 = tpu.memref_slice %arg5[%mul3A_2, %dma_start3A_43] : memref<10000x128xf32, #tpu.memory_space<hbm>> -> memref<624x128xf32, #tpu.memory_space<hbm>>
      tpu.enqueue_dma source(%dma_start3A_44 : memref<624x128xf32, #tpu.memory_space<hbm>>) target(%dma_start3A_42 : memref<624x128xf32, #tpu.memory_space<vmem_shared>>) target_semaphore(%run_scoped3A : memref<!tpu.dma_semaphore, #tpu.memory_space<semaphore_mem>>)
      %dma_wait3A_45 = arith.constant 0 : i32
      %dma_wait3A_46 = tpu.memref_slice %arg35[%mul3A_4, %dma_wait3A_45] : memref<10000x128xf32, #tpu.memory_space<vmem_shared>> -> memref<624x128xf32, #tpu.memory_space<vmem_shared>>
      %dma_wait3A_47 = arith.constant 0 : i32
      %dma_wait3A_48 = tpu.memref_slice %arg5[%mul3A_2, %dma_wait3A_47] : memref<10000x128xf32, #tpu.memory_space<hbm>> -> memref<624x128xf32, #tpu.memory_space<hbm>>
      tpu.wait_dma2 semaphore(%run_scoped3A : memref<!tpu.dma_semaphore, #tpu.memory_space<semaphore_mem>>) src(%dma_wait3A_48 : memref<624x128xf32, #tpu.memory_space<hbm>>) dst(%dma_wait3A_46 : memref<624x128xf32, #tpu.memory_space<vmem_shared>>)
      tpu.yield
    }) : () -> ()
    %eq3A = arith.constant 15 : i32
    %eq3A_5 = arith.cmpi eq, %arg1, %eq3A : i32
    %convert_element_type3A = arith.extui %eq3A_5 : i1 to i32
    %cond3A = arith.constant 0 : i32
    %cond3A_6 = arith.cmpi ne, %convert_element_type3A, %cond3A : i32
    scf.if %cond3A_6 {
      "tpu.region"() ({
        %run_scoped3A = tpu.sem_alloc : memref<!tpu.dma_semaphore, #tpu.memory_space<semaphore_mem>>
        %dma_start3A_41 = arith.constant 9984 : i32
        %dma_start3A_42 = arith.constant 0 : i32
        %dma_start3A_43 = tpu.memref_slice %arg35[%dma_start3A_41, %dma_start3A_42] : memref<10000x128xf32, #tpu.memory_space<vmem_shared>> -> memref<16x128xf32, #tpu.memory_space<vmem_shared>>
        %dma_start3A_44 = arith.constant 9984 : i32
        %dma_start3A_45 = arith.constant 0 : i32
        %dma_start3A_46 = tpu.memref_slice %arg5[%dma_start3A_44, %dma_start3A_45] : memref<10000x128xf32, #tpu.memory_space<hbm>> -> memref<16x128xf32, #tpu.memory_space<hbm>>
        tpu.enqueue_dma source(%dma_start3A_46 : memref<16x128xf32, #tpu.memory_space<hbm>>) target(%dma_start3A_43 : memref<16x128xf32, #tpu.memory_space<vmem_shared>>) target_semaphore(%run_scoped3A : memref<!tpu.dma_semaphore, #tpu.memory_space<semaphore_mem>>)
        %dma_wait3A_47 = arith.constant 9984 : i32
        %dma_wait3A_48 = arith.constant 0 : i32
        %dma_wait3A_49 = tpu.memref_slice %arg35[%dma_wait3A_47, %dma_wait3A_48] : memref<10000x128xf32, #tpu.memory_space<vmem_shared>> -> memref<16x128xf32, #tpu.memory_space<vmem_shared>>
        %dma_wait3A_50 = arith.constant 9984 : i32
        %dma_wait3A_51 = arith.constant 0 : i32
        %dma_wait3A_52 = tpu.memref_slice %arg5[%dma_wait3A_50, %dma_wait3A_51] : memref<10000x128xf32, #tpu.memory_space<hbm>> -> memref<16x128xf32, #tpu.memory_space<hbm>>
        tpu.wait_dma2 semaphore(%run_scoped3A : memref<!tpu.dma_semaphore, #tpu.memory_space<semaphore_mem>>) src(%dma_wait3A_52 : memref<16x128xf32, #tpu.memory_space<hbm>>) dst(%dma_wait3A_49 : memref<16x128xf32, #tpu.memory_space<vmem_shared>>)
        tpu.yield
      }) : () -> ()
    } else {
    }
    %barrier3A = arith.constant 0 : index
    tpu.barrier barrier_id(%barrier3A)
    %scan3A = arith.constant 0 : i32
    %scan3A_7 = arith.constant 31 : i32
    %scan3A_8 = arith.addi %scan3A, %scan3A_7 : i32
    %scan3A_9 = arith.constant 1 : i32
    scf.for %scan3A_41 = %scan3A to %scan3A_8 step %scan3A_9  : i32 {
      %mul3A_42 = arith.constant 4 : i32
      %mul3A_43 = arith.muli %scan3A_41, %mul3A_42 : i32
      %add3A_44 = arith.constant 0 : i32
      %add3A_45 = arith.addi %add3A_44, %mul3A_43 : i32
      %gt3A = arith.constant 0 : i32
      %gt3A_46 = arith.cmpi sgt, %add3A_45, %gt3A : i32
      %convert_element_type3A_47 = arith.extui %gt3A_46 : i1 to i32
      %cond3A_48 = arith.constant 0 : i32
      %cond3A_49 = arith.cmpi ne, %convert_element_type3A_47, %cond3A_48 : i32
      scf.if %cond3A_49 {
        %dma_wait3A_146 = arith.constant 0 : i32
        %dma_wait3A_147 = arith.constant 0 : i32
        %dma_wait3A_148 = tpu.memref_slice %arg35[%dma_wait3A_146, %dma_wait3A_147] : memref<10000x128xf32, #tpu.memory_space<vmem_shared>> -> memref<10000x128xf32, #tpu.memory_space<vmem_shared>>
        tpu.wait_indirect_dma semaphore(%arg23 : memref<!tpu.dma_semaphore, #tpu.memory_space<semaphore_mem>>) src(%arg15 : memref<80x128xf32, #tpu.memory_space<vmem>>) dst(%dma_wait3A_148 : memref<10000x128xf32, #tpu.memory_space<vmem_shared>>)
        %dma_wait3A_149 = arith.constant 0 : i32
        %dma_wait3A_150 = arith.constant 0 : i32
        %dma_wait3A_151 = tpu.memref_slice %arg35[%dma_wait3A_149, %dma_wait3A_150] : memref<10000x128xf32, #tpu.memory_space<vmem_shared>> -> memref<10000x128xf32, #tpu.memory_space<vmem_shared>>
        tpu.wait_indirect_dma semaphore(%arg24 : memref<!tpu.dma_semaphore, #tpu.memory_space<semaphore_mem>>) src(%arg16 : memref<80x128xf32, #tpu.memory_space<vmem>>) dst(%dma_wait3A_151 : memref<10000x128xf32, #tpu.memory_space<vmem_shared>>)
        %dma_wait3A_152 = arith.constant 0 : i32
        %dma_wait3A_153 = arith.constant 0 : i32
        %dma_wait3A_154 = tpu.memref_slice %arg35[%dma_wait3A_152, %dma_wait3A_153] : memref<10000x128xf32, #tpu.memory_space<vmem_shared>> -> memref<10000x128xf32, #tpu.memory_space<vmem_shared>>
        tpu.wait_indirect_dma semaphore(%arg25 : memref<!tpu.dma_semaphore, #tpu.memory_space<semaphore_mem>>) src(%arg17 : memref<80x128xf32, #tpu.memory_space<vmem>>) dst(%dma_wait3A_154 : memref<10000x128xf32, #tpu.memory_space<vmem_shared>>)
        %dma_wait3A_155 = arith.constant 0 : i32
        %dma_wait3A_156 = arith.constant 0 : i32
        %dma_wait3A_157 = tpu.memref_slice %arg35[%dma_wait3A_155, %dma_wait3A_156] : memref<10000x128xf32, #tpu.memory_space<vmem_shared>> -> memref<10000x128xf32, #tpu.memory_space<vmem_shared>>
        tpu.wait_indirect_dma semaphore(%arg26 : memref<!tpu.dma_semaphore, #tpu.memory_space<semaphore_mem>>) src(%arg18 : memref<80x128xf32, #tpu.memory_space<vmem>>) dst(%dma_wait3A_157 : memref<10000x128xf32, #tpu.memory_space<vmem_shared>>)
      } else {
      }
      %mul3A_50 = arith.constant 10000 : i32
      %mul3A_51 = arith.muli %add3A, %mul3A_50 : i32
      %add3A_52 = arith.constant 0 : i32
      %add3A_53 = arith.addi %add3A_45, %add3A_52 : i32
      %mul3A_54 = arith.constant 80 : i32
      %mul3A_55 = arith.muli %add3A_53, %mul3A_54 : i32
      %add3A_56 = arith.addi %mul3A_51, %mul3A_55 : i32
      %dma_start3A_57 = tpu.memref_slice %arg3[%add3A_56] : memref<320000xi32, #tpu.memory_space<hbm>> -> memref<80xi32, #tpu.memory_space<hbm>>
      %dma_start3A_58 = tpu.memref_slice %arg3[%add3A_56] : memref<320000xi32, #tpu.memory_space<hbm>> -> memref<80xi32, #tpu.memory_space<hbm>>
      tpu.enqueue_dma source(%dma_start3A_58 : memref<80xi32, #tpu.memory_space<hbm>>) target(%arg7 : memref<80xi32, #tpu.memory_space<vmem>>) target_semaphore(%arg27 : memref<!tpu.dma_semaphore, #tpu.memory_space<semaphore_mem>>)
      %dma_start3A_59 = tpu.memref_slice %arg4[%add3A_56] : memref<320000xi32, #tpu.memory_space<hbm>> -> memref<80xi32, #tpu.memory_space<hbm>>
      %dma_start3A_60 = tpu.memref_slice %arg4[%add3A_56] : memref<320000xi32, #tpu.memory_space<hbm>> -> memref<80xi32, #tpu.memory_space<hbm>>
      tpu.enqueue_dma source(%dma_start3A_60 : memref<80xi32, #tpu.memory_space<hbm>>) target(%arg11 : memref<80xi32, #tpu.memory_space<vmem>>) target_semaphore(%arg31 : memref<!tpu.dma_semaphore, #tpu.memory_space<semaphore_mem>>)
      %mul3A_61 = arith.constant 10000 : i32
      %mul3A_62 = arith.muli %add3A, %mul3A_61 : i32
      %add3A_63 = arith.constant 1 : i32
      %add3A_64 = arith.addi %add3A_45, %add3A_63 : i32
      %mul3A_65 = arith.constant 80 : i32
      %mul3A_66 = arith.muli %add3A_64, %mul3A_65 : i32
      %add3A_67 = arith.addi %mul3A_62, %mul3A_66 : i32
      %dma_start3A_68 = tpu.memref_slice %arg3[%add3A_67] : memref<320000xi32, #tpu.memory_space<hbm>> -> memref<80xi32, #tpu.memory_space<hbm>>
      %dma_start3A_69 = tpu.memref_slice %arg3[%add3A_67] : memref<320000xi32, #tpu.memory_space<hbm>> -> memref<80xi32, #tpu.memory_space<hbm>>
      tpu.enqueue_dma source(%dma_start3A_69 : memref<80xi32, #tpu.memory_space<hbm>>) target(%arg8 : memref<80xi32, #tpu.memory_space<vmem>>) target_semaphore(%arg28 : memref<!tpu.dma_semaphore, #tpu.memory_space<semaphore_mem>>)
      %dma_start3A_70 = tpu.memref_slice %arg4[%add3A_67] : memref<320000xi32, #tpu.memory_space<hbm>> -> memref<80xi32, #tpu.memory_space<hbm>>
      %dma_start3A_71 = tpu.memref_slice %arg4[%add3A_67] : memref<320000xi32, #tpu.memory_space<hbm>> -> memref<80xi32, #tpu.memory_space<hbm>>
      tpu.enqueue_dma source(%dma_start3A_71 : memref<80xi32, #tpu.memory_space<hbm>>) target(%arg12 : memref<80xi32, #tpu.memory_space<vmem>>) target_semaphore(%arg32 : memref<!tpu.dma_semaphore, #tpu.memory_space<semaphore_mem>>)
      %mul3A_72 = arith.constant 10000 : i32
      %mul3A_73 = arith.muli %add3A, %mul3A_72 : i32
      %add3A_74 = arith.constant 2 : i32
      %add3A_75 = arith.addi %add3A_45, %add3A_74 : i32
      %mul3A_76 = arith.constant 80 : i32
      %mul3A_77 = arith.muli %add3A_75, %mul3A_76 : i32
      %add3A_78 = arith.addi %mul3A_73, %mul3A_77 : i32
      %dma_start3A_79 = tpu.memref_slice %arg3[%add3A_78] : memref<320000xi32, #tpu.memory_space<hbm>> -> memref<80xi32, #tpu.memory_space<hbm>>
      %dma_start3A_80 = tpu.memref_slice %arg3[%add3A_78] : memref<320000xi32, #tpu.memory_space<hbm>> -> memref<80xi32, #tpu.memory_space<hbm>>
      tpu.enqueue_dma source(%dma_start3A_80 : memref<80xi32, #tpu.memory_space<hbm>>) target(%arg9 : memref<80xi32, #tpu.memory_space<vmem>>) target_semaphore(%arg29 : memref<!tpu.dma_semaphore, #tpu.memory_space<semaphore_mem>>)
      %dma_start3A_81 = tpu.memref_slice %arg4[%add3A_78] : memref<320000xi32, #tpu.memory_space<hbm>> -> memref<80xi32, #tpu.memory_space<hbm>>
      %dma_start3A_82 = tpu.memref_slice %arg4[%add3A_78] : memref<320000xi32, #tpu.memory_space<hbm>> -> memref<80xi32, #tpu.memory_space<hbm>>
      tpu.enqueue_dma source(%dma_start3A_82 : memref<80xi32, #tpu.memory_space<hbm>>) target(%arg13 : memref<80xi32, #tpu.memory_space<vmem>>) target_semaphore(%arg33 : memref<!tpu.dma_semaphore, #tpu.memory_space<semaphore_mem>>)
      %mul3A_83 = arith.constant 10000 : i32
      %mul3A_84 = arith.muli %add3A, %mul3A_83 : i32
      %add3A_85 = arith.constant 3 : i32
      %add3A_86 = arith.addi %add3A_45, %add3A_85 : i32
      %mul3A_87 = arith.constant 80 : i32
      %mul3A_88 = arith.muli %add3A_86, %mul3A_87 : i32
      %add3A_89 = arith.addi %mul3A_84, %mul3A_88 : i32
      %dma_start3A_90 = tpu.memref_slice %arg3[%add3A_89] : memref<320000xi32, #tpu.memory_space<hbm>> -> memref<80xi32, #tpu.memory_space<hbm>>
      %dma_start3A_91 = tpu.memref_slice %arg3[%add3A_89] : memref<320000xi32, #tpu.memory_space<hbm>> -> memref<80xi32, #tpu.memory_space<hbm>>
      tpu.enqueue_dma source(%dma_start3A_91 : memref<80xi32, #tpu.memory_space<hbm>>) target(%arg10 : memref<80xi32, #tpu.memory_space<vmem>>) target_semaphore(%arg30 : memref<!tpu.dma_semaphore, #tpu.memory_space<semaphore_mem>>)
      %dma_start3A_92 = tpu.memref_slice %arg4[%add3A_89] : memref<320000xi32, #tpu.memory_space<hbm>> -> memref<80xi32, #tpu.memory_space<hbm>>
      %dma_start3A_93 = tpu.memref_slice %arg4[%add3A_89] : memref<320000xi32, #tpu.memory_space<hbm>> -> memref<80xi32, #tpu.memory_space<hbm>>
      tpu.enqueue_dma source(%dma_start3A_93 : memref<80xi32, #tpu.memory_space<hbm>>) target(%arg14 : memref<80xi32, #tpu.memory_space<vmem>>) target_semaphore(%arg34 : memref<!tpu.dma_semaphore, #tpu.memory_space<semaphore_mem>>)
      %dma_wait3A_94 = tpu.memref_slice %arg3[%add3A_56] : memref<320000xi32, #tpu.memory_space<hbm>> -> memref<80xi32, #tpu.memory_space<hbm>>
      %dma_wait3A_95 = tpu.memref_slice %arg3[%add3A_56] : memref<320000xi32, #tpu.memory_space<hbm>> -> memref<80xi32, #tpu.memory_space<hbm>>
      tpu.wait_dma2 semaphore(%arg27 : memref<!tpu.dma_semaphore, #tpu.memory_space<semaphore_mem>>) src(%dma_wait3A_95 : memref<80xi32, #tpu.memory_space<hbm>>) dst(%arg7 : memref<80xi32, #tpu.memory_space<vmem>>)
      %dma_start3A_96 = arith.constant 0 : i32
      %dma_start3A_97 = arith.constant 0 : i32
      %dma_start3A_98 = tpu.memref_slice %arg2[%dma_start3A_96, %dma_start3A_97] : memref<10000x128xf32, #tpu.memory_space<hbm>> -> memref<10000x128xf32, #tpu.memory_space<hbm>>
      tpu.enqueue_indirect_dma source(%dma_start3A_98 : memref<10000x128xf32, #tpu.memory_space<hbm>>) target(%arg15 : memref<80x128xf32, #tpu.memory_space<vmem>>) offsets(%arg7 : memref<80xi32, #tpu.memory_space<vmem>>) semaphore(%arg19 : memref<!tpu.dma_semaphore, #tpu.memory_space<semaphore_mem>>)
      %dma_wait3A_99 = tpu.memref_slice %arg3[%add3A_67] : memref<320000xi32, #tpu.memory_space<hbm>> -> memref<80xi32, #tpu.memory_space<hbm>>
      %dma_wait3A_100 = tpu.memref_slice %arg3[%add3A_67] : memref<320000xi32, #tpu.memory_space<hbm>> -> memref<80xi32, #tpu.memory_space<hbm>>
      tpu.wait_dma2 semaphore(%arg28 : memref<!tpu.dma_semaphore, #tpu.memory_space<semaphore_mem>>) src(%dma_wait3A_100 : memref<80xi32, #tpu.memory_space<hbm>>) dst(%arg8 : memref<80xi32, #tpu.memory_space<vmem>>)
      %dma_start3A_101 = arith.constant 0 : i32
      %dma_start3A_102 = arith.constant 0 : i32
      %dma_start3A_103 = tpu.memref_slice %arg2[%dma_start3A_101, %dma_start3A_102] : memref<10000x128xf32, #tpu.memory_space<hbm>> -> memref<10000x128xf32, #tpu.memory_space<hbm>>
      tpu.enqueue_indirect_dma source(%dma_start3A_103 : memref<10000x128xf32, #tpu.memory_space<hbm>>) target(%arg16 : memref<80x128xf32, #tpu.memory_space<vmem>>) offsets(%arg8 : memref<80xi32, #tpu.memory_space<vmem>>) semaphore(%arg20 : memref<!tpu.dma_semaphore, #tpu.memory_space<semaphore_mem>>)
      %dma_wait3A_104 = tpu.memref_slice %arg3[%add3A_78] : memref<320000xi32, #tpu.memory_space<hbm>> -> memref<80xi32, #tpu.memory_space<hbm>>
      %dma_wait3A_105 = tpu.memref_slice %arg3[%add3A_78] : memref<320000xi32, #tpu.memory_space<hbm>> -> memref<80xi32, #tpu.memory_space<hbm>>
      tpu.wait_dma2 semaphore(%arg29 : memref<!tpu.dma_semaphore, #tpu.memory_space<semaphore_mem>>) src(%dma_wait3A_105 : memref<80xi32, #tpu.memory_space<hbm>>) dst(%arg9 : memref<80xi32, #tpu.memory_space<vmem>>)
      %dma_start3A_106 = arith.constant 0 : i32
      %dma_start3A_107 = arith.constant 0 : i32
      %dma_start3A_108 = tpu.memref_slice %arg2[%dma_start3A_106, %dma_start3A_107] : memref<10000x128xf32, #tpu.memory_space<hbm>> -> memref<10000x128xf32, #tpu.memory_space<hbm>>
      tpu.enqueue_indirect_dma source(%dma_start3A_108 : memref<10000x128xf32, #tpu.memory_space<hbm>>) target(%arg17 : memref<80x128xf32, #tpu.memory_space<vmem>>) offsets(%arg9 : memref<80xi32, #tpu.memory_space<vmem>>) semaphore(%arg21 : memref<!tpu.dma_semaphore, #tpu.memory_space<semaphore_mem>>)
      %dma_wait3A_109 = tpu.memref_slice %arg3[%add3A_89] : memref<320000xi32, #tpu.memory_space<hbm>> -> memref<80xi32, #tpu.memory_space<hbm>>
      %dma_wait3A_110 = tpu.memref_slice %arg3[%add3A_89] : memref<320000xi32, #tpu.memory_space<hbm>> -> memref<80xi32, #tpu.memory_space<hbm>>
      tpu.wait_dma2 semaphore(%arg30 : memref<!tpu.dma_semaphore, #tpu.memory_space<semaphore_mem>>) src(%dma_wait3A_110 : memref<80xi32, #tpu.memory_space<hbm>>) dst(%arg10 : memref<80xi32, #tpu.memory_space<vmem>>)
      %dma_start3A_111 = arith.constant 0 : i32
      %dma_start3A_112 = arith.constant 0 : i32
      %dma_start3A_113 = tpu.memref_slice %arg2[%dma_start3A_111, %dma_start3A_112] : memref<10000x128xf32, #tpu.memory_space<hbm>> -> memref<10000x128xf32, #tpu.memory_space<hbm>>
      tpu.enqueue_indirect_dma source(%dma_start3A_113 : memref<10000x128xf32, #tpu.memory_space<hbm>>) target(%arg18 : memref<80x128xf32, #tpu.memory_space<vmem>>) offsets(%arg10 : memref<80xi32, #tpu.memory_space<vmem>>) semaphore(%arg22 : memref<!tpu.dma_semaphore, #tpu.memory_space<semaphore_mem>>)
      %dma_wait3A_114 = arith.constant 0 : i32
      %dma_wait3A_115 = arith.constant 0 : i32
      %dma_wait3A_116 = tpu.memref_slice %arg2[%dma_wait3A_114, %dma_wait3A_115] : memref<10000x128xf32, #tpu.memory_space<hbm>> -> memref<10000x128xf32, #tpu.memory_space<hbm>>
      tpu.wait_indirect_dma semaphore(%arg19 : memref<!tpu.dma_semaphore, #tpu.memory_space<semaphore_mem>>) src(%dma_wait3A_116 : memref<10000x128xf32, #tpu.memory_space<hbm>>) dst(%arg15 : memref<80x128xf32, #tpu.memory_space<vmem>>)
      %dma_wait3A_117 = tpu.memref_slice %arg4[%add3A_56] : memref<320000xi32, #tpu.memory_space<hbm>> -> memref<80xi32, #tpu.memory_space<hbm>>
      %dma_wait3A_118 = tpu.memref_slice %arg4[%add3A_56] : memref<320000xi32, #tpu.memory_space<hbm>> -> memref<80xi32, #tpu.memory_space<hbm>>
      tpu.wait_dma2 semaphore(%arg31 : memref<!tpu.dma_semaphore, #tpu.memory_space<semaphore_mem>>) src(%dma_wait3A_118 : memref<80xi32, #tpu.memory_space<hbm>>) dst(%arg11 : memref<80xi32, #tpu.memory_space<vmem>>)
      %dma_start3A_119 = arith.constant 0 : i32
      %dma_start3A_120 = arith.constant 0 : i32
      %dma_start3A_121 = tpu.memref_slice %arg35[%dma_start3A_119, %dma_start3A_120] : memref<10000x128xf32, #tpu.memory_space<vmem_shared>> -> memref<10000x128xf32, #tpu.memory_space<vmem_shared>>
      tpu.enqueue_indirect_dma source(%arg15 : memref<80x128xf32, #tpu.memory_space<vmem>>) target(%dma_start3A_121 : memref<10000x128xf32, #tpu.memory_space<vmem_shared>>) offsets(%arg11 : memref<80xi32, #tpu.memory_space<vmem>>) semaphore(%arg23 : memref<!tpu.dma_semaphore, #tpu.memory_space<semaphore_mem>>) {add = true}
      %dma_wait3A_122 = arith.constant 0 : i32
      %dma_wait3A_123 = arith.constant 0 : i32
      %dma_wait3A_124 = tpu.memref_slice %arg2[%dma_wait3A_122, %dma_wait3A_123] : memref<10000x128xf32, #tpu.memory_space<hbm>> -> memref<10000x128xf32, #tpu.memory_space<hbm>>
      tpu.wait_indirect_dma semaphore(%arg20 : memref<!tpu.dma_semaphore, #tpu.memory_space<semaphore_mem>>) src(%dma_wait3A_124 : memref<10000x128xf32, #tpu.memory_space<hbm>>) dst(%arg16 : memref<80x128xf32, #tpu.memory_space<vmem>>)
      %dma_wait3A_125 = tpu.memref_slice %arg4[%add3A_67] : memref<320000xi32, #tpu.memory_space<hbm>> -> memref<80xi32, #tpu.memory_space<hbm>>
      %dma_wait3A_126 = tpu.memref_slice %arg4[%add3A_67] : memref<320000xi32, #tpu.memory_space<hbm>> -> memref<80xi32, #tpu.memory_space<hbm>>
      tpu.wait_dma2 semaphore(%arg32 : memref<!tpu.dma_semaphore, #tpu.memory_space<semaphore_mem>>) src(%dma_wait3A_126 : memref<80xi32, #tpu.memory_space<hbm>>) dst(%arg12 : memref<80xi32, #tpu.memory_space<vmem>>)
      %dma_start3A_127 = arith.constant 0 : i32
      %dma_start3A_128 = arith.constant 0 : i32
      %dma_start3A_129 = tpu.memref_slice %arg35[%dma_start3A_127, %dma_start3A_128] : memref<10000x128xf32, #tpu.memory_space<vmem_shared>> -> memref<10000x128xf32, #tpu.memory_space<vmem_shared>>
      tpu.enqueue_indirect_dma source(%arg16 : memref<80x128xf32, #tpu.memory_space<vmem>>) target(%dma_start3A_129 : memref<10000x128xf32, #tpu.memory_space<vmem_shared>>) offsets(%arg12 : memref<80xi32, #tpu.memory_space<vmem>>) semaphore(%arg24 : memref<!tpu.dma_semaphore, #tpu.memory_space<semaphore_mem>>) {add = true}
      %dma_wait3A_130 = arith.constant 0 : i32
      %dma_wait3A_131 = arith.constant 0 : i32
      %dma_wait3A_132 = tpu.memref_slice %arg2[%dma_wait3A_130, %dma_wait3A_131] : memref<10000x128xf32, #tpu.memory_space<hbm>> -> memref<10000x128xf32, #tpu.memory_space<hbm>>
      tpu.wait_indirect_dma semaphore(%arg21 : memref<!tpu.dma_semaphore, #tpu.memory_space<semaphore_mem>>) src(%dma_wait3A_132 : memref<10000x128xf32, #tpu.memory_space<hbm>>) dst(%arg17 : memref<80x128xf32, #tpu.memory_space<vmem>>)
      %dma_wait3A_133 = tpu.memref_slice %arg4[%add3A_78] : memref<320000xi32, #tpu.memory_space<hbm>> -> memref<80xi32, #tpu.memory_space<hbm>>
      %dma_wait3A_134 = tpu.memref_slice %arg4[%add3A_78] : memref<320000xi32, #tpu.memory_space<hbm>> -> memref<80xi32, #tpu.memory_space<hbm>>
      tpu.wait_dma2 semaphore(%arg33 : memref<!tpu.dma_semaphore, #tpu.memory_space<semaphore_mem>>) src(%dma_wait3A_134 : memref<80xi32, #tpu.memory_space<hbm>>) dst(%arg13 : memref<80xi32, #tpu.memory_space<vmem>>)
      %dma_start3A_135 = arith.constant 0 : i32
      %dma_start3A_136 = arith.constant 0 : i32
      %dma_start3A_137 = tpu.memref_slice %arg35[%dma_start3A_135, %dma_start3A_136] : memref<10000x128xf32, #tpu.memory_space<vmem_shared>> -> memref<10000x128xf32, #tpu.memory_space<vmem_shared>>
      tpu.enqueue_indirect_dma source(%arg17 : memref<80x128xf32, #tpu.memory_space<vmem>>) target(%dma_start3A_137 : memref<10000x128xf32, #tpu.memory_space<vmem_shared>>) offsets(%arg13 : memref<80xi32, #tpu.memory_space<vmem>>) semaphore(%arg25 : memref<!tpu.dma_semaphore, #tpu.memory_space<semaphore_mem>>) {add = true}
      %dma_wait3A_138 = arith.constant 0 : i32
      %dma_wait3A_139 = arith.constant 0 : i32
      %dma_wait3A_140 = tpu.memref_slice %arg2[%dma_wait3A_138, %dma_wait3A_139] : memref<10000x128xf32, #tpu.memory_space<hbm>> -> memref<10000x128xf32, #tpu.memory_space<hbm>>
      tpu.wait_indirect_dma semaphore(%arg22 : memref<!tpu.dma_semaphore, #tpu.memory_space<semaphore_mem>>) src(%dma_wait3A_140 : memref<10000x128xf32, #tpu.memory_space<hbm>>) dst(%arg18 : memref<80x128xf32, #tpu.memory_space<vmem>>)
      %dma_wait3A_141 = tpu.memref_slice %arg4[%add3A_89] : memref<320000xi32, #tpu.memory_space<hbm>> -> memref<80xi32, #tpu.memory_space<hbm>>
      %dma_wait3A_142 = tpu.memref_slice %arg4[%add3A_89] : memref<320000xi32, #tpu.memory_space<hbm>> -> memref<80xi32, #tpu.memory_space<hbm>>
      tpu.wait_dma2 semaphore(%arg34 : memref<!tpu.dma_semaphore, #tpu.memory_space<semaphore_mem>>) src(%dma_wait3A_142 : memref<80xi32, #tpu.memory_space<hbm>>) dst(%arg14 : memref<80xi32, #tpu.memory_space<vmem>>)
      %dma_start3A_143 = arith.constant 0 : i32
      %dma_start3A_144 = arith.constant 0 : i32
      %dma_start3A_145 = tpu.memref_slice %arg35[%dma_start3A_143, %dma_start3A_144] : memref<10000x128xf32, #tpu.memory_space<vmem_shared>> -> memref<10000x128xf32, #tpu.memory_space<vmem_shared>>
      tpu.enqueue_indirect_dma source(%arg18 : memref<80x128xf32, #tpu.memory_space<vmem>>) target(%dma_start3A_145 : memref<10000x128xf32, #tpu.memory_space<vmem_shared>>) offsets(%arg14 : memref<80xi32, #tpu.memory_space<vmem>>) semaphore(%arg26 : memref<!tpu.dma_semaphore, #tpu.memory_space<semaphore_mem>>) {add = true}
    }
    %scan3A_10 = arith.constant 31 : i32
    %dma_wait3A = arith.constant 0 : i32
    %dma_wait3A_11 = arith.constant 0 : i32
    %dma_wait3A_12 = tpu.memref_slice %arg35[%dma_wait3A, %dma_wait3A_11] : memref<10000x128xf32, #tpu.memory_space<vmem_shared>> -> memref<10000x128xf32, #tpu.memory_space<vmem_shared>>
    tpu.wait_indirect_dma semaphore(%arg23 : memref<!tpu.dma_semaphore, #tpu.memory_space<semaphore_mem>>) src(%arg15 : memref<80x128xf32, #tpu.memory_space<vmem>>) dst(%dma_wait3A_12 : memref<10000x128xf32, #tpu.memory_space<vmem_shared>>)
    %dma_wait3A_13 = arith.constant 0 : i32
    %dma_wait3A_14 = arith.constant 0 : i32
    %dma_wait3A_15 = tpu.memref_slice %arg35[%dma_wait3A_13, %dma_wait3A_14] : memref<10000x128xf32, #tpu.memory_space<vmem_shared>> -> memref<10000x128xf32, #tpu.memory_space<vmem_shared>>
    tpu.wait_indirect_dma semaphore(%arg24 : memref<!tpu.dma_semaphore, #tpu.memory_space<semaphore_mem>>) src(%arg16 : memref<80x128xf32, #tpu.memory_space<vmem>>) dst(%dma_wait3A_15 : memref<10000x128xf32, #tpu.memory_space<vmem_shared>>)
    %dma_wait3A_16 = arith.constant 0 : i32
    %dma_wait3A_17 = arith.constant 0 : i32
    %dma_wait3A_18 = tpu.memref_slice %arg35[%dma_wait3A_16, %dma_wait3A_17] : memref<10000x128xf32, #tpu.memory_space<vmem_shared>> -> memref<10000x128xf32, #tpu.memory_space<vmem_shared>>
    tpu.wait_indirect_dma semaphore(%arg25 : memref<!tpu.dma_semaphore, #tpu.memory_space<semaphore_mem>>) src(%arg17 : memref<80x128xf32, #tpu.memory_space<vmem>>) dst(%dma_wait3A_18 : memref<10000x128xf32, #tpu.memory_space<vmem_shared>>)
    %dma_wait3A_19 = arith.constant 0 : i32
    %dma_wait3A_20 = arith.constant 0 : i32
    %dma_wait3A_21 = tpu.memref_slice %arg35[%dma_wait3A_19, %dma_wait3A_20] : memref<10000x128xf32, #tpu.memory_space<vmem_shared>> -> memref<10000x128xf32, #tpu.memory_space<vmem_shared>>
    tpu.wait_indirect_dma semaphore(%arg26 : memref<!tpu.dma_semaphore, #tpu.memory_space<semaphore_mem>>) src(%arg18 : memref<80x128xf32, #tpu.memory_space<vmem>>) dst(%dma_wait3A_21 : memref<10000x128xf32, #tpu.memory_space<vmem_shared>>)
    %mul3A_22 = arith.constant 10000 : i32
    %mul3A_23 = arith.muli %add3A, %mul3A_22 : i32
    %add3A_24 = arith.constant 9920 : i32
    %add3A_25 = arith.addi %mul3A_23, %add3A_24 : i32
    "tpu.region"() ({
      %run_scoped3A = tpu.sem_alloc : memref<!tpu.dma_semaphore, #tpu.memory_space<semaphore_mem>>
      %dma_start3A_41 = tpu.memref_slice %arg3[%add3A_25] : memref<320000xi32, #tpu.memory_space<hbm>> -> memref<80xi32, #tpu.memory_space<hbm>>
      %dma_start3A_42 = tpu.memref_slice %arg3[%add3A_25] : memref<320000xi32, #tpu.memory_space<hbm>> -> memref<80xi32, #tpu.memory_space<hbm>>
      tpu.enqueue_dma source(%dma_start3A_42 : memref<80xi32, #tpu.memory_space<hbm>>) target(%arg7 : memref<80xi32, #tpu.memory_space<vmem>>) target_semaphore(%run_scoped3A : memref<!tpu.dma_semaphore, #tpu.memory_space<semaphore_mem>>)
      %dma_wait3A_43 = tpu.memref_slice %arg3[%add3A_25] : memref<320000xi32, #tpu.memory_space<hbm>> -> memref<80xi32, #tpu.memory_space<hbm>>
      %dma_wait3A_44 = tpu.memref_slice %arg3[%add3A_25] : memref<320000xi32, #tpu.memory_space<hbm>> -> memref<80xi32, #tpu.memory_space<hbm>>
      tpu.wait_dma2 semaphore(%run_scoped3A : memref<!tpu.dma_semaphore, #tpu.memory_space<semaphore_mem>>) src(%dma_wait3A_44 : memref<80xi32, #tpu.memory_space<hbm>>) dst(%arg7 : memref<80xi32, #tpu.memory_space<vmem>>)
      tpu.yield
    }) : () -> ()
    "tpu.region"() ({
      %run_scoped3A = tpu.sem_alloc : memref<!tpu.dma_semaphore, #tpu.memory_space<semaphore_mem>>
      %dma_start3A_41 = tpu.memref_slice %arg4[%add3A_25] : memref<320000xi32, #tpu.memory_space<hbm>> -> memref<80xi32, #tpu.memory_space<hbm>>
      %dma_start3A_42 = tpu.memref_slice %arg4[%add3A_25] : memref<320000xi32, #tpu.memory_space<hbm>> -> memref<80xi32, #tpu.memory_space<hbm>>
      tpu.enqueue_dma source(%dma_start3A_42 : memref<80xi32, #tpu.memory_space<hbm>>) target(%arg11 : memref<80xi32, #tpu.memory_space<vmem>>) target_semaphore(%run_scoped3A : memref<!tpu.dma_semaphore, #tpu.memory_space<semaphore_mem>>)
      %dma_wait3A_43 = tpu.memref_slice %arg4[%add3A_25] : memref<320000xi32, #tpu.memory_space<hbm>> -> memref<80xi32, #tpu.memory_space<hbm>>
      %dma_wait3A_44 = tpu.memref_slice %arg4[%add3A_25] : memref<320000xi32, #tpu.memory_space<hbm>> -> memref<80xi32, #tpu.memory_space<hbm>>
      tpu.wait_dma2 semaphore(%run_scoped3A : memref<!tpu.dma_semaphore, #tpu.memory_space<semaphore_mem>>) src(%dma_wait3A_44 : memref<80xi32, #tpu.memory_space<hbm>>) dst(%arg11 : memref<80xi32, #tpu.memory_space<vmem>>)
      tpu.yield
    }) : () -> ()
    %dma_start3A = arith.constant 0 : i32
    %dma_start3A_26 = arith.constant 0 : i32
    %dma_start3A_27 = tpu.memref_slice %arg2[%dma_start3A, %dma_start3A_26] : memref<10000x128xf32, #tpu.memory_space<hbm>> -> memref<10000x128xf32, #tpu.memory_space<hbm>>
    tpu.enqueue_indirect_dma source(%dma_start3A_27 : memref<10000x128xf32, #tpu.memory_space<hbm>>) target(%arg15 : memref<80x128xf32, #tpu.memory_space<vmem>>) offsets(%arg7 : memref<80xi32, #tpu.memory_space<vmem>>) semaphore(%arg19 : memref<!tpu.dma_semaphore, #tpu.memory_space<semaphore_mem>>)
    %dma_wait3A_28 = arith.constant 0 : i32
    %dma_wait3A_29 = arith.constant 0 : i32
    %dma_wait3A_30 = tpu.memref_slice %arg2[%dma_wait3A_28, %dma_wait3A_29] : memref<10000x128xf32, #tpu.memory_space<hbm>> -> memref<10000x128xf32, #tpu.memory_space<hbm>>
    tpu.wait_indirect_dma semaphore(%arg19 : memref<!tpu.dma_semaphore, #tpu.memory_space<semaphore_mem>>) src(%dma_wait3A_30 : memref<10000x128xf32, #tpu.memory_space<hbm>>) dst(%arg15 : memref<80x128xf32, #tpu.memory_space<vmem>>)
    "tpu.region"() ({
      %run_scoped3A = tpu.sem_alloc : memref<!tpu.dma_semaphore, #tpu.memory_space<semaphore_mem>>
      %dma_start3A_41 = arith.constant 0 : i32
      %dma_start3A_42 = arith.constant 0 : i32
      %dma_start3A_43 = tpu.memref_slice %arg35[%dma_start3A_41, %dma_start3A_42] : memref<10000x128xf32, #tpu.memory_space<vmem_shared>> -> memref<10000x128xf32, #tpu.memory_space<vmem_shared>>
      tpu.enqueue_indirect_dma source(%arg15 : memref<80x128xf32, #tpu.memory_space<vmem>>) target(%dma_start3A_43 : memref<10000x128xf32, #tpu.memory_space<vmem_shared>>) offsets(%arg11 : memref<80xi32, #tpu.memory_space<vmem>>) semaphore(%run_scoped3A : memref<!tpu.dma_semaphore, #tpu.memory_space<semaphore_mem>>) {add = true}
      %dma_wait3A_44 = arith.constant 0 : i32
      %dma_wait3A_45 = arith.constant 0 : i32
      %dma_wait3A_46 = tpu.memref_slice %arg35[%dma_wait3A_44, %dma_wait3A_45] : memref<10000x128xf32, #tpu.memory_space<vmem_shared>> -> memref<10000x128xf32, #tpu.memory_space<vmem_shared>>
      tpu.wait_indirect_dma semaphore(%run_scoped3A : memref<!tpu.dma_semaphore, #tpu.memory_space<semaphore_mem>>) src(%arg15 : memref<80x128xf32, #tpu.memory_space<vmem>>) dst(%dma_wait3A_46 : memref<10000x128xf32, #tpu.memory_space<vmem_shared>>)
      tpu.yield
    }) : () -> ()
    %barrier3A_31 = arith.constant 0 : index
    tpu.barrier barrier_id(%barrier3A_31)
    %mul3A_32 = arith.constant 624 : i32
    %mul3A_33 = arith.muli %arg1, %mul3A_32 : i32
    %mul3A_34 = arith.constant 624 : i32
    %mul3A_35 = arith.muli %arg1, %mul3A_34 : i32
    "tpu.region"() ({
      %run_scoped3A = tpu.sem_alloc : memref<!tpu.dma_semaphore, #tpu.memory_space<semaphore_mem>>
      %dma_start3A_41 = arith.constant 0 : i32
      %dma_start3A_42 = tpu.memref_slice %arg6[%arg0, %mul3A_35, %dma_start3A_41] : memref<2x10000x128xf32, #tpu.memory_space<hbm>> -> memref<1x624x128xf32, #tpu.memory_space<hbm>>
      %dma_start3A_43 = tpu.memref_squeeze %dma_start3A_42 : memref<1x624x128xf32, #tpu.memory_space<hbm>> -> memref<624x128xf32, #tpu.memory_space<hbm>>
      %dma_start3A_44 = arith.constant 0 : i32
      %dma_start3A_45 = tpu.memref_slice %arg35[%mul3A_33, %dma_start3A_44] : memref<10000x128xf32, #tpu.memory_space<vmem_shared>> -> memref<624x128xf32, #tpu.memory_space<vmem_shared>>
      tpu.enqueue_dma source(%dma_start3A_45 : memref<624x128xf32, #tpu.memory_space<vmem_shared>>) target(%dma_start3A_43 : memref<624x128xf32, #tpu.memory_space<hbm>>) target_semaphore(%run_scoped3A : memref<!tpu.dma_semaphore, #tpu.memory_space<semaphore_mem>>)
      %dma_wait3A_46 = arith.constant 0 : i32
      %dma_wait3A_47 = tpu.memref_slice %arg6[%arg0, %mul3A_35, %dma_wait3A_46] : memref<2x10000x128xf32, #tpu.memory_space<hbm>> -> memref<1x624x128xf32, #tpu.memory_space<hbm>>
      %dma_wait3A_48 = tpu.memref_squeeze %dma_wait3A_47 : memref<1x624x128xf32, #tpu.memory_space<hbm>> -> memref<624x128xf32, #tpu.memory_space<hbm>>
      %dma_wait3A_49 = arith.constant 0 : i32
      %dma_wait3A_50 = tpu.memref_slice %arg35[%mul3A_33, %dma_wait3A_49] : memref<10000x128xf32, #tpu.memory_space<vmem_shared>> -> memref<624x128xf32, #tpu.memory_space<vmem_shared>>
      tpu.wait_dma2 semaphore(%run_scoped3A : memref<!tpu.dma_semaphore, #tpu.memory_space<semaphore_mem>>) src(%dma_wait3A_50 : memref<624x128xf32, #tpu.memory_space<vmem_shared>>) dst(%dma_wait3A_48 : memref<624x128xf32, #tpu.memory_space<hbm>>)
      tpu.yield
    }) : () -> ()
    %eq3A_36 = arith.constant 15 : i32
    %eq3A_37 = arith.cmpi eq, %arg1, %eq3A_36 : i32
    %convert_element_type3A_38 = arith.extui %eq3A_37 : i1 to i32
    %cond3A_39 = arith.constant 0 : i32
    %cond3A_40 = arith.cmpi ne, %convert_element_type3A_38, %cond3A_39 : i32
    scf.if %cond3A_40 {
      "tpu.region"() ({
        %run_scoped3A = tpu.sem_alloc : memref<!tpu.dma_semaphore, #tpu.memory_space<semaphore_mem>>
        %dma_start3A_41 = arith.constant 9984 : i32
        %dma_start3A_42 = arith.constant 0 : i32
        %dma_start3A_43 = tpu.memref_slice %arg6[%arg0, %dma_start3A_41, %dma_start3A_42] : memref<2x10000x128xf32, #tpu.memory_space<hbm>> -> memref<1x16x128xf32, #tpu.memory_space<hbm>>
        %dma_start3A_44 = tpu.memref_squeeze %dma_start3A_43 : memref<1x16x128xf32, #tpu.memory_space<hbm>> -> memref<16x128xf32, #tpu.memory_space<hbm>>
        %dma_start3A_45 = arith.constant 9984 : i32
        %dma_start3A_46 = arith.constant 0 : i32
        %dma_start3A_47 = tpu.memref_slice %arg35[%dma_start3A_45, %dma_start3A_46] : memref<10000x128xf32, #tpu.memory_space<vmem_shared>> -> memref<16x128xf32, #tpu.memory_space<vmem_shared>>
        tpu.enqueue_dma source(%dma_start3A_47 : memref<16x128xf32, #tpu.memory_space<vmem_shared>>) target(%dma_start3A_44 : memref<16x128xf32, #tpu.memory_space<hbm>>) target_semaphore(%run_scoped3A : memref<!tpu.dma_semaphore, #tpu.memory_space<semaphore_mem>>)
        %dma_wait3A_48 = arith.constant 9984 : i32
        %dma_wait3A_49 = arith.constant 0 : i32
        %dma_wait3A_50 = tpu.memref_slice %arg6[%arg0, %dma_wait3A_48, %dma_wait3A_49] : memref<2x10000x128xf32, #tpu.memory_space<hbm>> -> memref<1x16x128xf32, #tpu.memory_space<hbm>>
        %dma_wait3A_51 = tpu.memref_squeeze %dma_wait3A_50 : memref<1x16x128xf32, #tpu.memory_space<hbm>> -> memref<16x128xf32, #tpu.memory_space<hbm>>
        %dma_wait3A_52 = arith.constant 9984 : i32
        %dma_wait3A_53 = arith.constant 0 : i32
        %dma_wait3A_54 = tpu.memref_slice %arg35[%dma_wait3A_52, %dma_wait3A_53] : memref<10000x128xf32, #tpu.memory_space<vmem_shared>> -> memref<16x128xf32, #tpu.memory_space<vmem_shared>>
        tpu.wait_dma2 semaphore(%run_scoped3A : memref<!tpu.dma_semaphore, #tpu.memory_space<semaphore_mem>>) src(%dma_wait3A_54 : memref<16x128xf32, #tpu.memory_space<vmem_shared>>) dst(%dma_wait3A_51 : memref<16x128xf32, #tpu.memory_space<hbm>>)
        tpu.yield
      }) : () -> ()
    } else {
    }
    return
  }
}

module attributes {stable_mosaic.version = 14 : i64} {
  func.func @_tc1_body(%arg0: i32, %arg1: memref<400x128xf32, #tpu.memory_space<vmem>>, %arg2: memref<128x128xf32, #tpu.memory_space<vmem>>, %arg3: memref<400x2xf32, #tpu.memory_space<vmem>>, %arg4: memref<400x128xf32, #tpu.memory_space<vmem>>, %arg5: memref<400x1xf32, #tpu.memory_space<vmem>>) attributes {dimension_semantics = [#tpu.dimension_semantics<arbitrary>], iteration_bounds = array<i64: 25>, scalar_prefetch = 0 : i64, scratch_operands = 0 : i64, tpu.core_type = #tpu.core_type<tc>, window_params = [{transform_indices = @transform_0, window_bounds = array<i64: 400, 128>}, {pipeline_mode = #tpu.pipeline_mode<synchronous>, transform_indices = @transform_1, window_bounds = array<i64: 128, 128>}, {transform_indices = @transform_2, window_bounds = array<i64: 400, 2>}, {transform_indices = @transform_3, window_bounds = array<i64: 400, 128>}, {transform_indices = @transform_4, window_bounds = array<i64: 400, 1>}]} {
    %get3A = arith.constant 0 : index
    %get3A_0 = arith.constant 0 : index
    %get3A_1 = vector.load %arg3[%get3A, %get3A_0] : memref<400x2xf32, #tpu.memory_space<vmem>>, vector<400x1xf32>
    %get3A_2 = arith.constant 0 : index
    %get3A_3 = arith.constant 1 : index
    %get3A_4 = vector.load %arg3[%get3A_2, %get3A_3] : memref<400x2xf32, #tpu.memory_space<vmem>>, vector<400x1xf32>
    %add3A = arith.addf %get3A_1, %get3A_4 : vector<400x1xf32>
    %add3A_5 = arith.constant 1.000000e+00 : f32
    %add3A_6 = vector.broadcast %add3A_5 : f32 to vector<400x1xf32>
    %add3A_7 = arith.addf %add3A_6, %add3A : vector<400x1xf32>
    %rsqrt3A = math.rsqrt %add3A_7 : vector<400x1xf32>
    %get3A_8 = arith.constant 0 : index
    %get3A_9 = arith.constant 0 : index
    %get3A_10 = vector.load %arg1[%get3A_8, %get3A_9] : memref<400x128xf32, #tpu.memory_space<vmem>>, vector<400x128xf32>
    %get3A_11 = arith.constant 0 : index
    %get3A_12 = arith.constant 0 : index
    %get3A_13 = vector.load %arg2[%get3A_11, %get3A_12] : memref<128x128xf32, #tpu.memory_space<vmem>>, vector<128x128xf32>
    %dot_general3A = arith.constant dense<0.000000e+00> : vector<400x128xf32>
    %dot_general3A_14 = tpu.matmul %get3A_10, %get3A_13, %dot_general3A {dimension_numbers = #tpu.dot_dimension_numbers<[1], [0], [0], [1], [0, 0, 1, 1], [], []>, transpose_lhs_hint = false} : vector<400x128xf32>, vector<128x128xf32>, vector<400x128xf32> -> vector<400x128xf32>
    %mul3A = vector.broadcast %rsqrt3A : vector<400x1xf32> to vector<400x128xf32>
    %mul3A_15 = arith.mulf %dot_general3A_14, %mul3A : vector<400x128xf32>
    %swap3A = arith.constant 0 : index
    %swap3A_16 = arith.constant 0 : index
    %swap3A_17 = vector.load %arg4[%swap3A, %swap3A_16] : memref<400x128xf32, #tpu.memory_space<vmem>>, vector<400x128xf32>
    tpu.vector_store %arg4[%swap3A, %swap3A_16], %mul3A_15 {strides = array<i32>} : memref<400x128xf32, #tpu.memory_space<vmem>>, vector<400x128xf32>,
    %swap3A_18 = arith.constant 0 : index
    %swap3A_19 = arith.constant 0 : index
    %swap3A_20 = vector.load %arg5[%swap3A_18, %swap3A_19] : memref<400x1xf32, #tpu.memory_space<vmem>>, vector<400x1xf32>
    tpu.vector_store %arg5[%swap3A_18, %swap3A_19], %rsqrt3A {strides = array<i32>} : memref<400x1xf32, #tpu.memory_space<vmem>>, vector<400x1xf32>,
    return
  }
  func.func @transform_0(%arg0: i32) -> (i32, i32) {
    %c0_i32 = arith.constant 0 : i32
    %c0_i32_0 = arith.constant 0 : i32
    return %arg0, %c0_i32 : i32, i32
  }
  func.func @transform_1(%arg0: i32) -> (i32, i32) {
    %c0_i32 = arith.constant 0 : i32
    %c0_i32_0 = arith.constant 0 : i32
    %c0_i32_1 = arith.constant 0 : i32
    return %c0_i32, %c0_i32_0 : i32, i32
  }
  func.func @transform_2(%arg0: i32) -> (i32, i32) {
    %c0_i32 = arith.constant 0 : i32
    %c0_i32_0 = arith.constant 0 : i32
    return %arg0, %c0_i32 : i32, i32
  }
  func.func @transform_3(%arg0: i32) -> (i32, i32) {
    %c0_i32 = arith.constant 0 : i32
    %c0_i32_0 = arith.constant 0 : i32
    return %arg0, %c0_i32 : i32, i32
  }
  func.func @transform_4(%arg0: i32) -> (i32, i32) {
    %c0_i32 = arith.constant 0 : i32
    %c0_i32_0 = arith.constant 0 : i32
    return %arg0, %c0_i32 : i32, i32
  }
}

module attributes {stable_mosaic.version = 14 : i64} {
  func.func @_tcmid_body(%arg0: i32, %arg1: memref<2x400x128xf32, #tpu.memory_space<vmem>>, %arg2: memref<400x128xf32, #tpu.memory_space<vmem>>, %arg3: memref<400x1xf32, #tpu.memory_space<vmem>>, %arg4: memref<1x128xf32, #tpu.memory_space<vmem>>, %arg5: memref<1x128xf32, #tpu.memory_space<vmem>>, %arg6: memref<1x128xf32, #tpu.memory_space<vmem>>, %arg7: memref<128x128xf32, #tpu.memory_space<vmem>>, %arg8: memref<400x128xf32, #tpu.memory_space<vmem>>) attributes {dimension_semantics = [#tpu.dimension_semantics<arbitrary>], iteration_bounds = array<i64: 25>, scalar_prefetch = 0 : i64, scratch_operands = 0 : i64, tpu.core_type = #tpu.core_type<tc>, window_params = [{transform_indices = @transform_0, window_bounds = array<i64: 2, 400, 128>}, {transform_indices = @transform_1, window_bounds = array<i64: 400, 128>}, {transform_indices = @transform_2, window_bounds = array<i64: 400, 1>}, {pipeline_mode = #tpu.pipeline_mode<synchronous>, transform_indices = @transform_3, window_bounds = array<i64: 1, 128>}, {pipeline_mode = #tpu.pipeline_mode<synchronous>, transform_indices = @transform_4, window_bounds = array<i64: 1, 128>}, {pipeline_mode = #tpu.pipeline_mode<synchronous>, transform_indices = @transform_5, window_bounds = array<i64: 1, 128>}, {pipeline_mode = #tpu.pipeline_mode<synchronous>, transform_indices = @transform_6, window_bounds = array<i64: 128, 128>}, {transform_indices = @transform_7, window_bounds = array<i64: 400, 128>}]} {
    %get3A = arith.constant 0 : index
    %get3A_0 = arith.constant 0 : index
    %get3A_1 = vector.load %arg3[%get3A, %get3A_0] : memref<400x1xf32, #tpu.memory_space<vmem>>, vector<400x1xf32>
    %get3A_2 = arith.constant 0 : index
    %get3A_3 = arith.constant 0 : index
    %get3A_4 = arith.constant 0 : index
    %get3A_5 = vector.load %arg1[%get3A_2, %get3A_3, %get3A_4] : memref<2x400x128xf32, #tpu.memory_space<vmem>>, vector<1x400x128xf32>
    %get3A_6 = vector.shape_cast %get3A_5 : vector<1x400x128xf32> to vector<400x128xf32>
    %get3A_7 = arith.constant 1 : index
    %get3A_8 = arith.constant 0 : index
    %get3A_9 = arith.constant 0 : index
    %get3A_10 = vector.load %arg1[%get3A_7, %get3A_8, %get3A_9] : memref<2x400x128xf32, #tpu.memory_space<vmem>>, vector<1x400x128xf32>
    %get3A_11 = vector.shape_cast %get3A_10 : vector<1x400x128xf32> to vector<400x128xf32>
    %add3A = arith.addf %get3A_6, %get3A_11 : vector<400x128xf32>
    %get3A_12 = arith.constant 0 : index
    %get3A_13 = arith.constant 0 : index
    %get3A_14 = vector.load %arg2[%get3A_12, %get3A_13] : memref<400x128xf32, #tpu.memory_space<vmem>>, vector<400x128xf32>
    %add3A_15 = arith.addf %add3A, %get3A_14 : vector<400x128xf32>
    %mul3A = vector.broadcast %get3A_1 : vector<400x1xf32> to vector<400x128xf32>
    %mul3A_16 = arith.mulf %mul3A, %add3A_15 : vector<400x128xf32>
    %get3A_17 = arith.constant 0 : index
    %get3A_18 = arith.constant 0 : index
    %get3A_19 = vector.load %arg4[%get3A_17, %get3A_18] : memref<1x128xf32, #tpu.memory_space<vmem>>, vector<1x128xf32>
    %add3A_20 = vector.broadcast %get3A_19 : vector<1x128xf32> to vector<400x128xf32>
    %add3A_21 = arith.addf %mul3A_16, %add3A_20 : vector<400x128xf32>
    %get3A_22 = arith.constant 0 : index
    %get3A_23 = arith.constant 0 : index
    %get3A_24 = vector.load %arg5[%get3A_22, %get3A_23] : memref<1x128xf32, #tpu.memory_space<vmem>>, vector<1x128xf32>
    %mul3A_25 = arith.constant 0.999994993 : f32
    %mul3A_26 = vector.broadcast %mul3A_25 : f32 to vector<400x128xf32>
    %mul3A_27 = arith.mulf %add3A_21, %mul3A_26 : vector<400x128xf32>
    %mul3A_28 = vector.broadcast %get3A_24 : vector<1x128xf32> to vector<400x128xf32>
    %mul3A_29 = arith.mulf %mul3A_28, %mul3A_27 : vector<400x128xf32>
    %get3A_30 = arith.constant 0 : index
    %get3A_31 = arith.constant 0 : index
    %get3A_32 = vector.load %arg6[%get3A_30, %get3A_31] : memref<1x128xf32, #tpu.memory_space<vmem>>, vector<1x128xf32>
    %add3A_33 = vector.broadcast %get3A_32 : vector<1x128xf32> to vector<400x128xf32>
    %add3A_34 = arith.addf %mul3A_29, %add3A_33 : vector<400x128xf32>
    %max3A = arith.constant 0.000000e+00 : f32
    %max3A_35 = vector.broadcast %max3A : f32 to vector<400x128xf32>
    %max3A_36 = arith.maximumf %add3A_34, %max3A_35 : vector<400x128xf32>
    %get3A_37 = arith.constant 0 : index
    %get3A_38 = arith.constant 0 : index
    %get3A_39 = vector.load %arg7[%get3A_37, %get3A_38] : memref<128x128xf32, #tpu.memory_space<vmem>>, vector<128x128xf32>
    %dot_general3A = arith.constant dense<0.000000e+00> : vector<400x128xf32>
    %dot_general3A_40 = tpu.matmul %max3A_36, %get3A_39, %dot_general3A {dimension_numbers = #tpu.dot_dimension_numbers<[1], [0], [0], [1], [0, 0, 1, 1], [], []>, transpose_lhs_hint = false} : vector<400x128xf32>, vector<128x128xf32>, vector<400x128xf32> -> vector<400x128xf32>
    %mul3A_41 = vector.broadcast %get3A_1 : vector<400x1xf32> to vector<400x128xf32>
    %mul3A_42 = arith.mulf %mul3A_41, %dot_general3A_40 : vector<400x128xf32>
    %swap3A = arith.constant 0 : index
    %swap3A_43 = arith.constant 0 : index
    %swap3A_44 = vector.load %arg8[%swap3A, %swap3A_43] : memref<400x128xf32, #tpu.memory_space<vmem>>, vector<400x128xf32>
    tpu.vector_store %arg8[%swap3A, %swap3A_43], %mul3A_42 {strides = array<i32>} : memref<400x128xf32, #tpu.memory_space<vmem>>, vector<400x128xf32>,
    return
  }
  func.func @transform_0(%arg0: i32) -> (i32, i32, i32) {
    %c0_i32 = arith.constant 0 : i32
    %c0_i32_0 = arith.constant 0 : i32
    %c0_i32_1 = arith.constant 0 : i32
    return %c0_i32, %arg0, %c0_i32_0 : i32, i32, i32
  }
  func.func @transform_1(%arg0: i32) -> (i32, i32) {
    %c0_i32 = arith.constant 0 : i32
    %c0_i32_0 = arith.constant 0 : i32
    return %arg0, %c0_i32 : i32, i32
  }
  func.func @transform_2(%arg0: i32) -> (i32, i32) {
    %c0_i32 = arith.constant 0 : i32
    %c0_i32_0 = arith.constant 0 : i32
    return %arg0, %c0_i32 : i32, i32
  }
  func.func @transform_3(%arg0: i32) -> (i32, i32) {
    %c0_i32 = arith.constant 0 : i32
    %c0_i32_0 = arith.constant 0 : i32
    %c0_i32_1 = arith.constant 0 : i32
    return %c0_i32, %c0_i32_0 : i32, i32
  }
  func.func @transform_4(%arg0: i32) -> (i32, i32) {
    %c0_i32 = arith.constant 0 : i32
    %c0_i32_0 = arith.constant 0 : i32
    %c0_i32_1 = arith.constant 0 : i32
    return %c0_i32, %c0_i32_0 : i32, i32
  }
  func.func @transform_5(%arg0: i32) -> (i32, i32) {
    %c0_i32 = arith.constant 0 : i32
    %c0_i32_0 = arith.constant 0 : i32
    %c0_i32_1 = arith.constant 0 : i32
    return %c0_i32, %c0_i32_0 : i32, i32
  }
  func.func @transform_6(%arg0: i32) -> (i32, i32) {
    %c0_i32 = arith.constant 0 : i32
    %c0_i32_0 = arith.constant 0 : i32
    %c0_i32_1 = arith.constant 0 : i32
    return %c0_i32, %c0_i32_0 : i32, i32
  }
  func.func @transform_7(%arg0: i32) -> (i32, i32) {
    %c0_i32 = arith.constant 0 : i32
    %c0_i32_0 = arith.constant 0 : i32
    return %arg0, %c0_i32 : i32, i32
  }
}

module attributes {stable_mosaic.version = 14 : i64} {
  func.func @_tcf_body(%arg0: i32, %arg1: memref<2x400x128xf32, #tpu.memory_space<vmem>>, %arg2: memref<400x128xf32, #tpu.memory_space<vmem>>, %arg3: memref<400x1xf32, #tpu.memory_space<vmem>>, %arg4: memref<1x64xf32, #tpu.memory_space<vmem>>, %arg5: memref<400x64xf32, #tpu.memory_space<vmem>>) attributes {dimension_semantics = [#tpu.dimension_semantics<arbitrary>], iteration_bounds = array<i64: 25>, scalar_prefetch = 0 : i64, scratch_operands = 0 : i64, tpu.core_type = #tpu.core_type<tc>, window_params = [{transform_indices = @transform_0, window_bounds = array<i64: 2, 400, 128>}, {transform_indices = @transform_1, window_bounds = array<i64: 400, 128>}, {transform_indices = @transform_2, window_bounds = array<i64: 400, 1>}, {pipeline_mode = #tpu.pipeline_mode<synchronous>, transform_indices = @transform_3, window_bounds = array<i64: 1, 64>}, {transform_indices = @transform_4, window_bounds = array<i64: 400, 64>}]} {
    %get3A = arith.constant 0 : index
    %get3A_0 = arith.constant 0 : index
    %get3A_1 = vector.load %arg3[%get3A, %get3A_0] : memref<400x1xf32, #tpu.memory_space<vmem>>, vector<400x1xf32>
    %get3A_2 = arith.constant 0 : index
    %get3A_3 = arith.constant 0 : index
    %get3A_4 = arith.constant 0 : index
    %get3A_5 = vector.load %arg1[%get3A_2, %get3A_3, %get3A_4] : memref<2x400x128xf32, #tpu.memory_space<vmem>>, vector<1x400x128xf32>
    %get3A_6 = vector.shape_cast %get3A_5 : vector<1x400x128xf32> to vector<400x128xf32>
    %get3A_7 = arith.constant 1 : index
    %get3A_8 = arith.constant 0 : index
    %get3A_9 = arith.constant 0 : index
    %get3A_10 = vector.load %arg1[%get3A_7, %get3A_8, %get3A_9] : memref<2x400x128xf32, #tpu.memory_space<vmem>>, vector<1x400x128xf32>
    %get3A_11 = vector.shape_cast %get3A_10 : vector<1x400x128xf32> to vector<400x128xf32>
    %add3A = arith.addf %get3A_6, %get3A_11 : vector<400x128xf32>
    %get3A_12 = arith.constant 0 : index
    %get3A_13 = arith.constant 0 : index
    %get3A_14 = vector.load %arg2[%get3A_12, %get3A_13] : memref<400x128xf32, #tpu.memory_space<vmem>>, vector<400x128xf32>
    %add3A_15 = arith.addf %add3A, %get3A_14 : vector<400x128xf32>
    %mul3A = vector.broadcast %get3A_1 : vector<400x1xf32> to vector<400x128xf32>
    %mul3A_16 = arith.mulf %mul3A, %add3A_15 : vector<400x128xf32>
    %slice3A = vector.extract_strided_slice %mul3A_16 {offsets = [0, 0], sizes = [400, 64], strides = [1, 1]} : vector<400x128xf32> to vector<400x64xf32>
    %get3A_17 = arith.constant 0 : index
    %get3A_18 = arith.constant 0 : index
    %get3A_19 = vector.load %arg4[%get3A_17, %get3A_18] : memref<1x64xf32, #tpu.memory_space<vmem>>, vector<1x64xf32>
    %add3A_20 = vector.broadcast %get3A_19 : vector<1x64xf32> to vector<400x64xf32>
    %add3A_21 = arith.addf %slice3A, %add3A_20 : vector<400x64xf32>
    %reduce_max3A = arith.constant dense<0xFF800000> : vector<400xf32>
    %reduce_max3A_22 = vector.multi_reduction <maximumf>, %add3A_21, %reduce_max3A [1] : vector<400x64xf32> to vector<400xf32>
    %broadcast_in_dim3A = vector.shape_cast %reduce_max3A_22 : vector<400xf32> to vector<400x1xf32>
    %sub3A = vector.broadcast %broadcast_in_dim3A : vector<400x1xf32> to vector<400x64xf32>
    %sub3A_23 = arith.subf %add3A_21, %sub3A : vector<400x64xf32>
    %exp3A = math.exp %sub3A_23 : vector<400x64xf32>
    %sub3A_24 = vector.broadcast %broadcast_in_dim3A : vector<400x1xf32> to vector<400x64xf32>
    %sub3A_25 = arith.subf %add3A_21, %sub3A_24 : vector<400x64xf32>
    %reduce_sum3A = arith.constant dense<0.000000e+00> : vector<400xf32>
    %reduce_sum3A_26 = vector.multi_reduction <add>, %exp3A, %reduce_sum3A [1] : vector<400x64xf32> to vector<400xf32>
    %broadcast_in_dim3A_27 = vector.shape_cast %reduce_sum3A_26 : vector<400xf32> to vector<400x1xf32>
    %log3A = math.log %broadcast_in_dim3A_27 : vector<400x1xf32>
    %sub3A_28 = vector.broadcast %log3A : vector<400x1xf32> to vector<400x64xf32>
    %sub3A_29 = arith.subf %sub3A_25, %sub3A_28 : vector<400x64xf32>
    %swap3A = arith.constant 0 : index
    %swap3A_30 = arith.constant 0 : index
    %swap3A_31 = vector.load %arg5[%swap3A, %swap3A_30] : memref<400x64xf32, #tpu.memory_space<vmem>>, vector<400x64xf32>
    tpu.vector_store %arg5[%swap3A, %swap3A_30], %sub3A_29 {strides = array<i32>} : memref<400x64xf32, #tpu.memory_space<vmem>>, vector<400x64xf32>,
    return
  }
  func.func @transform_0(%arg0: i32) -> (i32, i32, i32) {
    %c0_i32 = arith.constant 0 : i32
    %c0_i32_0 = arith.constant 0 : i32
    %c0_i32_1 = arith.constant 0 : i32
    return %c0_i32, %arg0, %c0_i32_0 : i32, i32, i32
  }
  func.func @transform_1(%arg0: i32) -> (i32, i32) {
    %c0_i32 = arith.constant 0 : i32
    %c0_i32_0 = arith.constant 0 : i32
    return %arg0, %c0_i32 : i32, i32
  }
  func.func @transform_2(%arg0: i32) -> (i32, i32) {
    %c0_i32 = arith.constant 0 : i32
    %c0_i32_0 = arith.constant 0 : i32
    return %arg0, %c0_i32 : i32, i32
  }
  func.func @transform_3(%arg0: i32) -> (i32, i32) {
    %c0_i32 = arith.constant 0 : i32
    %c0_i32_0 = arith.constant 0 : i32
    %c0_i32_1 = arith.constant 0 : i32
    return %c0_i32, %c0_i32_0 : i32, i32
  }
  func.func @transform_4(%arg0: i32) -> (i32, i32) {
    %c0_i32 = arith.constant 0 : i32
    %c0_i32_0 = arith.constant 0 : i32
    return %arg0, %c0_i32 : i32, i32
  }
}

</mosaic_0001>

<sc_bundles>
// kernel: kernel.10.cloned.1.call-start
scs
__scs_entry_jumppad:
0x0: {  	(pc) =	sbr.rel $0x88, $3  }
0x1: {  	(tag) =	ssettag $0x0;
	lr =	simm.s32 $0x1  }
0x2: {  	[smem:$0x3F95] =	sst lr;
	_ =	strace $0xD0000000  }
0x3: {  	_ = 	snop  }
0x4: {  	_ = 	snop  }
0x5: {  	_ = 	snop  }
0x6: {  	_ = 	snop  }
0x7: {  	_ = 	snop  }
__scs_overlays_trampoline_lowered:
0x8: {  	[smem:$0x3FA4] =	sst s0  }
0x9: {  	[smem:$0x3FA5] =	sst s1  }
0xa: {  	[smem:$0x3FA6] =	sst s2  }
0xb: {  	[smem:$0x3FA7] =	sst s3  }
0xc: {  	[smem:$0x3FA8] =	sst s4  }
0xd: {  	[smem:$0x3FA9] =	sst s5  }
0xe: {  	[smem:$0x3FAA] =	sst s6  }
0xf: {  	[smem:$0x3FAB] =	sst s7  }
0x10: {  	[smem:$0x3FAC] =	sst s8  }
0x11: {  	[smem:$0x3FAD] =	sst s9;
	s0 =	simm.s32 @!p0 $0x0  }
0x12: {  	s1 =	sld [smem:$0x3F93];
	s0 =	simm.s32 @p0 $0x1  }
0x13: {  	[smem:$0x3FAE] =	sst s0;
	s0 =	simm.s32 @!p1 $0x0  }
0x14: {  	s2 =	sld [smem:$0x3F92];
	s0 =	simm.s32 @p1 $0x1  }
0x15: {  	[smem:$0x3FAF] =	sst s0;
	s0 =	simm.s32 @!p2 $0x0  }
0x16: {  	s3 =	sld [smem:$0x3FDB];
	s0 =	simm.s32 @p2 $0x1  }
0x17: {  	s4 =	simm.s32 $0x1BF5;
	[smem:$0x3FB1] =	sst s0  }
0x18: {  	s0 =	sld [smem:$0x3F94];
	_ =	swait.ge [sflag:s4], $0x0  }
0x19: {  	s7 =	sld [smem:$0x3F95]  }
0x1a: {  	s8 =	sadd.s32 $0xFFFFE003, lr  }
0x1b: {  	s9 =	sadd.s32 $0xFFFFFEF7, lr;
	s5 =	simm.s32 $0xFFFFFFFF;
	p2 =	slt.u32 s8, $0xFFFFF086  }
0x1c: {  	p1 =	slt.u32 s9, $0xF7A;
	s5 =	simm.s32 @!p2 $0x0  }
0x1d: {  	s5 =	simm.s32 @p1 $0x1;
	p0 =	seq.s32 s7, s2  }
0x1e: {  	s7 =	smul.u32 @!p0 $0xF7A, s2;
	p2 =	seq.s32 @!p0 s5, $0x0  }
0x1f: {  	s9 =	smul.u32 $0xF7A, s1;
	s8 =	simm.s32 @!p0 $0x1BF5;
	p2 =	por !p2, p0  }
0x20: {  	[sflag:s8] =	ssyncset.s32 @!p0 $0xFFFFF086;
	s6 =	sadd.s32 @!p0 s3, s7;
	s7 =	simm.s32 @!p0 $0x108  }
0x21: {  	s3 =	sadd.s32 s3, s9;
	s6 =	sadd.s32 @!p0 $0x88, s6;
	s7 =	simm.s32 @p2 $0x1082  }
0x22: {  	[simem:s7], [sflag:s8] =	dma.local @!p0 [hbm:s6], $0xF7A  }
0x23: {  	s9 =	sor.u32 $0xD0000000, s2;
	s6 =	simm.s32 $0x108;
	_ =	swait.ge @!p0 [sflag:s8], $0x0  }
0x24: {  	s3 =	sadd.s32 $0x88, s3;
	s6 =	simm.s32 @!p1 $0x1082;
	[sflag:s4] =	ssyncset.s32 $0xFFFFF086  }
0x25: {  	[simem:s6], [sflag:s4] =	dma.local [hbm:s3], $0xF7A  }
0x26: {  	[smem:$0x3F95] =	sst s1;
	(tag) =	ssettag s2;
	_ =	strace s9  }
0x27: {  	s1 =	sld [smem:$0x3FA5]  }
0x28: {  	s2 =	sld [smem:$0x3FA6]  }
0x29: {  	s4 =	sld [smem:$0x3FA8]  }
0x2a: {  	p0 =	seq.s32 s5, $0x0;
	s5 =	sld [smem:$0x3FA9]  }
0x2b: {  	s6 =	sld [smem:$0x3FAA]  }
0x2c: {  	s7 =	sld [smem:$0x3FAB]  }
0x2d: {  	s3 =	simm.s32 $0x108;
	s8 =	sld [smem:$0x3FAC]  }
0x2e: {  	s3 =	simm.s32 @!p0 $0x1082;
	s9 =	sld [smem:$0x3FAD]  }
0x2f: {  	lr =	sadd.s32 s0, s3;
	s0 =	sld [smem:$0x3FA4]  }
0x30: {  	s3 =	sld [smem:$0x3FA7]  }
0x31: {  	[smem:$0x3FB0] =	sst s10  }
0x32: {  	s10 =	sld [smem:$0x3FAE];
	_ =	sdelay $0x3  }
0x33: {  	p0 =	seq.s32 s10, $0x1;
	s10 =	sld [smem:$0x3FB0];
	_ =	sdelay $0x3  }
0x34: {  	[smem:$0x3FB0] =	sst s10  }
0x35: {  	s10 =	sld [smem:$0x3FAF];
	_ =	sdelay $0x3  }
0x36: {  	p1 =	seq.s32 s10, $0x1;
	s10 =	sld [smem:$0x3FB0];
	_ =	sdelay $0x3  }
0x37: {  	[smem:$0x3FB0] =	sst s10  }
0x38: {  	s10 =	sld [smem:$0x3FB1]  }
0x39: {  	_ = 	snop;
	(pc) =	sbr.ind lr, $3  }
0x3a: {  	_ = 	snop  }
0x3b: {  	_ = 	snop  }
0x3c: {  	p2 =	seq.s32 s10, $0x1;
	s10 =	sld [smem:$0x3FB0]  }
0x3d: {  	_ =	shalt  }
0x3e: {  	_ =	shalt  }
0x3f: {  	_ =	shalt  }
0x40: {  	_ =	shalt  }
0x41: {  	_ =	shalt  }
0x42: {  	_ =	shalt  }
0x43: {  	_ =	shalt  }
0x44: {  	_ =	shalt  }
0x45: {  	_ =	shalt  }
0x46: {  	_ =	shalt  }
0x47: {  	_ =	shalt  }
0x48: {  	_ =	shalt  }
0x49: {  	_ =	shalt  }
0x4a: {  	_ =	shalt  }
0x4b: {  	_ =	shalt  }
0x4c: {  	_ =	shalt  }
0x4d: {  	_ =	shalt  }
0x4e: {  	_ =	shalt  }
0x4f: {  	_ =	shalt  }
0x50: {  	_ =	shalt  }
0x51: {  	_ =	shalt  }
0x52: {  	_ =	shalt  }
0x53: {  	_ =	shalt  }
0x54: {  	_ =	shalt  }
0x55: {  	_ =	shalt  }
0x56: {  	_ =	shalt  }
0x57: {  	_ =	shalt  }
0x58: {  	_ =	shalt  }
0x59: {  	_ =	shalt  }
0x5a: {  	_ =	shalt  }
0x5b: {  	_ =	shalt  }
0x5c: {  	_ =	shalt  }
0x5d: {  	_ =	shalt  }
0x5e: {  	_ =	shalt  }
0x5f: {  	_ =	shalt  }
0x60: {  	_ =	shalt  }
0x61: {  	_ =	shalt  }
0x62: {  	_ =	shalt  }
0x63: {  	_ =	shalt  }
0x64: {  	_ =	shalt  }
0x65: {  	_ =	shalt  }
0x66: {  	_ =	shalt  }
0x67: {  	_ =	shalt  }
0x68: {  	_ =	shalt  }
0x69: {  	_ =	shalt  }
0x6a: {  	_ =	shalt  }
0x6b: {  	_ =	shalt  }
0x6c: {  	_ =	shalt  }
0x6d: {  	_ =	shalt  }
0x6e: {  	_ =	shalt  }
0x6f: {  	_ =	shalt  }
0x70: {  	_ =	shalt  }
0x71: {  	_ =	shalt  }
0x72: {  	_ =	shalt  }
0x73: {  	_ =	shalt  }
0x74: {  	_ =	shalt  }
0x75: {  	_ =	shalt  }
0x76: {  	_ =	shalt  }
0x77: {  	_ =	shalt  }
0x78: {  	_ =	shalt  }
0x79: {  	_ =	shalt  }
0x7a: {  	_ =	shalt  }
0x7b: {  	_ =	shalt  }
0x7c: {  	_ =	shalt  }
0x7d: {  	_ =	shalt  }
0x7e: {  	_ =	shalt  }
0x7f: {  	_ =	shalt  }
0x80: {  	_ =	shalt  }
0x81: {  	_ =	shalt  }
0x82: {  	_ =	shalt  }
0x83: {  	_ =	shalt  }
0x84: {  	_ =	shalt  }
0x85: {  	_ =	shalt  }
0x86: {  	_ =	shalt  }
0x87: {  	_ =	shalt  }
.Lfunc_end0:
.L_simem_size_0:
called_computation_lowered:
.L_overlay_start_0:
0x88: {  	s2 =	sld [smem:$0x3FD9]  }
0x89: {  	s3 =	sld [smem:$0x3FFE];
	_ =	sdelay $0x1  }
0x8a: {  	s1 =	srdreg.scid  }
0x8b: {  	s0 =	sand.u32 $0x1, s1  }
0x8c: {  	s16 =	sshll.u32 s0, $0xA;
	s2 =	sadd.s32 s3, s2  }
0x8d: {  	s2 =	sadd.s32 s2, s16  }
0x8e: {  	[smem:$0x3FBC] =	sst s2  }
0x8f: {  	_ = 	snop  }
0x90: {  	(tm) =	ssettm $0x1  }
0x91: {  	s17 =	sld [smem:$0x3FFB];
	_ =	sdelay $0x3  }
0x92: {  	_ =	strace s17  }
0x93: {  	s2 =	sld [smem:$0x3FFC];
	_ =	sdelay $0x3  }
0x94: {  	_ =	strace s2  }
0x95: {  	s2 =	sld [smem:$0x3FFD];
	_ =	sdelay $0x3  }
0x96: {  	_ =	strace s2  }
0x97: {  	_ =	strace $0x8FFFFFFF  }
0x98: {  	s18 =	sld [smem:$0x3FDB];
	_ =	sdelay $0x1  }
0x99: {  	s19 =	simm.s32 $_scs_section_size  }
0x9a: {  	s4 =	simm.s32 $_size__tile_overlayer_lowered;
	s5 =	simm.s32 $_tile_overlayer_lowered  }
0x9b: {  	s22 =	simm.s32 $0x1BFF;
	s21 =	sshll.u32 s5, $0x1;
	s2 =	sadd.s32 s19, s18  }
0x9c: {  	s6 =	simm.s32 $0x0;
	s20 =	sshll.u32 s4, $0x1;
	s4 =	sadd.s32 s21, s2  }
0x9d: {  	[timem:s6], [sflag:s22] =	dma.local [hbm:s4], s20  }
0x9e: {  	_ =	swait.ge [sflag:s22], s20  }
0x9f: {  	s3 =	ssub.s32 $0x0, s20;
	[sflag:s22] =	ssyncset.done $0x0  }
0xa0: {  	[sflag:s22] =	ssyncadd.s32 s3;
	_ =	sdelay $0x1  }
0xa1: {  	s23 =	simm.s32 $0x1B8B  }
0xa2: {  	_ =	swait.ge [sflag:s23], $0x1  }
0xa3: {  	[sflag:s23] =	ssyncset.done $0x0  }
0xa4: {  	s25 =	simm.s32 $0x1B8E;
	s24 =	sld [smem:$0x3FFE];
	[sflag:s23] =	ssyncadd.s32 $0xFFFFFFFF  }
0xa5: {  	s26 =	simm.s32 $execute0_lowered;
	[smem:$0x3FD2] =	sst s25  }
0xa6: {  	s4 =	sshll.u32 s26, $0x1;
	_ =	strace $0x80000046;
	[dreg:$0x1] =	wrdreg $0xFFFFFFFF  }
0xa7: {  	s28 =	simm.s32 $_size_execute0_lowered;
	s2 =	sadd.s32 s2, s4;
	[dreg:$0x0] =	wrdreg $0x0  }
0xa8: {  	s4 =	sshll.u32 s28, $0x1;
	[dreg:$0x2] =	wrdreg s2  }
0xa9: {  	[dreg:$0x3] =	wrdreg s4  }
0xaa: {  	[dreg:$0x4] =	wrdreg $0xC0  }
0xab: {  	_ =	task [dreg:s6], $0x5FFFF  }
0xac: {  	[dreg:$0x1] =	wrdreg $0xFFFFFFFF  }
0xad: {  	[dreg:$0x0] =	wrdreg $0x60  }
0xae: {  	[dreg:$0x2] =	wrdreg s24  }
0xaf: {  	[dreg:$0x3] =	wrdreg $0x77800  }
0xb0: {  	[dreg:$0x4] =	wrdreg $0x9  }
0xb1: {  	_ =	task.clear_ibuf [dreg:s6], $0x5FFFF;
	_ =	strace $0x90000046  }
0xb2: {  	s29 =	simm.s32 $0x9;
	_ =	strace $0x80000048  }
0xb3: {  	_ =	swait.ge [sflag:s29], $0x1  }
0xb4: {  	[sflag:s29] =	ssyncadd.s32 $0xFFFFFFFF  }
0xb5: {  	_ =	strace $0x90000048  }
0xb6: {  	_ =	sfence  }
0xb7: {  	s30 =	sld [smem:$0x0];
	_ =	sdelay $0x2  }
0xb8: {  	s31 =	sshll.u32 s1, $0xD;
	s1 =	sshrl.u32 s1, $0x2  }
0xb9: {  	s3 =	sand.u32 $0x4000, s31;
	s1 =	sadd.s32 s1, s30  }
0xba: {  	s0 =	sor.u32 s3, s0;
	s1 =	sshll.u32 s1, $0x11  }
0xbb: {  	s0 =	sor.u32 s1, s0  }
0xbc: {  	s0 =	sadd.s32 $0x8F2B, s0  }
0xbd: {  	[sflag:s0] =	ssyncadd.remote.s32 $0x1  }
0xbe: {  	_ =	sfence.sel $0xFFFF  }
0xbf: {  	[dreg:$0x0] =	wrdreg $0xFFFFFFFF;
	(pc) =	sbr.abs _section_cstart, $3  }
0xc0: {  	[dreg:$0x1] =	wrdreg $0xFFFFFFFF  }
0xc1: {  	_ =	task.clear_ibuf [dreg:s6], $0x2FFFF;
	_ =	strace $0x9FFFFFFF  }
0xc2: {  	(tm) =	ssettm $0x7FFFFFFF  }
0xc3: {  	_ =	shalt  }
tec
execute0_lowered:
.L_overlay_start_1:
0x0: {  	(tag) =	ssettag $0x1  }
0x1: {  	s4 =	rddreg [dreg:$0x0]  }
0x2: {  	s0 =	srdreg.scid;
	s5 =	rddreg [dreg:$0x1]  }
0x3: {  	s2 =	simm.s32 $0x0;
	s11 =	simm.s32 $0x400;
	s12 =	simm.s32 $0x1400  }
0x4: {  	s13 =	simm.s32 $0x14000;
	s3 =	sand.u32 $0x1, s0;
	s0 =	stileid.u32  }
0x5: {  	s14 =	simm.s32 $0x4F80;
	s15 =	simm.s32 $0x0;
	s7 =	smul.u32 $0x280, s0  }
0x6: {  	[smem:$0x7FF] =	sst s2;
	s1 =	sshll.u32 s3, $0x4;
	s8 =	smul.u32 $0x2800, s3  }
0x7: {  	s3 =	ssub.s32 $0x2, s3;
	s29 =	sshrl.u32 s0, $0x3;
	s30 =	smul.u32 $0x5000, s0  }
0x8: {  	s31 =	sshll.u32 s0, $0x7;
	s1 =	sor.u32 s0, s1;
	s9 =	sshrl.u32 s3, $0x1  }
0x9: {  	s6 =	smul.u32 $0x4E2, s1;
	s1 =	rddreg [dreg:$0x2];
	_ =	strace $0x80000047  }
0xa: {  	s7 =	sadd.s32 s7, s8;
	s8 =	smul.u32 $0x50000, s29;
	s9 =	ssub.s32 s3, s9  }
0xb: {  	s10 =	sshrl.u32 s30, $0x2;
	s7 =	sshrl.u32 s7, $0x3;
	s6 =	sadd.s32 s6, s4  }
0xc: {  	s7 =	sadd.s32 s7, s4;
	s8 =	sshrl.u32 s8, $0x2;
	s3 =	sadd.s32 $0x3200, s6  }
0xd: {  	s6 =	sand.u32 $0x380, s31;
	s8 =	sadd.s32 s8, s5;
	s5 =	sadd.s32 s10, s5  }
0xe: {  	s10 =	simm.s32 $0x80;
	s4 =	sadd.s32 s6, s8;
	s6 =	sadd.s32 $0xD000, s7  }
0xf: {  	v0 =	vimm.f32 $0.0e+00;
	v1 =	vimm.f32 $1.000000000e+00;
	s7 =	smax.u32 s9, $0x1;
	s8 =	simm.s32 $0x1;
	s9 =	simm.s32 $0x2780  }
.LBB2_1:
0x10: {  	s16 =	simm.s32 $0x40;
	s17 =	simm.s32 $0x0  }
.LBB2_2:
0x11: {  	p0 =	sne.s32 s16, $0x9FC0;
	[tilespmem:s17+$0x2780] =	vst v0;
	s17 =	smov.u32 s16;
	s16 =	sadd.s32 $0x40, s16  }
.Ltmp0:
0x12: {  	(pc) =	sbr.rel @p0 .LBB2_2-.Ltmp0, $2  }
0x13: {  	_ =	sdelay $0x2  }
0x14: {  	s17 =	sshra.s32 s17, $0x2  }
0x15: {  	[tilespmem:s17+$0x2780] =	vst v0;
	s16 =	simm.s32 $0x0  }
0x16: {  	[tilespmem:s16], [sflag:$0x1] =	stream.linear.gather [hbm4b:s3+s16], $0x2710, $0x38;
	[tilespmem:$0x9F80] =	vst v63  }
0x17: {  	_ =	swait.ge [sflag:s8], $0x2710  }
0x18: {  	[sflag:s8] =	ssyncset.done $0x0  }
0x19: {  	s17 =	simm.s32 $0x0;
	s16 =	simm.s32 $0x40;
	[sflag:s8] =	ssyncadd.s32 $0xFFFFD8F0  }
.LBB2_4:
0x1a: {  	p0 =	sne.s32 s16, $0x9C00;
	v2 =	vld [tilespmem:s17+$0x0];
	_ =	sdelay $0x3  }
.Ltmp1:
0x1b: {  	(pc) =	sbr.rel @p0 .LBB2_4-.Ltmp1, $2  }
0x1c: {  	_ =	sdelay $0x2  }
0x1d: {  	s17 =	sshra.s32 s16, $0x2;
	s16 =	sadd.s32 $0x40, s16;
	[tilespmem:v2+s9+$0x0] =	vst.idx.add.f32.msk $0xffff, v1  }
0x1e: {  	v2 =	vld [tilespmem:s17+$0x0];
	_ =	sdelay $0x7  }
0x1f: {  	s16 =	simm.s32 $0x2780;
	[tilespmem:v2+s9+$0x0] =	vst.idx.add.f32.msk $0xffff, v1  }
0x20: {  	[spmem:s4] =	stream.strided.scatter [tilespmem:s16], [sflag:$0x1], $0x2800, s11, s10, $0x38;
	[tilespmem:$0x9F80] =	vst v63  }
0x21: {  	_ =	swait.ge [sflag:s8], $0x2800  }
0x22: {  	[sflag:s8] =	ssyncset.done $0x0  }
0x23: {  	[sflag:s8] =	ssyncadd.s32 $0xFFFFD800  }
0x24: {  	[bflag:$0x0] =	sbarrier.arrive $0xFFFF  }
0x25: {  	[tilespmem:s14], [sflag:$0x1] =	stream.strided.gather [spmem:s5], $0x2800, s13, s12, $0x38;
	[tilespmem:$0x9F80] =	vst v63  }
0x26: {  	s30 =	simm.s32 $0x0;
	_ =	swait.ge [sflag:s8], $0x2800  }
0x27: {  	s18 =	sand.u32 $0x70, s30;
	s17 =	sand.u32 $0x1C00, s30;
	[sflag:s8] =	ssyncset.done $0x0  }
0x28: {  	s17 =	sor.u32 s18, s17;
	[sflag:s8] =	ssyncadd.s32 $0xFFFFD800  }
0x29: {  	v2 =	vld [tilespmem:s17+$0x5000]  }
0x2a: {  	v3 =	vld [tilespmem:s17+$0x4F80];
	_ =	sdelay $0x1  }
0x2b: {  	v4 =	vld [tilespmem:s17+$0x5080];
	_ =	sdelay $0x1  }
0x2c: {  	v5 =	vld [tilespmem:s17+$0x5100]  }
0x2d: {  	v2 =	vadd.f32 v2, v3  }
0x2e: {  	v3 =	vld [tilespmem:s17+$0x5180]  }
0x2f: {  	v2 =	vadd.f32 v4, v2  }
0x30: {  	v56 =	vld [tilespmem:s17+$0x5200]  }
0x31: {  	v2 =	vadd.f32 v5, v2  }
0x32: {  	v57 =	vld [tilespmem:s17+$0x5280]  }
0x33: {  	v2 =	vadd.f32 v3, v2  }
0x34: {  	v3 =	vld [tilespmem:s17+$0x5300]  }
0x35: {  	v2 =	vadd.f32 v56, v2  }
0x36: {  	v58 =	vld [tilespmem:s17+$0x6380]  }
0x37: {  	v2 =	vadd.f32 v57, v2  }
0x38: {  	v59 =	vld [tilespmem:s17+$0x6400]  }
0x39: {  	v2 =	vadd.f32 v3, v2  }
0x3a: {  	v3 =	vld [tilespmem:s17+$0x6480]  }
0x3b: {  	v2 =	vadd.f32 v58, v2  }
0x3c: {  	v60 =	vld [tilespmem:s17+$0x6500]  }
0x3d: {  	v2 =	vadd.f32 v59, v2  }
0x3e: {  	v61 =	vld [tilespmem:s17+$0x6580]  }
0x3f: {  	v2 =	vadd.f32 v3, v2  }
0x40: {  	v3 =	vld [tilespmem:s17+$0x6600]  }
0x41: {  	v2 =	vadd.f32 v60, v2  }
0x42: {  	v62 =	vld [tilespmem:s17+$0x6680]  }
0x43: {  	v2 =	vadd.f32 v61, v2  }
0x44: {  	v63 =	vld [tilespmem:s17+$0x6700]  }
0x45: {  	v2 =	vadd.f32 v3, v2;
	_ =	sdelay $0x1  }
0x46: {  	v2 =	vadd.f32 v62, v2;
	_ =	sdelay $0x1  }
0x47: {  	s31 =	simm.s32 $0x10;
	s18 =	simm.s32 $0x80;
	v2 =	vadd.f32 v63, v2  }
0x48: {  	s19 =	sand.u32 $0x1C00, s18;
	s17 =	sand.u32 $0x70, s31  }
0x49: {  	s17 =	sor.u32 s17, s19;
	s19 =	simm.s32 $0x20;
	[tilespmem:s16+$0x0] =	vst v2  }
.LBB2_6:
0x4a: {  	p0 =	sne.s32 s19, $0x270;
	v2 =	vld [tilespmem:s17+$0x5000]  }
0x4b: {  	v3 =	vld [tilespmem:s17+$0x4F80];
	_ =	sdelay $0x1  }
0x4c: {  	v4 =	vld [tilespmem:s17+$0x5080];
	_ =	sdelay $0x1  }
0x4d: {  	v5 =	vld [tilespmem:s17+$0x5100]  }
0x4e: {  	v2 =	vadd.f32 v2, v3  }
0x4f: {  	v3 =	vld [tilespmem:s17+$0x5180]  }
0x50: {  	v2 =	vadd.f32 v4, v2  }
0x51: {  	v4 =	vld [tilespmem:s17+$0x5200]  }
0x52: {  	v2 =	vadd.f32 v5, v2  }
0x53: {  	v5 =	vld [tilespmem:s17+$0x5280]  }
0x54: {  	v2 =	vadd.f32 v3, v2  }
0x55: {  	v3 =	vld [tilespmem:s17+$0x5300]  }
0x56: {  	v2 =	vadd.f32 v4, v2  }
0x57: {  	v4 =	vld [tilespmem:s17+$0x6380]  }
0x58: {  	v2 =	vadd.f32 v5, v2  }
0x59: {  	v5 =	vld [tilespmem:s17+$0x6400]  }
0x5a: {  	v2 =	vadd.f32 v3, v2  }
0x5b: {  	v3 =	vld [tilespmem:s17+$0x6480]  }
0x5c: {  	v2 =	vadd.f32 v4, v2  }
0x5d: {  	v4 =	vld [tilespmem:s17+$0x6500]  }
0x5e: {  	v2 =	vadd.f32 v5, v2  }
0x5f: {  	v5 =	vld [tilespmem:s17+$0x6580]  }
0x60: {  	v2 =	vadd.f32 v3, v2  }
0x61: {  	v3 =	vld [tilespmem:s17+$0x6600]  }
0x62: {  	v2 =	vadd.f32 v4, v2  }
0x63: {  	v4 =	vld [tilespmem:s17+$0x6680]  }
0x64: {  	v2 =	vadd.f32 v5, v2  }
0x65: {  	v5 =	vld [tilespmem:s17+$0x6700]  }
0x66: {  	v2 =	vadd.f32 v3, v2;
	_ =	sdelay $0x1  }
.Ltmp2:
0x67: {  	v2 =	vadd.f32 v4, v2;
	(pc) =	sbr.rel @p0 .LBB2_6-.Ltmp2, $4  }
0x68: {  	_ = 	snop  }
0x69: {  	s18 =	sadd.s32 $0x80, s18;
	v2 =	vadd.f32 v5, v2  }
0x6a: {  	s16 =	sadd.s32 $0x10, s16;
	s20 =	sand.u32 $0x1C00, s18;
	s17 =	sand.u32 $0x70, s19  }
0x6b: {  	s19 =	sadd.s32 $0x10, s19;
	s17 =	sor.u32 s17, s20;
	[tilespmem:s16+$0x0] =	vst v2  }
0x6c: {  	v2 =	vld [tilespmem:s17+$0x5000]  }
0x6d: {  	v3 =	vld [tilespmem:s17+$0x4F80];
	_ =	sdelay $0x1  }
0x6e: {  	v4 =	vld [tilespmem:s17+$0x5080];
	_ =	sdelay $0x1  }
0x6f: {  	v5 =	vld [tilespmem:s17+$0x5100]  }
0x70: {  	v2 =	vadd.f32 v2, v3  }
0x71: {  	v3 =	vld [tilespmem:s17+$0x5180]  }
0x72: {  	v2 =	vadd.f32 v4, v2  }
0x73: {  	v56 =	vld [tilespmem:s17+$0x5200]  }
0x74: {  	v2 =	vadd.f32 v5, v2  }
0x75: {  	v57 =	vld [tilespmem:s17+$0x5280]  }
0x76: {  	v2 =	vadd.f32 v3, v2  }
0x77: {  	v3 =	vld [tilespmem:s17+$0x5300]  }
0x78: {  	v2 =	vadd.f32 v56, v2  }
0x79: {  	v58 =	vld [tilespmem:s17+$0x6380]  }
0x7a: {  	v2 =	vadd.f32 v57, v2  }
0x7b: {  	v59 =	vld [tilespmem:s17+$0x6400]  }
0x7c: {  	v2 =	vadd.f32 v3, v2  }
0x7d: {  	v3 =	vld [tilespmem:s17+$0x6480]  }
0x7e: {  	v2 =	vadd.f32 v58, v2  }
0x7f: {  	v60 =	vld [tilespmem:s17+$0x6500]  }
0x80: {  	v2 =	vadd.f32 v59, v2  }
0x81: {  	v61 =	vld [tilespmem:s17+$0x6580]  }
0x82: {  	v2 =	vadd.f32 v3, v2  }
0x83: {  	v3 =	vld [tilespmem:s17+$0x6600]  }
0x84: {  	v2 =	vadd.f32 v60, v2  }
0x85: {  	v62 =	vld [tilespmem:s17+$0x6680]  }
0x86: {  	v2 =	vadd.f32 v61, v2  }
0x87: {  	v63 =	vld [tilespmem:s17+$0x6700]  }
0x88: {  	v2 =	vadd.f32 v3, v2;
	_ =	sdelay $0x1  }
0x89: {  	v2 =	vadd.f32 v62, v2;
	_ =	sdelay $0x1  }
0x8a: {  	s15 =	sadd.s32 $0x1, s15;
	v2 =	vadd.f32 v63, v2  }
0x8b: {  	s16 =	sadd.s32 $0x10, s16;
	p0 =	sne.s32 s15, s7  }
.Ltmp3:
0x8c: {  	[tilespmem:s16+$0x0] =	vst v2;
	(pc) =	sbr.rel @p0 .LBB2_1-.Ltmp3, $4  }
0x8d: {  	[hbm4b:s6+s2] =	stream.linear.scatter [tilespmem:s9], [sflag:$0x1], $0x280, $0x38;
	[tilespmem:$0x9F80] =	vst v63  }
0x8e: {  	_ =	swait.ge [sflag:s8], $0x280  }
0x8f: {  	[sflag:s8] =	ssyncset.done $0x0  }
0x90: {  	[sflag:s8] =	ssyncadd.s32 $0xFFFFFD80  }
0x91: {  	_ =	sfence.sel $0x180000  }
0x92: {  	[bflag:$0x0] =	sbarrier.arrive $0xFFFF  }
0x93: {  	p0 =	sne.s32 s0, $0x0;
	_ =	strace $0x90000047  }
0x94: {  	s0 =	sadd.s32 @!p0 $0x100000, s1;
	[bflag:$0x2] =	sbarrier.arrive $0xFFFF  }
0x95: {  	[sflag:s0] =	ssyncadd.tile.s32 @!p0 $0x1;
	_ =	shalt  }
.Lfunc_end2:
_tile_overlayer_lowered:
.L_overlay_start_2:
0x96: {  	(tag) =	ssettag $0x2  }
0x97: {  	s0 =	rddreg [dreg:$0x0];
	s2 =	stileid.u32  }
0x98: {  	s1 =	rddreg [dreg:$0x1];
	p0 =	sne.s32 s2, $0x0  }
0x99: {  	s3 =	rddreg [dreg:$0x2];
	[bflag:$0x3] =	sbarrier.arrive $0xFFFF;
	s2 =	simm.s32 @!p0 $0x1C01  }
0x9a: {  	[timem:s3], [sflag:s2] =	dma.local @!p0 [hbm:s0], s1  }
0x9b: {  	s0 =	simm.s32 @!p0 $0x1  }
0x9c: {  	_ =	swait.ge @!p0 [sflag:s0], s1  }
0x9d: {  	s1 =	ssub.s32 @!p0 $0x0, s1;
	[sflag:s0] =	ssyncset.done @!p0 $0x0  }
0x9e: {  	[sflag:s0] =	ssyncadd.s32 @!p0 s1  }
0x9f: {  	[bflag:$0x3] =	sbarrier.arrive $0xFFFF  }
0xa0: {  	_ =	shalt  }

// kernel: kernel.13.cloned.1.call-start
scs
__scs_entry_jumppad:
0x0: {  	(pc) =	sbr.rel $0x88, $3  }
0x1: {  	(tag) =	ssettag $0x0;
	lr =	simm.s32 $0x1  }
0x2: {  	[smem:$0x3F95] =	sst lr;
	_ =	strace $0xD0000000  }
0x3: {  	_ = 	snop  }
0x4: {  	_ = 	snop  }
0x5: {  	_ = 	snop  }
0x6: {  	_ = 	snop  }
0x7: {  	_ = 	snop  }
__scs_overlays_trampoline_lowered:
0x8: {  	[smem:$0x3FA4] =	sst s0  }
0x9: {  	[smem:$0x3FA5] =	sst s1  }
0xa: {  	[smem:$0x3FA6] =	sst s2  }
0xb: {  	[smem:$0x3FA7] =	sst s3  }
0xc: {  	[smem:$0x3FA8] =	sst s4  }
0xd: {  	[smem:$0x3FA9] =	sst s5  }
0xe: {  	[smem:$0x3FAA] =	sst s6  }
0xf: {  	[smem:$0x3FAB] =	sst s7  }
0x10: {  	[smem:$0x3FAC] =	sst s8  }
0x11: {  	[smem:$0x3FAD] =	sst s9;
	s0 =	simm.s32 @!p0 $0x0  }
0x12: {  	s1 =	sld [smem:$0x3F93];
	s0 =	simm.s32 @p0 $0x1  }
0x13: {  	[smem:$0x3FAE] =	sst s0;
	s0 =	simm.s32 @!p1 $0x0  }
0x14: {  	s2 =	sld [smem:$0x3F92];
	s0 =	simm.s32 @p1 $0x1  }
0x15: {  	[smem:$0x3FAF] =	sst s0;
	s0 =	simm.s32 @!p2 $0x0  }
0x16: {  	s3 =	sld [smem:$0x3FDB];
	s0 =	simm.s32 @p2 $0x1  }
0x17: {  	s4 =	simm.s32 $0x1BF5;
	[smem:$0x3FB1] =	sst s0  }
0x18: {  	s0 =	sld [smem:$0x3F94];
	_ =	swait.ge [sflag:s4], $0x0  }
0x19: {  	s7 =	sld [smem:$0x3F95]  }
0x1a: {  	s8 =	sadd.s32 $0xFFFFE003, lr  }
0x1b: {  	s9 =	sadd.s32 $0xFFFFFEF7, lr;
	s5 =	simm.s32 $0xFFFFFFFF;
	p2 =	slt.u32 s8, $0xFFFFF086  }
0x1c: {  	p1 =	slt.u32 s9, $0xF7A;
	s5 =	simm.s32 @!p2 $0x0  }
0x1d: {  	s5 =	simm.s32 @p1 $0x1;
	p0 =	seq.s32 s7, s2  }
0x1e: {  	s7 =	smul.u32 @!p0 $0xF7A, s2;
	p2 =	seq.s32 @!p0 s5, $0x0  }
0x1f: {  	s9 =	smul.u32 $0xF7A, s1;
	s8 =	simm.s32 @!p0 $0x1BF5;
	p2 =	por !p2, p0  }
0x20: {  	[sflag:s8] =	ssyncset.s32 @!p0 $0xFFFFF086;
	s6 =	sadd.s32 @!p0 s3, s7;
	s7 =	simm.s32 @!p0 $0x108  }
0x21: {  	s3 =	sadd.s32 s3, s9;
	s6 =	sadd.s32 @!p0 $0x88, s6;
	s7 =	simm.s32 @p2 $0x1082  }
0x22: {  	[simem:s7], [sflag:s8] =	dma.local @!p0 [hbm:s6], $0xF7A  }
0x23: {  	s9 =	sor.u32 $0xD0000000, s2;
	s6 =	simm.s32 $0x108;
	_ =	swait.ge @!p0 [sflag:s8], $0x0  }
0x24: {  	s3 =	sadd.s32 $0x88, s3;
	s6 =	simm.s32 @!p1 $0x1082;
	[sflag:s4] =	ssyncset.s32 $0xFFFFF086  }
0x25: {  	[simem:s6], [sflag:s4] =	dma.local [hbm:s3], $0xF7A  }
0x26: {  	[smem:$0x3F95] =	sst s1;
	(tag) =	ssettag s2;
	_ =	strace s9  }
0x27: {  	s1 =	sld [smem:$0x3FA5]  }
0x28: {  	s2 =	sld [smem:$0x3FA6]  }
0x29: {  	s4 =	sld [smem:$0x3FA8]  }
0x2a: {  	p0 =	seq.s32 s5, $0x0;
	s5 =	sld [smem:$0x3FA9]  }
0x2b: {  	s6 =	sld [smem:$0x3FAA]  }
0x2c: {  	s7 =	sld [smem:$0x3FAB]  }
0x2d: {  	s3 =	simm.s32 $0x108;
	s8 =	sld [smem:$0x3FAC]  }
0x2e: {  	s3 =	simm.s32 @!p0 $0x1082;
	s9 =	sld [smem:$0x3FAD]  }
0x2f: {  	lr =	sadd.s32 s0, s3;
	s0 =	sld [smem:$0x3FA4]  }
0x30: {  	s3 =	sld [smem:$0x3FA7]  }
0x31: {  	[smem:$0x3FB0] =	sst s10  }
0x32: {  	s10 =	sld [smem:$0x3FAE];
	_ =	sdelay $0x3  }
0x33: {  	p0 =	seq.s32 s10, $0x1;
	s10 =	sld [smem:$0x3FB0];
	_ =	sdelay $0x3  }
0x34: {  	[smem:$0x3FB0] =	sst s10  }
0x35: {  	s10 =	sld [smem:$0x3FAF];
	_ =	sdelay $0x3  }
0x36: {  	p1 =	seq.s32 s10, $0x1;
	s10 =	sld [smem:$0x3FB0];
	_ =	sdelay $0x3  }
0x37: {  	[smem:$0x3FB0] =	sst s10  }
0x38: {  	s10 =	sld [smem:$0x3FB1]  }
0x39: {  	_ = 	snop;
	(pc) =	sbr.ind lr, $3  }
0x3a: {  	_ = 	snop  }
0x3b: {  	_ = 	snop  }
0x3c: {  	p2 =	seq.s32 s10, $0x1;
	s10 =	sld [smem:$0x3FB0]  }
0x3d: {  	_ =	shalt  }
0x3e: {  	_ =	shalt  }
0x3f: {  	_ =	shalt  }
0x40: {  	_ =	shalt  }
0x41: {  	_ =	shalt  }
0x42: {  	_ =	shalt  }
0x43: {  	_ =	shalt  }
0x44: {  	_ =	shalt  }
0x45: {  	_ =	shalt  }
0x46: {  	_ =	shalt  }
0x47: {  	_ =	shalt  }
0x48: {  	_ =	shalt  }
0x49: {  	_ =	shalt  }
0x4a: {  	_ =	shalt  }
0x4b: {  	_ =	shalt  }
0x4c: {  	_ =	shalt  }
0x4d: {  	_ =	shalt  }
0x4e: {  	_ =	shalt  }
0x4f: {  	_ =	shalt  }
0x50: {  	_ =	shalt  }
0x51: {  	_ =	shalt  }
0x52: {  	_ =	shalt  }
0x53: {  	_ =	shalt  }
0x54: {  	_ =	shalt  }
0x55: {  	_ =	shalt  }
0x56: {  	_ =	shalt  }
0x57: {  	_ =	shalt  }
0x58: {  	_ =	shalt  }
0x59: {  	_ =	shalt  }
0x5a: {  	_ =	shalt  }
0x5b: {  	_ =	shalt  }
0x5c: {  	_ =	shalt  }
0x5d: {  	_ =	shalt  }
0x5e: {  	_ =	shalt  }
0x5f: {  	_ =	shalt  }
0x60: {  	_ =	shalt  }
0x61: {  	_ =	shalt  }
0x62: {  	_ =	shalt  }
0x63: {  	_ =	shalt  }
0x64: {  	_ =	shalt  }
0x65: {  	_ =	shalt  }
0x66: {  	_ =	shalt  }
0x67: {  	_ =	shalt  }
0x68: {  	_ =	shalt  }
0x69: {  	_ =	shalt  }
0x6a: {  	_ =	shalt  }
0x6b: {  	_ =	shalt  }
0x6c: {  	_ =	shalt  }
0x6d: {  	_ =	shalt  }
0x6e: {  	_ =	shalt  }
0x6f: {  	_ =	shalt  }
0x70: {  	_ =	shalt  }
0x71: {  	_ =	shalt  }
0x72: {  	_ =	shalt  }
0x73: {  	_ =	shalt  }
0x74: {  	_ =	shalt  }
0x75: {  	_ =	shalt  }
0x76: {  	_ =	shalt  }
0x77: {  	_ =	shalt  }
0x78: {  	_ =	shalt  }
0x79: {  	_ =	shalt  }
0x7a: {  	_ =	shalt  }
0x7b: {  	_ =	shalt  }
0x7c: {  	_ =	shalt  }
0x7d: {  	_ =	shalt  }
0x7e: {  	_ =	shalt  }
0x7f: {  	_ =	shalt  }
0x80: {  	_ =	shalt  }
0x81: {  	_ =	shalt  }
0x82: {  	_ =	shalt  }
0x83: {  	_ =	shalt  }
0x84: {  	_ =	shalt  }
0x85: {  	_ =	shalt  }
0x86: {  	_ =	shalt  }
0x87: {  	_ =	shalt  }
.Lfunc_end0:
.L_simem_size_0:
called_computation.1_lowered:
.L_overlay_start_0:
0x88: {  	s2 =	sld [smem:$0x3FD9]  }
0x89: {  	s3 =	sld [smem:$0x3FFE];
	_ =	sdelay $0x1  }
0x8a: {  	s1 =	srdreg.scid  }
0x8b: {  	s0 =	sand.u32 $0x1, s1  }
0x8c: {  	s17 =	sshll.u32 s0, $0xA;
	s2 =	sadd.s32 s3, s2  }
0x8d: {  	s2 =	sadd.s32 s2, s17  }
0x8e: {  	[smem:$0x3FBC] =	sst s2  }
0x8f: {  	_ = 	snop  }
0x90: {  	s2 =	sld [smem:$0x3FD0];
	(tm) =	ssettm $0x1  }
0x91: {  	s18 =	sld [smem:$0x3FFB];
	_ =	sdelay $0x3  }
0x92: {  	_ =	strace s18  }
0x93: {  	s3 =	sld [smem:$0x3FFC];
	_ =	sdelay $0x3  }
0x94: {  	_ =	strace s3  }
0x95: {  	s3 =	sld [smem:$0x3FFD];
	_ =	sdelay $0x3  }
0x96: {  	_ =	strace s3  }
0x97: {  	_ =	strace $0x8FFFFFFF  }
0x98: {  	s19 =	sld [smem:$0x3FDB];
	_ =	sdelay $0x1  }
0x99: {  	s4 =	simm.s32 $_scs_section_size  }
0x9a: {  	s5 =	simm.s32 $_size__tile_overlayer_lowered;
	s6 =	simm.s32 $_tile_overlayer_lowered  }
0x9b: {  	s22 =	simm.s32 $0x1BFF;
	s21 =	sshll.u32 s6, $0x1;
	s3 =	sadd.s32 s4, s19  }
0x9c: {  	s7 =	simm.s32 $0x0;
	s20 =	sshll.u32 s5, $0x1;
	s5 =	sadd.s32 s21, s3  }
0x9d: {  	[timem:s7], [sflag:s22] =	dma.local [hbm:s5], s20  }
0x9e: {  	_ =	swait.ge [sflag:s22], s20  }
0x9f: {  	s4 =	ssub.s32 $0x0, s20;
	[sflag:s22] =	ssyncset.done $0x0  }
0xa0: {  	[sflag:s22] =	ssyncadd.s32 s4;
	_ =	sdelay $0x1  }
0xa1: {  	s23 =	simm.s32 $0x1B8B  }
0xa2: {  	_ =	swait.ge [sflag:s23], $0x1  }
0xa3: {  	[sflag:s23] =	ssyncset.done $0x0  }
0xa4: {  	s25 =	simm.s32 $0x1B8E;
	s24 =	sld [smem:$0x3FFE];
	[sflag:s23] =	ssyncadd.s32 $0xFFFFFFFF  }
0xa5: {  	s26 =	simm.s32 $execute0_lowered;
	[smem:$0x3FD2] =	sst s25  }
0xa6: {  	s5 =	sshll.u32 s26, $0x1;
	_ =	strace $0x80000049;
	[dreg:$0x1] =	wrdreg $0xFFFFFFFF  }
0xa7: {  	s28 =	simm.s32 $_size_execute0_lowered;
	s3 =	sadd.s32 s3, s5;
	[dreg:$0x0] =	wrdreg $0x0  }
0xa8: {  	s5 =	sshll.u32 s28, $0x1;
	[dreg:$0x2] =	wrdreg s3  }
0xa9: {  	[dreg:$0x3] =	wrdreg s5  }
0xaa: {  	[dreg:$0x4] =	wrdreg $0xC0  }
0xab: {  	_ =	task [dreg:s7], $0x5FFFF  }
0xac: {  	[dreg:$0x1] =	wrdreg $0xFFFFFFFF  }
0xad: {  	[dreg:$0x0] =	wrdreg $0x60  }
0xae: {  	[dreg:$0x2] =	wrdreg s24  }
0xaf: {  	[dreg:$0x3] =	wrdreg s2  }
0xb0: {  	[dreg:$0x4] =	wrdreg $0xA4000  }
0xb1: {  	[dreg:$0x5] =	wrdreg $0x9  }
0xb2: {  	_ =	task.clear_ibuf [dreg:s7], $0x6FFFF;
	_ =	strace $0x90000049  }
0xb3: {  	s29 =	simm.s32 $0x9;
	_ =	strace $0x8000004B  }
0xb4: {  	_ =	swait.ge [sflag:s29], $0x1  }
0xb5: {  	[sflag:s29] =	ssyncadd.s32 $0xFFFFFFFF  }
0xb6: {  	_ =	strace $0x9000004B  }
0xb7: {  	_ =	sfence  }
0xb8: {  	s30 =	sld [smem:$0x0];
	_ =	sdelay $0x2  }
0xb9: {  	s31 =	sshll.u32 s1, $0xD;
	s1 =	sshrl.u32 s1, $0x2  }
0xba: {  	s3 =	sand.u32 $0x4000, s31;
	s1 =	sadd.s32 s1, s30  }
0xbb: {  	s0 =	sor.u32 s3, s0;
	s1 =	sshll.u32 s1, $0x11  }
0xbc: {  	s0 =	sor.u32 s1, s0  }
0xbd: {  	s0 =	sadd.s32 $0x8F2B, s0  }
0xbe: {  	[sflag:s0] =	ssyncadd.remote.s32 $0x1  }
0xbf: {  	_ =	sfence.sel $0xFFFF  }
0xc0: {  	[dreg:$0x0] =	wrdreg $0xFFFFFFFF;
	(pc) =	sbr.abs _section_cstart, $3  }
0xc1: {  	[dreg:$0x1] =	wrdreg $0xFFFFFFFF  }
0xc2: {  	_ =	task.clear_ibuf [dreg:s7], $0x2FFFF;
	_ =	strace $0x9FFFFFFF  }
0xc3: {  	(tm) =	ssettm $0x7FFFFFFF  }
tec
execute0_lowered:
.L_overlay_start_1:
0x0: {  	(tag) =	ssettag $0x1  }
0x1: {  	s1 =	rddreg [dreg:$0x0]  }
0x2: {  	s0 =	rddreg [dreg:$0x1]  }
0x3: {  	s2 =	rddreg [dreg:$0x2]  }
0x4: {  	s3 =	simm.s32 $0x0;
	s14 =	stileid.u32;
	s7 =	srdreg.scid  }
0x5: {  	s28 =	simm.s32 $0x2C00;
	s29 =	simm.s32 $0xB;
	s30 =	simm.s32 $0x5400  }
0x6: {  	s31 =	simm.s32 $0xC;
	[smem:$0x7FF] =	sst s3;
	s5 =	smul.u32 $0x13800, s14  }
0x7: {  	s4 =	sadd.s32 $0xD000, s1;
	s8 =	sadd.s32 $0x3200, s1;
	s7 =	sand.u32 $0x1, s7  }
0x8: {  	s11 =	smul.u32 $0x4E000, s14;
	s12 =	sadd.s32 $0x5B400, s1;
	s19 =	sshll.u32 s14, $0x6  }
0x9: {  	s21 =	smul.u32 $0x2710, s14;
	s22 =	sadd.s32 $0x138000, s2;
	p0 =	sne.s32 s14, $0xF  }
0xa: {  	_ =	strace $0x8000004A;
	s9 =	ssub.s32 $0x2, s7;
	s10 =	sshll.u32 s7, $0x4  }
0xb: {  	s20 =	smul.u32 $0x27100, s7;
	s15 =	sor.u32 $0x1C11, s19;
	[dreg:$0xf] =	wrdreg s22  }
0xc: {  	s7 =	smul.u32 $0x138800, s7;
	s6 =	sshrl.u32 s5, $0x3;
	s13 =	sshrl.u32 s9, $0x1  }
0xd: {  	s10 =	sor.u32 s14, s10;
	s11 =	sshrl.u32 s11, $0x2;
	s14 =	simm.s32 $0x11  }
0xe: {  	[dreg:$0xe] =	wrdreg s15;
	s6 =	sadd.s32 s6, s1;
	s9 =	ssub.s32 s9, s13  }
0xf: {  	s10 =	smul.u32 $0x2710, s10;
	s11 =	sadd.s32 s11, s2;
	s1 =	sadd.s32 $0x5B200, s1  }
0x10: {  	s5 =	sadd.s32 s5, s7;
	s7 =	sshrl.u32 s7, $0x3;
	[dreg:$0xc] =	wrdreg s11  }
0x11: {  	s6 =	sadd.s32 $0x34200, s6;
	[dreg:$0x10] =	wrdreg s1;
	s25 =	sshrl.u32 s5, $0x3  }
0x12: {  	[dreg:$0xd] =	wrdreg s6;
	s10 =	sshrl.u32 s10, $0x3;
	s6 =	sadd.s32 s21, s20  }
0x13: {  	s5 =	simm.s32 $0xD;
	s23 =	sadd.s32 $0x4D8, s10;
	s24 =	sadd.s32 $0xF0, s6  }
0x14: {  	s11 =	sadd.s32 $0xA0, s6;
	s18 =	sadd.s32 $0x50, s6;
	s10 =	sadd.s32 s0, s23  }
0x15: {  	s1 =	sadd.s32 s8, s23;
	s26 =	sshrl.u32 s24, $0x3;
	[dreg:$0x11] =	wrdreg s10  }
0x16: {  	s16 =	sshrl.u32 s11, $0x3;
	[dreg:$0x12] =	wrdreg s1;
	s1 =	sadd.s32 s12, s25  }
0x17: {  	s20 =	sshrl.u32 s18, $0x3;
	s10 =	sadd.s32 s26, s8;
	[dreg:$0x13] =	wrdreg s1  }
0x18: {  	s23 =	sshrl.u32 s6, $0x3;
	s13 =	sadd.s32 s26, s0;
	[dreg:$0x4] =	wrdreg s10  }
0x19: {  	s24 =	sadd.s32 s12, s7;
	s17 =	sadd.s32 s16, s8;
	[dreg:$0x5] =	wrdreg s13  }
0x1a: {  	s11 =	simm.s32 $0x4;
	s19 =	sadd.s32 s16, s0;
	[dreg:$0x6] =	wrdreg s17  }
0x1b: {  	s21 =	sadd.s32 s20, s8;
	s22 =	sadd.s32 s20, s0;
	[dreg:$0x7] =	wrdreg s19  }
0x1c: {  	s25 =	sadd.s32 s23, s8;
	s6 =	sadd.s32 $0x27000, s24;
	[dreg:$0x8] =	wrdreg s21  }
0x1d: {  	s0 =	sadd.s32 s23, s0;
	s26 =	smax.u32 s9, $0x1;
	[dreg:$0x9] =	wrdreg s22  }
0x1e: {  	s20 =	simm.s32 $0x380;
	s23 =	simm.s32 $0x9;
	[dreg:$0x14] =	wrdreg s6  }
0x1f: {  	s24 =	simm.s32 $0x50;
	s8 =	simm.s32 $0xE;
	[dreg:$0xa] =	wrdreg s25  }
0x20: {  	s9 =	simm.s32 $0x3;
	s12 =	simm.s32 $0x10;
	[dreg:$0x15] =	wrdreg s26  }
0x21: {  	s16 =	simm.s32 $0x0;
	[dreg:$0xb] =	wrdreg s0;
	s26 =	simm.s32 $0xA  }
0x22: {  	s0 =	simm.s32 $0x7C00;
	s1 =	simm.s32 $0x1;
	s6 =	simm.s32 $0x2  }
0x23: {  	s10 =	simm.s32 $0xF;
	s25 =	simm.s32 $0x380;
	s22 =	simm.s32 $0x300  }
.LBB2_1:
0x24: {  	[dreg:$0x16] =	wrdreg s16  }
0x25: {  	s7 =	rddreg [dreg:$0xc]  }
0x26: {  	s16 =	rddreg [dreg:$0xd];
	s13 =	sshrl.u32 s7, $0x3  }
0x27: {  	[dreg:$0x17] =	wrdreg s13  }
0x28: {  	[spmem:s13], [sflag:s15] =	dma.local [hbm:s16], $0x2700  }
0x29: {  	_ =	swait.ge [sflag:s14], $0x2700  }
0x2a: {  	s7 =	rddreg [dreg:$0xf]  }
0x2b: {  	[sflag:s14] =	ssyncset.done $0x0;
	s13 =	sshrl.u32 @!p0 s7, $0x3;
	s7 =	rddreg [dreg:$0x10]  }
0x2c: {  	[sflag:s14] =	ssyncadd.s32 $0xFFFFD900;
	[dreg:$0x18] =	wrdreg s13  }
0x2d: {  	[spmem:s13], [sflag:s15] =	dma.local @!p0 [hbm:s7], $0x100  }
0x2e: {  	s7 =	simm.s32 @!p0 $0x11  }
0x2f: {  	_ =	swait.ge @!p0 [sflag:s7], $0x100  }
0x30: {  	[sflag:s7] =	ssyncset.done @!p0 $0x0  }
0x31: {  	p1 =	por $0x1, $0x1;
	[sflag:s7] =	ssyncadd.s32 @!p0 $0xFFFFFF00  }
0x32: {  	s7 =	simm.s32 @!p1 $0x5;
	[bflag:$0x0] =	sbarrier.arrive $0xFFFF  }
0x33: {  	_ =	swait.ge @!p1 [sflag:s7], $0x2800  }
0x34: {  	[sflag:s7] =	ssyncset.done @!p1 $0x0  }
0x35: {  	[sflag:s7] =	ssyncadd.s32 @!p1 $0xFFFFD800;
	s7 =	simm.s32 @!p1 $0x6  }
0x36: {  	_ =	swait.ge @!p1 [sflag:s7], $0x2800  }
0x37: {  	[sflag:s7] =	ssyncset.done @!p1 $0x0  }
0x38: {  	[sflag:s7] =	ssyncadd.s32 @!p1 $0xFFFFD800;
	s7 =	simm.s32 @!p1 $0x7  }
0x39: {  	_ =	swait.ge @!p1 [sflag:s7], $0x2800  }
0x3a: {  	[sflag:s7] =	ssyncset.done @!p1 $0x0  }
0x3b: {  	[sflag:s7] =	ssyncadd.s32 @!p1 $0xFFFFD800;
	s7 =	simm.s32 @!p1 $0x8  }
0x3c: {  	_ =	swait.ge @!p1 [sflag:s7], $0x2800  }
0x3d: {  	s17 =	rddreg [dreg:$0xb];
	[sflag:s7] =	ssyncset.done @!p1 $0x0  }
0x3e: {  	s18 =	rddreg [dreg:$0xa];
	[sflag:s7] =	ssyncadd.s32 @!p1 $0xFFFFD800;
	s19 =	sadd.s32 $0x0, s17  }
0x3f: {  	[tilespmem:s3], [sflag:$0x9] =	stream.linear.gather [hbm4b:s19+s3], $0x50, $0x38;
	[tilespmem:$0x1DC80] =	vst v63  }
0x40: {  	s13 =	simm.s32 $0x200;
	s21 =	rddreg [dreg:$0x9];
	s15 =	sadd.s32 $0x0, s18  }
0x41: {  	[tilespmem:s13], [sflag:$0xD] =	stream.linear.gather [hbm4b:s15+s3], $0x50, $0x38;
	[tilespmem:$0x1DC80] =	vst v63  }
0x42: {  	s16 =	rddreg [dreg:$0x8];
	s7 =	sadd.s32 $0x0, s21;
	s15 =	simm.s32 $0x80  }
0x43: {  	[tilespmem:s15], [sflag:$0xA] =	stream.linear.gather [hbm4b:s7+s3], $0x50, $0x38;
	[tilespmem:$0x1DC80] =	vst v63  }
0x44: {  	s17 =	rddreg [dreg:$0x7];
	s14 =	sadd.s32 $0x0, s16;
	s16 =	simm.s32 $0x280  }
0x45: {  	[tilespmem:s16], [sflag:$0xE] =	stream.linear.gather [hbm4b:s14+s3], $0x50, $0x38;
	[tilespmem:$0x1DC80] =	vst v63  }
0x46: {  	s18 =	rddreg [dreg:$0x6];
	s7 =	sadd.s32 $0x0, s17;
	s17 =	simm.s32 $0x100  }
0x47: {  	[tilespmem:s17], [sflag:$0xB] =	stream.linear.gather [hbm4b:s7+s3], $0x50, $0x38;
	[tilespmem:$0x1DC80] =	vst v63  }
0x48: {  	s19 =	rddreg [dreg:$0x5];
	s14 =	sadd.s32 $0x0, s18;
	s18 =	simm.s32 $0x300  }
0x49: {  	[tilespmem:s18], [sflag:$0xF] =	stream.linear.gather [hbm4b:s14+s3], $0x50, $0x38;
	[tilespmem:$0x1DC80] =	vst v63  }
0x4a: {  	s21 =	rddreg [dreg:$0x4];
	s7 =	sadd.s32 $0x0, s19;
	s19 =	simm.s32 $0x180  }
0x4b: {  	[tilespmem:s19], [sflag:$0xC] =	stream.linear.gather [hbm4b:s7+s3], $0x50, $0x38;
	[tilespmem:$0x1DC80] =	vst v63  }
0x4c: {  	s14 =	sadd.s32 $0x0, s21  }
0x4d: {  	[tilespmem:s20], [sflag:$0x10] =	stream.linear.gather [hbm4b:s14+s3], $0x50, $0x38;
	[tilespmem:$0x1DC80] =	vst v63  }
0x4e: {  	_ =	swait.ge [sflag:s23], $0x50  }
0x4f: {  	[sflag:s23] =	ssyncset.done $0x0  }
0x50: {  	s21 =	simm.s32 $0x400;
	[sflag:s23] =	ssyncadd.s32 $0xFFFFFFB0  }
0x51: {  	[tilespmem:s21], [sflag:$0x1] =	stream.indirect.gather [hbm4b:s4+s24], $0x80, s3, s24, $0xb8;
	[tilespmem:$0x1DC80] =	vst v63  }
0x52: {  	_ =	swait.ge [sflag:s26], $0x50  }
0x53: {  	[sflag:s26] =	ssyncset.done $0x0  }
0x54: {  	[sflag:s26] =	ssyncadd.s32 $0xFFFFFFB0  }
0x55: {  	[tilespmem:s28], [sflag:$0x2] =	stream.indirect.gather [hbm4b:s4+s24], $0x80, s15, s24, $0xb8;
	[tilespmem:$0x1DC80] =	vst v63  }
0x56: {  	_ =	swait.ge [sflag:s29], $0x50  }
0x57: {  	[sflag:s29] =	ssyncset.done $0x0  }
0x58: {  	[sflag:s29] =	ssyncadd.s32 $0xFFFFFFB0  }
0x59: {  	[tilespmem:s30], [sflag:$0x3] =	stream.indirect.gather [hbm4b:s4+s24], $0x80, s17, s24, $0xb8;
	[tilespmem:$0x1DC80] =	vst v63  }
0x5a: {  	_ =	swait.ge [sflag:s31], $0x50  }
0x5b: {  	[sflag:s31] =	ssyncset.done $0x0  }
0x5c: {  	[sflag:s31] =	ssyncadd.s32 $0xFFFFFFB0  }
0x5d: {  	[tilespmem:s0], [sflag:$0x4] =	stream.indirect.gather [hbm4b:s4+s24], $0x80, s19, s24, $0xb8;
	[tilespmem:$0x1DC80] =	vst v63  }
0x5e: {  	_ =	swait.ge [sflag:s1], $0x2800  }
0x5f: {  	[sflag:s1] =	ssyncset.done $0x0  }
0x60: {  	[sflag:s1] =	ssyncadd.s32 $0xFFFFD800  }
0x61: {  	_ =	swait.ge [sflag:s5], $0x50  }
0x62: {  	[sflag:s5] =	ssyncset.done $0x0  }
0x63: {  	[sflag:s5] =	ssyncadd.s32 $0xFFFFFFB0  }
0x64: {  	[spmem:s2] =	stream.indirect.scatter.add.f32 [tilespmem:s21], [sflag:$0x5], $0x80, s13, s24, $0xb8;
	[tilespmem:$0x1DC80] =	vst v63  }
0x65: {  	_ =	swait.ge [sflag:s6], $0x2800  }
0x66: {  	[sflag:s6] =	ssyncset.done $0x0  }
0x67: {  	[sflag:s6] =	ssyncadd.s32 $0xFFFFD800  }
0x68: {  	_ =	swait.ge [sflag:s8], $0x50  }
0x69: {  	[sflag:s8] =	ssyncset.done $0x0  }
0x6a: {  	[sflag:s8] =	ssyncadd.s32 $0xFFFFFFB0  }
0x6b: {  	[spmem:s2] =	stream.indirect.scatter.add.f32 [tilespmem:s28], [sflag:$0x6], $0x80, s16, s24, $0xb8;
	[tilespmem:$0x1DC80] =	vst v63  }
0x6c: {  	_ =	swait.ge [sflag:s9], $0x2800  }
0x6d: {  	[sflag:s9] =	ssyncset.done $0x0  }
0x6e: {  	[sflag:s9] =	ssyncadd.s32 $0xFFFFD800  }
0x6f: {  	_ =	swait.ge [sflag:s10], $0x50  }
0x70: {  	[sflag:s10] =	ssyncset.done $0x0  }
0x71: {  	[sflag:s10] =	ssyncadd.s32 $0xFFFFFFB0  }
0x72: {  	[spmem:s2] =	stream.indirect.scatter.add.f32 [tilespmem:s30], [sflag:$0x7], $0x80, s18, s24, $0xb8;
	[tilespmem:$0x1DC80] =	vst v63  }
0x73: {  	_ =	swait.ge [sflag:s11], $0x2800  }
0x74: {  	[sflag:s11] =	ssyncset.done $0x0  }
0x75: {  	[sflag:s11] =	ssyncadd.s32 $0xFFFFD800  }
0x76: {  	p2 =	por $0x0, $0x0;
	_ =	swait.ge [sflag:s12], $0x50  }
0x77: {  	s7 =	simm.s32 $0x50;
	s14 =	simm.s32 $0x28;
	[sflag:s12] =	ssyncset.done $0x0  }
.LBB2_2:
0x78: {  	s13 =	simm.s32 @!p2 $0x5;
	[sflag:s12] =	ssyncadd.s32 $0xFFFFFFB0  }
0x79: {  	[spmem:s2] =	stream.indirect.scatter.add.f32 [tilespmem:s0], [sflag:$0x8], $0x80, s25, s24, $0xb8;
	[tilespmem:$0x1DC80] =	vst v63  }
0x7a: {  	_ =	swait.ge @!p2 [sflag:s13], $0x2800  }
0x7b: {  	[sflag:s13] =	ssyncset.done @!p2 $0x0  }
0x7c: {  	[sflag:s13] =	ssyncadd.s32 @!p2 $0xFFFFD800;
	s13 =	simm.s32 @!p2 $0x6  }
0x7d: {  	_ =	swait.ge @!p2 [sflag:s13], $0x2800  }
0x7e: {  	[sflag:s13] =	ssyncset.done @!p2 $0x0  }
0x7f: {  	[sflag:s13] =	ssyncadd.s32 @!p2 $0xFFFFD800;
	s13 =	simm.s32 @!p2 $0x7  }
0x80: {  	_ =	swait.ge @!p2 [sflag:s13], $0x2800  }
0x81: {  	[sflag:s13] =	ssyncset.done @!p2 $0x0  }
0x82: {  	[sflag:s13] =	ssyncadd.s32 @!p2 $0xFFFFD800;
	s13 =	simm.s32 @!p2 $0x8  }
0x83: {  	_ =	swait.ge @!p2 [sflag:s13], $0x2800  }
0x84: {  	s16 =	rddreg [dreg:$0xb];
	[sflag:s13] =	ssyncset.done @!p2 $0x0  }
0x85: {  	s17 =	rddreg [dreg:$0xa];
	[sflag:s13] =	ssyncadd.s32 @!p2 $0xFFFFD800;
	s18 =	sadd.s32 s14, s16  }
0x86: {  	[tilespmem:s3], [sflag:$0x9] =	stream.linear.gather [hbm4b:s18+s3], $0x50, $0x38;
	[tilespmem:$0x1DC80] =	vst v63  }
0x87: {  	s19 =	rddreg [dreg:$0x9];
	s20 =	sadd.s32 s14, s17;
	s18 =	simm.s32 $0x200  }
0x88: {  	[tilespmem:s18], [sflag:$0xD] =	stream.linear.gather [hbm4b:s20+s3], $0x50, $0x38;
	[tilespmem:$0x1DC80] =	vst v63  }
0x89: {  	s21 =	rddreg [dreg:$0x8];
	s20 =	sadd.s32 s14, s19;
	s19 =	simm.s32 $0x80  }
0x8a: {  	[tilespmem:s19], [sflag:$0xA] =	stream.linear.gather [hbm4b:s20+s3], $0x50, $0x38;
	[tilespmem:$0x1DC80] =	vst v63  }
0x8b: {  	s16 =	rddreg [dreg:$0x7];
	s21 =	sadd.s32 s14, s21;
	s20 =	simm.s32 $0x280  }
0x8c: {  	[tilespmem:s20], [sflag:$0xE] =	stream.linear.gather [hbm4b:s21+s3], $0x50, $0x38;
	[tilespmem:$0x1DC80] =	vst v63  }
0x8d: {  	s17 =	rddreg [dreg:$0x6];
	s13 =	sadd.s32 s14, s16;
	s21 =	simm.s32 $0x100  }
0x8e: {  	[tilespmem:s21], [sflag:$0xB] =	stream.linear.gather [hbm4b:s13+s3], $0x50, $0x38;
	[tilespmem:$0x1DC80] =	vst v63  }
0x8f: {  	s16 =	rddreg [dreg:$0x5];
	s13 =	sadd.s32 s14, s17  }
0x90: {  	[tilespmem:s22], [sflag:$0xF] =	stream.linear.gather [hbm4b:s13+s3], $0x50, $0x38;
	[tilespmem:$0x1DC80] =	vst v63  }
0x91: {  	s17 =	rddreg [dreg:$0x4];
	s13 =	sadd.s32 s14, s16;
	s16 =	simm.s32 $0x180  }
0x92: {  	[tilespmem:s16], [sflag:$0xC] =	stream.linear.gather [hbm4b:s13+s3], $0x50, $0x38;
	[tilespmem:$0x1DC80] =	vst v63  }
0x93: {  	s17 =	sadd.s32 s14, s17  }
0x94: {  	[tilespmem:s25], [sflag:$0x10] =	stream.linear.gather [hbm4b:s17+s3], $0x50, $0x38;
	[tilespmem:$0x1DC80] =	vst v63  }
0x95: {  	_ =	swait.ge [sflag:s23], $0x50  }
0x96: {  	[sflag:s23] =	ssyncset.done $0x0  }
0x97: {  	s17 =	simm.s32 $0x400;
	[sflag:s23] =	ssyncadd.s32 $0xFFFFFFB0  }
0x98: {  	[tilespmem:s17], [sflag:$0x1] =	stream.indirect.gather [hbm4b:s4+s24], $0x80, s3, s24, $0xb8;
	[tilespmem:$0x1DC80] =	vst v63  }
0x99: {  	_ =	swait.ge [sflag:s26], $0x50  }
0x9a: {  	[sflag:s26] =	ssyncset.done $0x0  }
0x9b: {  	[sflag:s26] =	ssyncadd.s32 $0xFFFFFFB0  }
0x9c: {  	[tilespmem:s28], [sflag:$0x2] =	stream.indirect.gather [hbm4b:s4+s24], $0x80, s19, s24, $0xb8;
	[tilespmem:$0x1DC80] =	vst v63  }
0x9d: {  	_ =	swait.ge [sflag:s29], $0x50  }
0x9e: {  	[sflag:s29] =	ssyncset.done $0x0  }
0x9f: {  	[sflag:s29] =	ssyncadd.s32 $0xFFFFFFB0  }
0xa0: {  	[tilespmem:s30], [sflag:$0x3] =	stream.indirect.gather [hbm4b:s4+s24], $0x80, s21, s24, $0xb8;
	[tilespmem:$0x1DC80] =	vst v63  }
0xa1: {  	_ =	swait.ge [sflag:s31], $0x50  }
0xa2: {  	[sflag:s31] =	ssyncset.done $0x0  }
0xa3: {  	[sflag:s31] =	ssyncadd.s32 $0xFFFFFFB0  }
0xa4: {  	[tilespmem:s0], [sflag:$0x4] =	stream.indirect.gather [hbm4b:s4+s24], $0x80, s16, s24, $0xb8;
	[tilespmem:$0x1DC80] =	vst v63  }
0xa5: {  	_ =	swait.ge [sflag:s1], $0x2800  }
0xa6: {  	[sflag:s1] =	ssyncset.done $0x0  }
0xa7: {  	[sflag:s1] =	ssyncadd.s32 $0xFFFFD800  }
0xa8: {  	_ =	swait.ge [sflag:s5], $0x50  }
0xa9: {  	[sflag:s5] =	ssyncset.done $0x0  }
0xaa: {  	[sflag:s5] =	ssyncadd.s32 $0xFFFFFFB0  }
0xab: {  	[spmem:s2] =	stream.indirect.scatter.add.f32 [tilespmem:s17], [sflag:$0x5], $0x80, s18, s24, $0xb8;
	[tilespmem:$0x1DC80] =	vst v63  }
0xac: {  	_ =	swait.ge [sflag:s6], $0x2800  }
0xad: {  	[sflag:s6] =	ssyncset.done $0x0  }
0xae: {  	[sflag:s6] =	ssyncadd.s32 $0xFFFFD800  }
0xaf: {  	_ =	swait.ge [sflag:s8], $0x50  }
0xb0: {  	[sflag:s8] =	ssyncset.done $0x0  }
0xb1: {  	[sflag:s8] =	ssyncadd.s32 $0xFFFFFFB0  }
0xb2: {  	[spmem:s2] =	stream.indirect.scatter.add.f32 [tilespmem:s28], [sflag:$0x6], $0x80, s20, s24, $0xb8;
	[tilespmem:$0x1DC80] =	vst v63  }
0xb3: {  	_ =	swait.ge [sflag:s9], $0x2800  }
0xb4: {  	[sflag:s9] =	ssyncset.done $0x0  }
0xb5: {  	[sflag:s9] =	ssyncadd.s32 $0xFFFFD800  }
0xb6: {  	_ =	swait.ge [sflag:s10], $0x50  }
0xb7: {  	s15 =	smov.u32 s7;
	s7 =	sadd.s32 $0x28, s7;
	[sflag:s10] =	ssyncset.done $0x0  }
0xb8: {  	p1 =	sne.s32 s7, $0x4D8;
	[sflag:s10] =	ssyncadd.s32 $0xFFFFFFB0  }
0xb9: {  	[spmem:s2] =	stream.indirect.scatter.add.f32 [tilespmem:s30], [sflag:$0x7], $0x80, s22, s24, $0xb8;
	[tilespmem:$0x1DC80] =	vst v63  }
.Ltmp0:
0xba: {  	_ =	swait.ge [sflag:s11], $0x2800;
	(pc) =	sbr.rel @p1 .LBB2_2-.Ltmp0, $4  }
0xbb: {  	[sflag:s11] =	ssyncset.done $0x0  }
0xbc: {  	[sflag:s11] =	ssyncadd.s32 $0xFFFFD800  }
0xbd: {  	s14 =	smov.u32 s15;
	_ =	swait.ge [sflag:s12], $0x50  }
0xbe: {  	p2 =	seq.s32 s14, $0x0;
	[sflag:s12] =	ssyncset.done $0x0  }
0xbf: {  	s7 =	simm.s32 @!p2 $0x5;
	[sflag:s12] =	ssyncadd.s32 $0xFFFFFFB0;
	s21 =	simm.s32 $0x380  }
0xc0: {  	[spmem:s2] =	stream.indirect.scatter.add.f32 [tilespmem:s0], [sflag:$0x8], $0x80, s21, s24, $0xb8;
	[tilespmem:$0x1DC80] =	vst v63  }
0xc1: {  	_ =	swait.ge @!p2 [sflag:s7], $0x2800  }
0xc2: {  	[sflag:s7] =	ssyncset.done @!p2 $0x0  }
0xc3: {  	[sflag:s7] =	ssyncadd.s32 @!p2 $0xFFFFD800;
	s7 =	simm.s32 @!p2 $0x6  }
0xc4: {  	_ =	swait.ge @!p2 [sflag:s7], $0x2800  }
0xc5: {  	[sflag:s7] =	ssyncset.done @!p2 $0x0  }
0xc6: {  	[sflag:s7] =	ssyncadd.s32 @!p2 $0xFFFFD800;
	s7 =	simm.s32 @!p2 $0x7  }
0xc7: {  	_ =	swait.ge @!p2 [sflag:s7], $0x2800  }
0xc8: {  	[sflag:s7] =	ssyncset.done @!p2 $0x0  }
0xc9: {  	[sflag:s7] =	ssyncadd.s32 @!p2 $0xFFFFD800;
	s7 =	simm.s32 @!p2 $0x8  }
0xca: {  	_ =	swait.ge @!p2 [sflag:s7], $0x2800  }
0xcb: {  	s13 =	rddreg [dreg:$0xb];
	[sflag:s7] =	ssyncset.done @!p2 $0x0  }
0xcc: {  	s15 =	rddreg [dreg:$0xa];
	[sflag:s7] =	ssyncadd.s32 @!p2 $0xFFFFD800;
	s19 =	sadd.s32 s14, s13  }
0xcd: {  	[tilespmem:s3], [sflag:$0x9] =	stream.linear.gather [hbm4b:s19+s3], $0x50, $0x38;
	[tilespmem:$0x1DC80] =	vst v63  }
0xce: {  	s20 =	rddreg [dreg:$0x9];
	s16 =	sadd.s32 s14, s15;
	s15 =	simm.s32 $0x200  }
0xcf: {  	[tilespmem:s15], [sflag:$0xD] =	stream.linear.gather [hbm4b:s16+s3], $0x50, $0x38;
	[tilespmem:$0x1DC80] =	vst v63  }
0xd0: {  	s17 =	rddreg [dreg:$0x8];
	s7 =	sadd.s32 s14, s20;
	s16 =	simm.s32 $0x80  }
0xd1: {  	[tilespmem:s16], [sflag:$0xA] =	stream.linear.gather [hbm4b:s7+s3], $0x50, $0x38;
	[tilespmem:$0x1DC80] =	vst v63  }
0xd2: {  	s18 =	rddreg [dreg:$0x7];
	s13 =	sadd.s32 s14, s17;
	s17 =	simm.s32 $0x280  }
0xd3: {  	[tilespmem:s17], [sflag:$0xE] =	stream.linear.gather [hbm4b:s13+s3], $0x50, $0x38;
	[tilespmem:$0x1DC80] =	vst v63  }
0xd4: {  	s19 =	rddreg [dreg:$0x6];
	s7 =	sadd.s32 s14, s18;
	s18 =	simm.s32 $0x100  }
0xd5: {  	[tilespmem:s18], [sflag:$0xB] =	stream.linear.gather [hbm4b:s7+s3], $0x50, $0x38;
	[tilespmem:$0x1DC80] =	vst v63  }
0xd6: {  	s20 =	rddreg [dreg:$0x5];
	s13 =	sadd.s32 s14, s19;
	s19 =	simm.s32 $0x300  }
0xd7: {  	[tilespmem:s19], [sflag:$0xF] =	stream.linear.gather [hbm4b:s13+s3], $0x50, $0x38;
	[tilespmem:$0x1DC80] =	vst v63  }
0xd8: {  	s7 =	sadd.s32 s14, s20;
	s20 =	simm.s32 $0x180;
	s13 =	rddreg [dreg:$0x4]  }
0xd9: {  	[tilespmem:s20], [sflag:$0xC] =	stream.linear.gather [hbm4b:s7+s3], $0x50, $0x38;
	[tilespmem:$0x1DC80] =	vst v63  }
0xda: {  	s14 =	sadd.s32 s14, s13  }
0xdb: {  	[tilespmem:s21], [sflag:$0x10] =	stream.linear.gather [hbm4b:s14+s3], $0x50, $0x38;
	[tilespmem:$0x1DC80] =	vst v63  }
0xdc: {  	_ =	swait.ge [sflag:s23], $0x50  }
0xdd: {  	[sflag:s23] =	ssyncset.done $0x0  }
0xde: {  	s13 =	simm.s32 $0x400;
	[sflag:s23] =	ssyncadd.s32 $0xFFFFFFB0  }
0xdf: {  	[tilespmem:s13], [sflag:$0x1] =	stream.indirect.gather [hbm4b:s4+s24], $0x80, s3, s24, $0xb8;
	[tilespmem:$0x1DC80] =	vst v63  }
0xe0: {  	_ =	swait.ge [sflag:s26], $0x50  }
0xe1: {  	[sflag:s26] =	ssyncset.done $0x0  }
0xe2: {  	[sflag:s26] =	ssyncadd.s32 $0xFFFFFFB0  }
0xe3: {  	[tilespmem:s28], [sflag:$0x2] =	stream.indirect.gather [hbm4b:s4+s24], $0x80, s16, s24, $0xb8;
	[tilespmem:$0x1DC80] =	vst v63  }
0xe4: {  	_ =	swait.ge [sflag:s29], $0x50  }
0xe5: {  	[sflag:s29] =	ssyncset.done $0x0  }
0xe6: {  	[sflag:s29] =	ssyncadd.s32 $0xFFFFFFB0  }
0xe7: {  	[tilespmem:s30], [sflag:$0x3] =	stream.indirect.gather [hbm4b:s4+s24], $0x80, s18, s24, $0xb8;
	[tilespmem:$0x1DC80] =	vst v63  }
0xe8: {  	_ =	swait.ge [sflag:s31], $0x50  }
0xe9: {  	[sflag:s31] =	ssyncset.done $0x0  }
0xea: {  	[sflag:s31] =	ssyncadd.s32 $0xFFFFFFB0  }
0xeb: {  	[tilespmem:s0], [sflag:$0x4] =	stream.indirect.gather [hbm4b:s4+s24], $0x80, s20, s24, $0xb8;
	[tilespmem:$0x1DC80] =	vst v63  }
0xec: {  	_ =	swait.ge [sflag:s1], $0x2800  }
0xed: {  	[sflag:s1] =	ssyncset.done $0x0  }
0xee: {  	[sflag:s1] =	ssyncadd.s32 $0xFFFFD800  }
0xef: {  	_ =	swait.ge [sflag:s5], $0x50  }
0xf0: {  	[sflag:s5] =	ssyncset.done $0x0  }
0xf1: {  	[sflag:s5] =	ssyncadd.s32 $0xFFFFFFB0  }
0xf2: {  	[spmem:s2] =	stream.indirect.scatter.add.f32 [tilespmem:s13], [sflag:$0x5], $0x80, s15, s24, $0xb8;
	[tilespmem:$0x1DC80] =	vst v63  }
0xf3: {  	_ =	swait.ge [sflag:s6], $0x2800  }
0xf4: {  	[sflag:s6] =	ssyncset.done $0x0  }
0xf5: {  	[sflag:s6] =	ssyncadd.s32 $0xFFFFD800  }
0xf6: {  	_ =	swait.ge [sflag:s8], $0x50  }
0xf7: {  	[sflag:s8] =	ssyncset.done $0x0  }
0xf8: {  	[sflag:s8] =	ssyncadd.s32 $0xFFFFFFB0  }
0xf9: {  	[spmem:s2] =	stream.indirect.scatter.add.f32 [tilespmem:s28], [sflag:$0x6], $0x80, s17, s24, $0xb8;
	[tilespmem:$0x1DC80] =	vst v63  }
0xfa: {  	_ =	swait.ge [sflag:s9], $0x2800  }
0xfb: {  	[sflag:s9] =	ssyncset.done $0x0  }
0xfc: {  	[sflag:s9] =	ssyncadd.s32 $0xFFFFD800  }
0xfd: {  	_ =	swait.ge [sflag:s10], $0x50  }
0xfe: {  	[sflag:s10] =	ssyncset.done $0x0  }
0xff: {  	[sflag:s10] =	ssyncadd.s32 $0xFFFFFFB0  }
0x100: {  	[spmem:s2] =	stream.indirect.scatter.add.f32 [tilespmem:s30], [sflag:$0x7], $0x80, s19, s24, $0xb8;
	[tilespmem:$0x1DC80] =	vst v63  }
0x101: {  	_ =	swait.ge [sflag:s11], $0x2800  }
0x102: {  	[sflag:s11] =	ssyncset.done $0x0  }
0x103: {  	[sflag:s11] =	ssyncadd.s32 $0xFFFFD800  }
0x104: {  	_ =	swait.ge [sflag:s12], $0x50  }
0x105: {  	[sflag:s12] =	ssyncset.done $0x0  }
0x106: {  	s17 =	simm.s32 $0x5;
	[sflag:s12] =	ssyncadd.s32 $0xFFFFFFB0  }
0x107: {  	[spmem:s2] =	stream.indirect.scatter.add.f32 [tilespmem:s0], [sflag:$0x8], $0x80, s21, s24, $0xb8;
	[tilespmem:$0x1DC80] =	vst v63  }
0x108: {  	_ =	swait.ge [sflag:s17], $0x2800  }
0x109: {  	[sflag:s17] =	ssyncset.done $0x0  }
0x10a: {  	s18 =	simm.s32 $0x6;
	[sflag:s17] =	ssyncadd.s32 $0xFFFFD800  }
0x10b: {  	_ =	swait.ge [sflag:s18], $0x2800  }
0x10c: {  	[sflag:s18] =	ssyncset.done $0x0  }
0x10d: {  	s19 =	simm.s32 $0x7;
	[sflag:s18] =	ssyncadd.s32 $0xFFFFD800  }
0x10e: {  	_ =	swait.ge [sflag:s19], $0x2800  }
0x10f: {  	[sflag:s19] =	ssyncset.done $0x0  }
0x110: {  	s21 =	simm.s32 $0x8;
	[sflag:s19] =	ssyncadd.s32 $0xFFFFD800  }
0x111: {  	_ =	swait.ge [sflag:s21], $0x2800  }
0x112: {  	[sflag:s21] =	ssyncset.done $0x0  }
0x113: {  	s14 =	rddreg [dreg:$0x11];
	[sflag:s21] =	ssyncadd.s32 $0xFFFFD800  }
0x114: {  	[tilespmem:s3], [sflag:$0x11] =	stream.linear.gather [hbm4b:s14+s3], $0x50, $0x38;
	[tilespmem:$0x1DC80] =	vst v63  }
0x115: {  	s14 =	simm.s32 $0x11  }
0x116: {  	_ =	swait.ge [sflag:s14], $0x50  }
0x117: {  	[sflag:s14] =	ssyncset.done $0x0  }
0x118: {  	s16 =	rddreg [dreg:$0x12];
	[sflag:s14] =	ssyncadd.s32 $0xFFFFFFB0  }
0x119: {  	[tilespmem:s15], [sflag:$0x11] =	stream.linear.gather [hbm4b:s16+s3], $0x50, $0x38;
	[tilespmem:$0x1DC80] =	vst v63  }
0x11a: {  	_ =	swait.ge [sflag:s14], $0x50  }
0x11b: {  	[sflag:s14] =	ssyncset.done $0x0  }
0x11c: {  	[sflag:s14] =	ssyncadd.s32 $0xFFFFFFB0  }
0x11d: {  	[tilespmem:s13], [sflag:$0x1] =	stream.indirect.gather [hbm4b:s4+s24], $0x80, s3, s24, $0xb8;
	[tilespmem:$0x1DC80] =	vst v63  }
0x11e: {  	_ =	swait.ge [sflag:s1], $0x2800  }
0x11f: {  	[sflag:s1] =	ssyncset.done $0x0  }
0x120: {  	[sflag:s1] =	ssyncadd.s32 $0xFFFFD800  }
0x121: {  	[spmem:s2] =	stream.indirect.scatter.add.f32 [tilespmem:s13], [sflag:$0x11], $0x80, s15, s24, $0xb8;
	[tilespmem:$0x1DC80] =	vst v63  }
0x122: {  	_ =	swait.ge [sflag:s14], $0x2800  }
0x123: {  	[sflag:s14] =	ssyncset.done $0x0  }
0x124: {  	[sflag:s14] =	ssyncadd.s32 $0xFFFFD800  }
0x125: {  	[bflag:$0x0] =	sbarrier.arrive $0xFFFF  }
0x126: {  	s15 =	rddreg [dreg:$0xe]  }
0x127: {  	s17 =	rddreg [dreg:$0x13]  }
0x128: {  	s18 =	rddreg [dreg:$0x17]  }
0x129: {  	[hbm:s17], [sflag:s15] =	dma.local [spmem:s18], $0x2700  }
0x12a: {  	_ =	swait.ge [sflag:s14], $0x2700  }
0x12b: {  	[sflag:s14] =	ssyncset.done $0x0;
	s7 =	rddreg [dreg:$0x14]  }
0x12c: {  	s13 =	rddreg [dreg:$0x18];
	[sflag:s14] =	ssyncadd.s32 $0xFFFFD900  }
0x12d: {  	[hbm:s7], [sflag:s15] =	dma.local @!p0 [spmem:s13], $0x100  }
0x12e: {  	s7 =	simm.s32 @!p0 $0x11  }
0x12f: {  	_ =	swait.ge @!p0 [sflag:s7], $0x100  }
0x130: {  	s19 =	rddreg [dreg:$0x16]  }
0x131: {  	s21 =	rddreg [dreg:$0x15];
	s16 =	sadd.s32 $0x1, s19  }
0x132: {  	p1 =	sne.s32 s16, s21  }
.Ltmp1:
0x133: {  	_ = 	snop;
	(pc) =	sbr.rel @p1 .LBB2_1-.Ltmp1, $3  }
0x134: {  	_ =	sdelay $0x1  }
0x135: {  	[sflag:s7] =	ssyncset.done @!p0 $0x0  }
0x136: {  	s20 =	simm.s32 $0x380;
	[sflag:s7] =	ssyncadd.s32 @!p0 $0xFFFFFF00  }
0x137: {  	_ =	sfence.sel $0x180000  }
0x138: {  	[bflag:$0x0] =	sbarrier.arrive $0xFFFF  }
0x139: {  	_ =	strace $0x9000004A  }
0x13a: {  	s0 =	stileid.u32;
	[bflag:$0x2] =	sbarrier.arrive $0xFFFF  }
0x13b: {  	p0 =	sne.s32 s0, $0x0;
	s0 =	rddreg [dreg:$0x3]  }
0x13c: {  	s0 =	sadd.s32 @!p0 $0x100000, s0  }
0x13d: {  	[sflag:s0] =	ssyncadd.tile.s32 @!p0 $0x1;
	_ =	shalt  }
.Lfunc_end2:
_tile_overlayer_lowered:
.L_overlay_start_2:
0x13e: {  	(tag) =	ssettag $0x2  }
0x13f: {  	s0 =	rddreg [dreg:$0x0];
	s2 =	stileid.u32  }
0x140: {  	s1 =	rddreg [dreg:$0x1];
	p0 =	sne.s32 s2, $0x0  }
0x141: {  	s3 =	rddreg [dreg:$0x2];
	[bflag:$0x3] =	sbarrier.arrive $0xFFFF;
	s2 =	simm.s32 @!p0 $0x1C11  }
0x142: {  	[timem:s3], [sflag:s2] =	dma.local @!p0 [hbm:s0], s1  }
0x143: {  	s0 =	simm.s32 @!p0 $0x11  }
0x144: {  	_ =	swait.ge @!p0 [sflag:s0], s1  }
0x145: {  	s1 =	ssub.s32 @!p0 $0x0, s1;
	[sflag:s0] =	ssyncset.done @!p0 $0x0  }
0x146: {  	[sflag:s0] =	ssyncadd.s32 @!p0 s1  }
0x147: {  	[bflag:$0x3] =	sbarrier.arrive $0xFFFF  }
0x148: {  	_ =	shalt  }

// kernel: kernel.16.cloned.1.call-start
scs
__scs_entry_jumppad:
0x0: {  	(pc) =	sbr.rel $0x88, $3  }
0x1: {  	(tag) =	ssettag $0x0;
	lr =	simm.s32 $0x1  }
0x2: {  	[smem:$0x3F95] =	sst lr;
	_ =	strace $0xD0000000  }
0x3: {  	_ = 	snop  }
0x4: {  	_ = 	snop  }
0x5: {  	_ = 	snop  }
0x6: {  	_ = 	snop  }
0x7: {  	_ = 	snop  }
__scs_overlays_trampoline_lowered:
0x8: {  	[smem:$0x3FA4] =	sst s0  }
0x9: {  	[smem:$0x3FA5] =	sst s1  }
0xa: {  	[smem:$0x3FA6] =	sst s2  }
0xb: {  	[smem:$0x3FA7] =	sst s3  }
0xc: {  	[smem:$0x3FA8] =	sst s4  }
0xd: {  	[smem:$0x3FA9] =	sst s5  }
0xe: {  	[smem:$0x3FAA] =	sst s6  }
0xf: {  	[smem:$0x3FAB] =	sst s7  }
0x10: {  	[smem:$0x3FAC] =	sst s8  }
0x11: {  	[smem:$0x3FAD] =	sst s9;
	s0 =	simm.s32 @!p0 $0x0  }
0x12: {  	s1 =	sld [smem:$0x3F93];
	s0 =	simm.s32 @p0 $0x1  }
0x13: {  	[smem:$0x3FAE] =	sst s0;
	s0 =	simm.s32 @!p1 $0x0  }
0x14: {  	s2 =	sld [smem:$0x3F92];
	s0 =	simm.s32 @p1 $0x1  }
0x15: {  	[smem:$0x3FAF] =	sst s0;
	s0 =	simm.s32 @!p2 $0x0  }
0x16: {  	s3 =	sld [smem:$0x3FDB];
	s0 =	simm.s32 @p2 $0x1  }
0x17: {  	s4 =	simm.s32 $0x1BF5;
	[smem:$0x3FB1] =	sst s0  }
0x18: {  	s0 =	sld [smem:$0x3F94];
	_ =	swait.ge [sflag:s4], $0x0  }
0x19: {  	s7 =	sld [smem:$0x3F95]  }
0x1a: {  	s8 =	sadd.s32 $0xFFFFE003, lr  }
0x1b: {  	s9 =	sadd.s32 $0xFFFFFEF7, lr;
	s5 =	simm.s32 $0xFFFFFFFF;
	p2 =	slt.u32 s8, $0xFFFFF086  }
0x1c: {  	p1 =	slt.u32 s9, $0xF7A;
	s5 =	simm.s32 @!p2 $0x0  }
0x1d: {  	s5 =	simm.s32 @p1 $0x1;
	p0 =	seq.s32 s7, s2  }
0x1e: {  	s7 =	smul.u32 @!p0 $0xF7A, s2;
	p2 =	seq.s32 @!p0 s5, $0x0  }
0x1f: {  	s9 =	smul.u32 $0xF7A, s1;
	s8 =	simm.s32 @!p0 $0x1BF5;
	p2 =	por !p2, p0  }
0x20: {  	[sflag:s8] =	ssyncset.s32 @!p0 $0xFFFFF086;
	s6 =	sadd.s32 @!p0 s3, s7;
	s7 =	simm.s32 @!p0 $0x108  }
0x21: {  	s3 =	sadd.s32 s3, s9;
	s6 =	sadd.s32 @!p0 $0x88, s6;
	s7 =	simm.s32 @p2 $0x1082  }
0x22: {  	[simem:s7], [sflag:s8] =	dma.local @!p0 [hbm:s6], $0xF7A  }
0x23: {  	s9 =	sor.u32 $0xD0000000, s2;
	s6 =	simm.s32 $0x108;
	_ =	swait.ge @!p0 [sflag:s8], $0x0  }
0x24: {  	s3 =	sadd.s32 $0x88, s3;
	s6 =	simm.s32 @!p1 $0x1082;
	[sflag:s4] =	ssyncset.s32 $0xFFFFF086  }
0x25: {  	[simem:s6], [sflag:s4] =	dma.local [hbm:s3], $0xF7A  }
0x26: {  	[smem:$0x3F95] =	sst s1;
	(tag) =	ssettag s2;
	_ =	strace s9  }
0x27: {  	s1 =	sld [smem:$0x3FA5]  }
0x28: {  	s2 =	sld [smem:$0x3FA6]  }
0x29: {  	s4 =	sld [smem:$0x3FA8]  }
0x2a: {  	p0 =	seq.s32 s5, $0x0;
	s5 =	sld [smem:$0x3FA9]  }
0x2b: {  	s6 =	sld [smem:$0x3FAA]  }
0x2c: {  	s7 =	sld [smem:$0x3FAB]  }
0x2d: {  	s3 =	simm.s32 $0x108;
	s8 =	sld [smem:$0x3FAC]  }
0x2e: {  	s3 =	simm.s32 @!p0 $0x1082;
	s9 =	sld [smem:$0x3FAD]  }
0x2f: {  	lr =	sadd.s32 s0, s3;
	s0 =	sld [smem:$0x3FA4]  }
0x30: {  	s3 =	sld [smem:$0x3FA7]  }
0x31: {  	[smem:$0x3FB0] =	sst s10  }
0x32: {  	s10 =	sld [smem:$0x3FAE];
	_ =	sdelay $0x3  }
0x33: {  	p0 =	seq.s32 s10, $0x1;
	s10 =	sld [smem:$0x3FB0];
	_ =	sdelay $0x3  }
0x34: {  	[smem:$0x3FB0] =	sst s10  }
0x35: {  	s10 =	sld [smem:$0x3FAF];
	_ =	sdelay $0x3  }
0x36: {  	p1 =	seq.s32 s10, $0x1;
	s10 =	sld [smem:$0x3FB0];
	_ =	sdelay $0x3  }
0x37: {  	[smem:$0x3FB0] =	sst s10  }
0x38: {  	s10 =	sld [smem:$0x3FB1]  }
0x39: {  	_ = 	snop;
	(pc) =	sbr.ind lr, $3  }
0x3a: {  	_ = 	snop  }
0x3b: {  	_ = 	snop  }
0x3c: {  	p2 =	seq.s32 s10, $0x1;
	s10 =	sld [smem:$0x3FB0]  }
0x3d: {  	_ =	shalt  }
0x3e: {  	_ =	shalt  }
0x3f: {  	_ =	shalt  }
0x40: {  	_ =	shalt  }
0x41: {  	_ =	shalt  }
0x42: {  	_ =	shalt  }
0x43: {  	_ =	shalt  }
0x44: {  	_ =	shalt  }
0x45: {  	_ =	shalt  }
0x46: {  	_ =	shalt  }
0x47: {  	_ =	shalt  }
0x48: {  	_ =	shalt  }
0x49: {  	_ =	shalt  }
0x4a: {  	_ =	shalt  }
0x4b: {  	_ =	shalt  }
0x4c: {  	_ =	shalt  }
0x4d: {  	_ =	shalt  }
0x4e: {  	_ =	shalt  }
0x4f: {  	_ =	shalt  }
0x50: {  	_ =	shalt  }
0x51: {  	_ =	shalt  }
0x52: {  	_ =	shalt  }
0x53: {  	_ =	shalt  }
0x54: {  	_ =	shalt  }
0x55: {  	_ =	shalt  }
0x56: {  	_ =	shalt  }
0x57: {  	_ =	shalt  }
0x58: {  	_ =	shalt  }
0x59: {  	_ =	shalt  }
0x5a: {  	_ =	shalt  }
0x5b: {  	_ =	shalt  }
0x5c: {  	_ =	shalt  }
0x5d: {  	_ =	shalt  }
0x5e: {  	_ =	shalt  }
0x5f: {  	_ =	shalt  }
0x60: {  	_ =	shalt  }
0x61: {  	_ =	shalt  }
0x62: {  	_ =	shalt  }
0x63: {  	_ =	shalt  }
0x64: {  	_ =	shalt  }
0x65: {  	_ =	shalt  }
0x66: {  	_ =	shalt  }
0x67: {  	_ =	shalt  }
0x68: {  	_ =	shalt  }
0x69: {  	_ =	shalt  }
0x6a: {  	_ =	shalt  }
0x6b: {  	_ =	shalt  }
0x6c: {  	_ =	shalt  }
0x6d: {  	_ =	shalt  }
0x6e: {  	_ =	shalt  }
0x6f: {  	_ =	shalt  }
0x70: {  	_ =	shalt  }
0x71: {  	_ =	shalt  }
0x72: {  	_ =	shalt  }
0x73: {  	_ =	shalt  }
0x74: {  	_ =	shalt  }
0x75: {  	_ =	shalt  }
0x76: {  	_ =	shalt  }
0x77: {  	_ =	shalt  }
0x78: {  	_ =	shalt  }
0x79: {  	_ =	shalt  }
0x7a: {  	_ =	shalt  }
0x7b: {  	_ =	shalt  }
0x7c: {  	_ =	shalt  }
0x7d: {  	_ =	shalt  }
0x7e: {  	_ =	shalt  }
0x7f: {  	_ =	shalt  }
0x80: {  	_ =	shalt  }
0x81: {  	_ =	shalt  }
0x82: {  	_ =	shalt  }
0x83: {  	_ =	shalt  }
0x84: {  	_ =	shalt  }
0x85: {  	_ =	shalt  }
0x86: {  	_ =	shalt  }
0x87: {  	_ =	shalt  }
.Lfunc_end0:
.L_simem_size_0:
called_computation.2_lowered:
.L_overlay_start_0:
0x88: {  	s2 =	sld [smem:$0x3FD9]  }
0x89: {  	s3 =	sld [smem:$0x3FFE];
	_ =	sdelay $0x1  }
0x8a: {  	s1 =	srdreg.scid  }
0x8b: {  	s0 =	sand.u32 $0x1, s1  }
0x8c: {  	s17 =	sshll.u32 s0, $0xA;
	s2 =	sadd.s32 s3, s2  }
0x8d: {  	s2 =	sadd.s32 s2, s17  }
0x8e: {  	[smem:$0x3FBC] =	sst s2  }
0x8f: {  	_ = 	snop  }
0x90: {  	s2 =	sld [smem:$0x3FD0];
	(tm) =	ssettm $0x1  }
0x91: {  	s18 =	sld [smem:$0x3FFB];
	_ =	sdelay $0x3  }
0x92: {  	_ =	strace s18  }
0x93: {  	s3 =	sld [smem:$0x3FFC];
	_ =	sdelay $0x3  }
0x94: {  	_ =	strace s3  }
0x95: {  	s3 =	sld [smem:$0x3FFD];
	_ =	sdelay $0x3  }
0x96: {  	_ =	strace s3  }
0x97: {  	_ =	strace $0x8FFFFFFF  }
0x98: {  	s19 =	sld [smem:$0x3FDB];
	_ =	sdelay $0x1  }
0x99: {  	s4 =	simm.s32 $_scs_section_size  }
0x9a: {  	s5 =	simm.s32 $_size__tile_overlayer_lowered;
	s6 =	simm.s32 $_tile_overlayer_lowered  }
0x9b: {  	s22 =	simm.s32 $0x1BFF;
	s21 =	sshll.u32 s6, $0x1;
	s3 =	sadd.s32 s4, s19  }
0x9c: {  	s7 =	simm.s32 $0x0;
	s20 =	sshll.u32 s5, $0x1;
	s5 =	sadd.s32 s21, s3  }
0x9d: {  	[timem:s7], [sflag:s22] =	dma.local [hbm:s5], s20  }
0x9e: {  	_ =	swait.ge [sflag:s22], s20  }
0x9f: {  	s4 =	ssub.s32 $0x0, s20;
	[sflag:s22] =	ssyncset.done $0x0  }
0xa0: {  	[sflag:s22] =	ssyncadd.s32 s4;
	_ =	sdelay $0x1  }
0xa1: {  	s23 =	simm.s32 $0x1B8B  }
0xa2: {  	_ =	swait.ge [sflag:s23], $0x1  }
0xa3: {  	[sflag:s23] =	ssyncset.done $0x0  }
0xa4: {  	s25 =	simm.s32 $0x1B8E;
	s24 =	sld [smem:$0x3FFE];
	[sflag:s23] =	ssyncadd.s32 $0xFFFFFFFF  }
0xa5: {  	s26 =	simm.s32 $execute0_lowered;
	[smem:$0x3FD2] =	sst s25  }
0xa6: {  	s5 =	sshll.u32 s26, $0x1;
	_ =	strace $0x8000004C;
	[dreg:$0x1] =	wrdreg $0xFFFFFFFF  }
0xa7: {  	s28 =	simm.s32 $_size_execute0_lowered;
	s3 =	sadd.s32 s3, s5;
	[dreg:$0x0] =	wrdreg $0x0  }
0xa8: {  	s5 =	sshll.u32 s28, $0x1;
	[dreg:$0x2] =	wrdreg s3  }
0xa9: {  	[dreg:$0x3] =	wrdreg s5  }
0xaa: {  	[dreg:$0x4] =	wrdreg $0xC0  }
0xab: {  	_ =	task [dreg:s7], $0x5FFFF  }
0xac: {  	[dreg:$0x1] =	wrdreg $0xFFFFFFFF  }
0xad: {  	[dreg:$0x0] =	wrdreg $0x60  }
0xae: {  	[dreg:$0x2] =	wrdreg s24  }
0xaf: {  	[dreg:$0x3] =	wrdreg s2  }
0xb0: {  	[dreg:$0x4] =	wrdreg $0xA4000  }
0xb1: {  	[dreg:$0x5] =	wrdreg $0x9  }
0xb2: {  	_ =	task.clear_ibuf [dreg:s7], $0x6FFFF;
	_ =	strace $0x9000004C  }
0xb3: {  	s29 =	simm.s32 $0x9;
	_ =	strace $0x8000004E  }
0xb4: {  	_ =	swait.ge [sflag:s29], $0x1  }
0xb5: {  	[sflag:s29] =	ssyncadd.s32 $0xFFFFFFFF  }
0xb6: {  	_ =	strace $0x9000004E  }
0xb7: {  	_ =	sfence  }
0xb8: {  	s30 =	sld [smem:$0x0];
	_ =	sdelay $0x2  }
0xb9: {  	s31 =	sshll.u32 s1, $0xD;
	s1 =	sshrl.u32 s1, $0x2  }
0xba: {  	s3 =	sand.u32 $0x4000, s31;
	s1 =	sadd.s32 s1, s30  }
0xbb: {  	s0 =	sor.u32 s3, s0;
	s1 =	sshll.u32 s1, $0x11  }
0xbc: {  	s0 =	sor.u32 s1, s0  }
0xbd: {  	s0 =	sadd.s32 $0x8F2B, s0  }
0xbe: {  	[sflag:s0] =	ssyncadd.remote.s32 $0x1  }
0xbf: {  	_ =	sfence.sel $0xFFFF  }
0xc0: {  	[dreg:$0x0] =	wrdreg $0xFFFFFFFF;
	(pc) =	sbr.abs _section_cstart, $3  }
0xc1: {  	[dreg:$0x1] =	wrdreg $0xFFFFFFFF  }
0xc2: {  	_ =	task.clear_ibuf [dreg:s7], $0x2FFFF;
	_ =	strace $0x9FFFFFFF  }
0xc3: {  	(tm) =	ssettm $0x7FFFFFFF  }
tec
execute0_lowered:
.L_overlay_start_1:
0x0: {  	(tag) =	ssettag $0x1  }
0x1: {  	s1 =	rddreg [dreg:$0x0]  }
0x2: {  	s0 =	rddreg [dreg:$0x1]  }
0x3: {  	s2 =	rddreg [dreg:$0x2]  }
0x4: {  	s3 =	simm.s32 $0x0;
	s14 =	stileid.u32;
	s7 =	srdreg.scid  }
0x5: {  	s28 =	simm.s32 $0x2C00;
	s29 =	simm.s32 $0xB;
	s30 =	simm.s32 $0x5400  }
0x6: {  	s31 =	simm.s32 $0xC;
	[smem:$0x7FF] =	sst s3;
	s5 =	smul.u32 $0x13800, s14  }
0x7: {  	s4 =	sadd.s32 $0xD000, s1;
	s8 =	sadd.s32 $0x3200, s1;
	s7 =	sand.u32 $0x1, s7  }
0x8: {  	s11 =	smul.u32 $0x4E000, s14;
	s12 =	sadd.s32 $0x5B400, s1;
	s19 =	sshll.u32 s14, $0x6  }
0x9: {  	s21 =	smul.u32 $0x2710, s14;
	s22 =	sadd.s32 $0x138000, s2;
	p0 =	sne.s32 s14, $0xF  }
0xa: {  	_ =	strace $0x8000004D;
	s9 =	ssub.s32 $0x2, s7;
	s10 =	sshll.u32 s7, $0x4  }
0xb: {  	s20 =	smul.u32 $0x27100, s7;
	s15 =	sor.u32 $0x1C11, s19;
	[dreg:$0xf] =	wrdreg s22  }
0xc: {  	s7 =	smul.u32 $0x138800, s7;
	s6 =	sshrl.u32 s5, $0x3;
	s13 =	sshrl.u32 s9, $0x1  }
0xd: {  	s10 =	sor.u32 s14, s10;
	s11 =	sshrl.u32 s11, $0x2;
	s14 =	simm.s32 $0x11  }
0xe: {  	[dreg:$0xe] =	wrdreg s15;
	s6 =	sadd.s32 s6, s1;
	s9 =	ssub.s32 s9, s13  }
0xf: {  	s10 =	smul.u32 $0x2710, s10;
	s11 =	sadd.s32 s11, s2;
	s1 =	sadd.s32 $0x5B200, s1  }
0x10: {  	s5 =	sadd.s32 s5, s7;
	s7 =	sshrl.u32 s7, $0x3;
	[dreg:$0xc] =	wrdreg s11  }
0x11: {  	s6 =	sadd.s32 $0x34200, s6;
	[dreg:$0x10] =	wrdreg s1;
	s25 =	sshrl.u32 s5, $0x3  }
0x12: {  	[dreg:$0xd] =	wrdreg s6;
	s10 =	sshrl.u32 s10, $0x3;
	s6 =	sadd.s32 s21, s20  }
0x13: {  	s5 =	simm.s32 $0xD;
	s23 =	sadd.s32 $0x4D8, s10;
	s24 =	sadd.s32 $0xF0, s6  }
0x14: {  	s11 =	sadd.s32 $0xA0, s6;
	s18 =	sadd.s32 $0x50, s6;
	s10 =	sadd.s32 s0, s23  }
0x15: {  	s1 =	sadd.s32 s8, s23;
	s26 =	sshrl.u32 s24, $0x3;
	[dreg:$0x11] =	wrdreg s10  }
0x16: {  	s16 =	sshrl.u32 s11, $0x3;
	[dreg:$0x12] =	wrdreg s1;
	s1 =	sadd.s32 s12, s25  }
0x17: {  	s20 =	sshrl.u32 s18, $0x3;
	s10 =	sadd.s32 s26, s8;
	[dreg:$0x13] =	wrdreg s1  }
0x18: {  	s23 =	sshrl.u32 s6, $0x3;
	s13 =	sadd.s32 s26, s0;
	[dreg:$0x4] =	wrdreg s10  }
0x19: {  	s24 =	sadd.s32 s12, s7;
	s17 =	sadd.s32 s16, s8;
	[dreg:$0x5] =	wrdreg s13  }
0x1a: {  	s11 =	simm.s32 $0x4;
	s19 =	sadd.s32 s16, s0;
	[dreg:$0x6] =	wrdreg s17  }
0x1b: {  	s21 =	sadd.s32 s20, s8;
	s22 =	sadd.s32 s20, s0;
	[dreg:$0x7] =	wrdreg s19  }
0x1c: {  	s25 =	sadd.s32 s23, s8;
	s6 =	sadd.s32 $0x27000, s24;
	[dreg:$0x8] =	wrdreg s21  }
0x1d: {  	s0 =	sadd.s32 s23, s0;
	s26 =	smax.u32 s9, $0x1;
	[dreg:$0x9] =	wrdreg s22  }
0x1e: {  	s20 =	simm.s32 $0x380;
	s23 =	simm.s32 $0x9;
	[dreg:$0x14] =	wrdreg s6  }
0x1f: {  	s24 =	simm.s32 $0x50;
	s8 =	simm.s32 $0xE;
	[dreg:$0xa] =	wrdreg s25  }
0x20: {  	s9 =	simm.s32 $0x3;
	s12 =	simm.s32 $0x10;
	[dreg:$0x15] =	wrdreg s26  }
0x21: {  	s16 =	simm.s32 $0x0;
	[dreg:$0xb] =	wrdreg s0;
	s26 =	simm.s32 $0xA  }
0x22: {  	s0 =	simm.s32 $0x7C00;
	s1 =	simm.s32 $0x1;
	s6 =	simm.s32 $0x2  }
0x23: {  	s10 =	simm.s32 $0xF;
	s25 =	simm.s32 $0x380;
	s22 =	simm.s32 $0x300  }
.LBB2_1:
0x24: {  	[dreg:$0x16] =	wrdreg s16  }
0x25: {  	s7 =	rddreg [dreg:$0xc]  }
0x26: {  	s16 =	rddreg [dreg:$0xd];
	s13 =	sshrl.u32 s7, $0x3  }
0x27: {  	[dreg:$0x17] =	wrdreg s13  }
0x28: {  	[spmem:s13], [sflag:s15] =	dma.local [hbm:s16], $0x2700  }
0x29: {  	_ =	swait.ge [sflag:s14], $0x2700  }
0x2a: {  	s7 =	rddreg [dreg:$0xf]  }
0x2b: {  	[sflag:s14] =	ssyncset.done $0x0;
	s13 =	sshrl.u32 @!p0 s7, $0x3;
	s7 =	rddreg [dreg:$0x10]  }
0x2c: {  	[sflag:s14] =	ssyncadd.s32 $0xFFFFD900;
	[dreg:$0x18] =	wrdreg s13  }
0x2d: {  	[spmem:s13], [sflag:s15] =	dma.local @!p0 [hbm:s7], $0x100  }
0x2e: {  	s7 =	simm.s32 @!p0 $0x11  }
0x2f: {  	_ =	swait.ge @!p0 [sflag:s7], $0x100  }
0x30: {  	[sflag:s7] =	ssyncset.done @!p0 $0x0  }
0x31: {  	p1 =	por $0x1, $0x1;
	[sflag:s7] =	ssyncadd.s32 @!p0 $0xFFFFFF00  }
0x32: {  	s7 =	simm.s32 @!p1 $0x5;
	[bflag:$0x0] =	sbarrier.arrive $0xFFFF  }
0x33: {  	_ =	swait.ge @!p1 [sflag:s7], $0x2800  }
0x34: {  	[sflag:s7] =	ssyncset.done @!p1 $0x0  }
0x35: {  	[sflag:s7] =	ssyncadd.s32 @!p1 $0xFFFFD800;
	s7 =	simm.s32 @!p1 $0x6  }
0x36: {  	_ =	swait.ge @!p1 [sflag:s7], $0x2800  }
0x37: {  	[sflag:s7] =	ssyncset.done @!p1 $0x0  }
0x38: {  	[sflag:s7] =	ssyncadd.s32 @!p1 $0xFFFFD800;
	s7 =	simm.s32 @!p1 $0x7  }
0x39: {  	_ =	swait.ge @!p1 [sflag:s7], $0x2800  }
0x3a: {  	[sflag:s7] =	ssyncset.done @!p1 $0x0  }
0x3b: {  	[sflag:s7] =	ssyncadd.s32 @!p1 $0xFFFFD800;
	s7 =	simm.s32 @!p1 $0x8  }
0x3c: {  	_ =	swait.ge @!p1 [sflag:s7], $0x2800  }
0x3d: {  	s17 =	rddreg [dreg:$0xb];
	[sflag:s7] =	ssyncset.done @!p1 $0x0  }
0x3e: {  	s18 =	rddreg [dreg:$0xa];
	[sflag:s7] =	ssyncadd.s32 @!p1 $0xFFFFD800;
	s19 =	sadd.s32 $0x0, s17  }
0x3f: {  	[tilespmem:s3], [sflag:$0x9] =	stream.linear.gather [hbm4b:s19+s3], $0x50, $0x38;
	[tilespmem:$0x1DC80] =	vst v63  }
0x40: {  	s13 =	simm.s32 $0x200;
	s21 =	rddreg [dreg:$0x9];
	s15 =	sadd.s32 $0x0, s18  }
0x41: {  	[tilespmem:s13], [sflag:$0xD] =	stream.linear.gather [hbm4b:s15+s3], $0x50, $0x38;
	[tilespmem:$0x1DC80] =	vst v63  }
0x42: {  	s16 =	rddreg [dreg:$0x8];
	s7 =	sadd.s32 $0x0, s21;
	s15 =	simm.s32 $0x80  }
0x43: {  	[tilespmem:s15], [sflag:$0xA] =	stream.linear.gather [hbm4b:s7+s3], $0x50, $0x38;
	[tilespmem:$0x1DC80] =	vst v63  }
0x44: {  	s17 =	rddreg [dreg:$0x7];
	s14 =	sadd.s32 $0x0, s16;
	s16 =	simm.s32 $0x280  }
0x45: {  	[tilespmem:s16], [sflag:$0xE] =	stream.linear.gather [hbm4b:s14+s3], $0x50, $0x38;
	[tilespmem:$0x1DC80] =	vst v63  }
0x46: {  	s18 =	rddreg [dreg:$0x6];
	s7 =	sadd.s32 $0x0, s17;
	s17 =	simm.s32 $0x100  }
0x47: {  	[tilespmem:s17], [sflag:$0xB] =	stream.linear.gather [hbm4b:s7+s3], $0x50, $0x38;
	[tilespmem:$0x1DC80] =	vst v63  }
0x48: {  	s19 =	rddreg [dreg:$0x5];
	s14 =	sadd.s32 $0x0, s18;
	s18 =	simm.s32 $0x300  }
0x49: {  	[tilespmem:s18], [sflag:$0xF] =	stream.linear.gather [hbm4b:s14+s3], $0x50, $0x38;
	[tilespmem:$0x1DC80] =	vst v63  }
0x4a: {  	s21 =	rddreg [dreg:$0x4];
	s7 =	sadd.s32 $0x0, s19;
	s19 =	simm.s32 $0x180  }
0x4b: {  	[tilespmem:s19], [sflag:$0xC] =	stream.linear.gather [hbm4b:s7+s3], $0x50, $0x38;
	[tilespmem:$0x1DC80] =	vst v63  }
0x4c: {  	s14 =	sadd.s32 $0x0, s21  }
0x4d: {  	[tilespmem:s20], [sflag:$0x10] =	stream.linear.gather [hbm4b:s14+s3], $0x50, $0x38;
	[tilespmem:$0x1DC80] =	vst v63  }
0x4e: {  	_ =	swait.ge [sflag:s23], $0x50  }
0x4f: {  	[sflag:s23] =	ssyncset.done $0x0  }
0x50: {  	s21 =	simm.s32 $0x400;
	[sflag:s23] =	ssyncadd.s32 $0xFFFFFFB0  }
0x51: {  	[tilespmem:s21], [sflag:$0x1] =	stream.indirect.gather [hbm4b:s4+s24], $0x80, s3, s24, $0xb8;
	[tilespmem:$0x1DC80] =	vst v63  }
0x52: {  	_ =	swait.ge [sflag:s26], $0x50  }
0x53: {  	[sflag:s26] =	ssyncset.done $0x0  }
0x54: {  	[sflag:s26] =	ssyncadd.s32 $0xFFFFFFB0  }
0x55: {  	[tilespmem:s28], [sflag:$0x2] =	stream.indirect.gather [hbm4b:s4+s24], $0x80, s15, s24, $0xb8;
	[tilespmem:$0x1DC80] =	vst v63  }
0x56: {  	_ =	swait.ge [sflag:s29], $0x50  }
0x57: {  	[sflag:s29] =	ssyncset.done $0x0  }
0x58: {  	[sflag:s29] =	ssyncadd.s32 $0xFFFFFFB0  }
0x59: {  	[tilespmem:s30], [sflag:$0x3] =	stream.indirect.gather [hbm4b:s4+s24], $0x80, s17, s24, $0xb8;
	[tilespmem:$0x1DC80] =	vst v63  }
0x5a: {  	_ =	swait.ge [sflag:s31], $0x50  }
0x5b: {  	[sflag:s31] =	ssyncset.done $0x0  }
0x5c: {  	[sflag:s31] =	ssyncadd.s32 $0xFFFFFFB0  }
0x5d: {  	[tilespmem:s0], [sflag:$0x4] =	stream.indirect.gather [hbm4b:s4+s24], $0x80, s19, s24, $0xb8;
	[tilespmem:$0x1DC80] =	vst v63  }
0x5e: {  	_ =	swait.ge [sflag:s1], $0x2800  }
0x5f: {  	[sflag:s1] =	ssyncset.done $0x0  }
0x60: {  	[sflag:s1] =	ssyncadd.s32 $0xFFFFD800  }
0x61: {  	_ =	swait.ge [sflag:s5], $0x50  }
0x62: {  	[sflag:s5] =	ssyncset.done $0x0  }
0x63: {  	[sflag:s5] =	ssyncadd.s32 $0xFFFFFFB0  }
0x64: {  	[spmem:s2] =	stream.indirect.scatter.add.f32 [tilespmem:s21], [sflag:$0x5], $0x80, s13, s24, $0xb8;
	[tilespmem:$0x1DC80] =	vst v63  }
0x65: {  	_ =	swait.ge [sflag:s6], $0x2800  }
0x66: {  	[sflag:s6] =	ssyncset.done $0x0  }
0x67: {  	[sflag:s6] =	ssyncadd.s32 $0xFFFFD800  }
0x68: {  	_ =	swait.ge [sflag:s8], $0x50  }
0x69: {  	[sflag:s8] =	ssyncset.done $0x0  }
0x6a: {  	[sflag:s8] =	ssyncadd.s32 $0xFFFFFFB0  }
0x6b: {  	[spmem:s2] =	stream.indirect.scatter.add.f32 [tilespmem:s28], [sflag:$0x6], $0x80, s16, s24, $0xb8;
	[tilespmem:$0x1DC80] =	vst v63  }
0x6c: {  	_ =	swait.ge [sflag:s9], $0x2800  }
0x6d: {  	[sflag:s9] =	ssyncset.done $0x0  }
0x6e: {  	[sflag:s9] =	ssyncadd.s32 $0xFFFFD800  }
0x6f: {  	_ =	swait.ge [sflag:s10], $0x50  }
0x70: {  	[sflag:s10] =	ssyncset.done $0x0  }
0x71: {  	[sflag:s10] =	ssyncadd.s32 $0xFFFFFFB0  }
0x72: {  	[spmem:s2] =	stream.indirect.scatter.add.f32 [tilespmem:s30], [sflag:$0x7], $0x80, s18, s24, $0xb8;
	[tilespmem:$0x1DC80] =	vst v63  }
0x73: {  	_ =	swait.ge [sflag:s11], $0x2800  }
0x74: {  	[sflag:s11] =	ssyncset.done $0x0  }
0x75: {  	[sflag:s11] =	ssyncadd.s32 $0xFFFFD800  }
0x76: {  	p2 =	por $0x0, $0x0;
	_ =	swait.ge [sflag:s12], $0x50  }
0x77: {  	s7 =	simm.s32 $0x50;
	s14 =	simm.s32 $0x28;
	[sflag:s12] =	ssyncset.done $0x0  }
.LBB2_2:
0x78: {  	s13 =	simm.s32 @!p2 $0x5;
	[sflag:s12] =	ssyncadd.s32 $0xFFFFFFB0  }
0x79: {  	[spmem:s2] =	stream.indirect.scatter.add.f32 [tilespmem:s0], [sflag:$0x8], $0x80, s25, s24, $0xb8;
	[tilespmem:$0x1DC80] =	vst v63  }
0x7a: {  	_ =	swait.ge @!p2 [sflag:s13], $0x2800  }
0x7b: {  	[sflag:s13] =	ssyncset.done @!p2 $0x0  }
0x7c: {  	[sflag:s13] =	ssyncadd.s32 @!p2 $0xFFFFD800;
	s13 =	simm.s32 @!p2 $0x6  }
0x7d: {  	_ =	swait.ge @!p2 [sflag:s13], $0x2800  }
0x7e: {  	[sflag:s13] =	ssyncset.done @!p2 $0x0  }
0x7f: {  	[sflag:s13] =	ssyncadd.s32 @!p2 $0xFFFFD800;
	s13 =	simm.s32 @!p2 $0x7  }
0x80: {  	_ =	swait.ge @!p2 [sflag:s13], $0x2800  }
0x81: {  	[sflag:s13] =	ssyncset.done @!p2 $0x0  }
0x82: {  	[sflag:s13] =	ssyncadd.s32 @!p2 $0xFFFFD800;
	s13 =	simm.s32 @!p2 $0x8  }
0x83: {  	_ =	swait.ge @!p2 [sflag:s13], $0x2800  }
0x84: {  	s16 =	rddreg [dreg:$0xb];
	[sflag:s13] =	ssyncset.done @!p2 $0x0  }
0x85: {  	s17 =	rddreg [dreg:$0xa];
	[sflag:s13] =	ssyncadd.s32 @!p2 $0xFFFFD800;
	s18 =	sadd.s32 s14, s16  }
0x86: {  	[tilespmem:s3], [sflag:$0x9] =	stream.linear.gather [hbm4b:s18+s3], $0x50, $0x38;
	[tilespmem:$0x1DC80] =	vst v63  }
0x87: {  	s19 =	rddreg [dreg:$0x9];
	s20 =	sadd.s32 s14, s17;
	s18 =	simm.s32 $0x200  }
0x88: {  	[tilespmem:s18], [sflag:$0xD] =	stream.linear.gather [hbm4b:s20+s3], $0x50, $0x38;
	[tilespmem:$0x1DC80] =	vst v63  }
0x89: {  	s21 =	rddreg [dreg:$0x8];
	s20 =	sadd.s32 s14, s19;
	s19 =	simm.s32 $0x80  }
0x8a: {  	[tilespmem:s19], [sflag:$0xA] =	stream.linear.gather [hbm4b:s20+s3], $0x50, $0x38;
	[tilespmem:$0x1DC80] =	vst v63  }
0x8b: {  	s16 =	rddreg [dreg:$0x7];
	s21 =	sadd.s32 s14, s21;
	s20 =	simm.s32 $0x280  }
0x8c: {  	[tilespmem:s20], [sflag:$0xE] =	stream.linear.gather [hbm4b:s21+s3], $0x50, $0x38;
	[tilespmem:$0x1DC80] =	vst v63  }
0x8d: {  	s17 =	rddreg [dreg:$0x6];
	s13 =	sadd.s32 s14, s16;
	s21 =	simm.s32 $0x100  }
0x8e: {  	[tilespmem:s21], [sflag:$0xB] =	stream.linear.gather [hbm4b:s13+s3], $0x50, $0x38;
	[tilespmem:$0x1DC80] =	vst v63  }
0x8f: {  	s16 =	rddreg [dreg:$0x5];
	s13 =	sadd.s32 s14, s17  }
0x90: {  	[tilespmem:s22], [sflag:$0xF] =	stream.linear.gather [hbm4b:s13+s3], $0x50, $0x38;
	[tilespmem:$0x1DC80] =	vst v63  }
0x91: {  	s17 =	rddreg [dreg:$0x4];
	s13 =	sadd.s32 s14, s16;
	s16 =	simm.s32 $0x180  }
0x92: {  	[tilespmem:s16], [sflag:$0xC] =	stream.linear.gather [hbm4b:s13+s3], $0x50, $0x38;
	[tilespmem:$0x1DC80] =	vst v63  }
0x93: {  	s17 =	sadd.s32 s14, s17  }
0x94: {  	[tilespmem:s25], [sflag:$0x10] =	stream.linear.gather [hbm4b:s17+s3], $0x50, $0x38;
	[tilespmem:$0x1DC80] =	vst v63  }
0x95: {  	_ =	swait.ge [sflag:s23], $0x50  }
0x96: {  	[sflag:s23] =	ssyncset.done $0x0  }
0x97: {  	s17 =	simm.s32 $0x400;
	[sflag:s23] =	ssyncadd.s32 $0xFFFFFFB0  }
0x98: {  	[tilespmem:s17], [sflag:$0x1] =	stream.indirect.gather [hbm4b:s4+s24], $0x80, s3, s24, $0xb8;
	[tilespmem:$0x1DC80] =	vst v63  }
0x99: {  	_ =	swait.ge [sflag:s26], $0x50  }
0x9a: {  	[sflag:s26] =	ssyncset.done $0x0  }
0x9b: {  	[sflag:s26] =	ssyncadd.s32 $0xFFFFFFB0  }
0x9c: {  	[tilespmem:s28], [sflag:$0x2] =	stream.indirect.gather [hbm4b:s4+s24], $0x80, s19, s24, $0xb8;
	[tilespmem:$0x1DC80] =	vst v63  }
0x9d: {  	_ =	swait.ge [sflag:s29], $0x50  }
0x9e: {  	[sflag:s29] =	ssyncset.done $0x0  }
0x9f: {  	[sflag:s29] =	ssyncadd.s32 $0xFFFFFFB0  }
0xa0: {  	[tilespmem:s30], [sflag:$0x3] =	stream.indirect.gather [hbm4b:s4+s24], $0x80, s21, s24, $0xb8;
	[tilespmem:$0x1DC80] =	vst v63  }
0xa1: {  	_ =	swait.ge [sflag:s31], $0x50  }
0xa2: {  	[sflag:s31] =	ssyncset.done $0x0  }
0xa3: {  	[sflag:s31] =	ssyncadd.s32 $0xFFFFFFB0  }
0xa4: {  	[tilespmem:s0], [sflag:$0x4] =	stream.indirect.gather [hbm4b:s4+s24], $0x80, s16, s24, $0xb8;
	[tilespmem:$0x1DC80] =	vst v63  }
0xa5: {  	_ =	swait.ge [sflag:s1], $0x2800  }
0xa6: {  	[sflag:s1] =	ssyncset.done $0x0  }
0xa7: {  	[sflag:s1] =	ssyncadd.s32 $0xFFFFD800  }
0xa8: {  	_ =	swait.ge [sflag:s5], $0x50  }
0xa9: {  	[sflag:s5] =	ssyncset.done $0x0  }
0xaa: {  	[sflag:s5] =	ssyncadd.s32 $0xFFFFFFB0  }
0xab: {  	[spmem:s2] =	stream.indirect.scatter.add.f32 [tilespmem:s17], [sflag:$0x5], $0x80, s18, s24, $0xb8;
	[tilespmem:$0x1DC80] =	vst v63  }
0xac: {  	_ =	swait.ge [sflag:s6], $0x2800  }
0xad: {  	[sflag:s6] =	ssyncset.done $0x0  }
0xae: {  	[sflag:s6] =	ssyncadd.s32 $0xFFFFD800  }
0xaf: {  	_ =	swait.ge [sflag:s8], $0x50  }
0xb0: {  	[sflag:s8] =	ssyncset.done $0x0  }
0xb1: {  	[sflag:s8] =	ssyncadd.s32 $0xFFFFFFB0  }
0xb2: {  	[spmem:s2] =	stream.indirect.scatter.add.f32 [tilespmem:s28], [sflag:$0x6], $0x80, s20, s24, $0xb8;
	[tilespmem:$0x1DC80] =	vst v63  }
0xb3: {  	_ =	swait.ge [sflag:s9], $0x2800  }
0xb4: {  	[sflag:s9] =	ssyncset.done $0x0  }
0xb5: {  	[sflag:s9] =	ssyncadd.s32 $0xFFFFD800  }
0xb6: {  	_ =	swait.ge [sflag:s10], $0x50  }
0xb7: {  	s15 =	smov.u32 s7;
	s7 =	sadd.s32 $0x28, s7;
	[sflag:s10] =	ssyncset.done $0x0  }
0xb8: {  	p1 =	sne.s32 s7, $0x4D8;
	[sflag:s10] =	ssyncadd.s32 $0xFFFFFFB0  }
0xb9: {  	[spmem:s2] =	stream.indirect.scatter.add.f32 [tilespmem:s30], [sflag:$0x7], $0x80, s22, s24, $0xb8;
	[tilespmem:$0x1DC80] =	vst v63  }
.Ltmp0:
0xba: {  	_ =	swait.ge [sflag:s11], $0x2800;
	(pc) =	sbr.rel @p1 .LBB2_2-.Ltmp0, $4  }
0xbb: {  	[sflag:s11] =	ssyncset.done $0x0  }
0xbc: {  	[sflag:s11] =	ssyncadd.s32 $0xFFFFD800  }
0xbd: {  	s14 =	smov.u32 s15;
	_ =	swait.ge [sflag:s12], $0x50  }
0xbe: {  	p2 =	seq.s32 s14, $0x0;
	[sflag:s12] =	ssyncset.done $0x0  }
0xbf: {  	s7 =	simm.s32 @!p2 $0x5;
	[sflag:s12] =	ssyncadd.s32 $0xFFFFFFB0;
	s21 =	simm.s32 $0x380  }
0xc0: {  	[spmem:s2] =	stream.indirect.scatter.add.f32 [tilespmem:s0], [sflag:$0x8], $0x80, s21, s24, $0xb8;
	[tilespmem:$0x1DC80] =	vst v63  }
0xc1: {  	_ =	swait.ge @!p2 [sflag:s7], $0x2800  }
0xc2: {  	[sflag:s7] =	ssyncset.done @!p2 $0x0  }
0xc3: {  	[sflag:s7] =	ssyncadd.s32 @!p2 $0xFFFFD800;
	s7 =	simm.s32 @!p2 $0x6  }
0xc4: {  	_ =	swait.ge @!p2 [sflag:s7], $0x2800  }
0xc5: {  	[sflag:s7] =	ssyncset.done @!p2 $0x0  }
0xc6: {  	[sflag:s7] =	ssyncadd.s32 @!p2 $0xFFFFD800;
	s7 =	simm.s32 @!p2 $0x7  }
0xc7: {  	_ =	swait.ge @!p2 [sflag:s7], $0x2800  }
0xc8: {  	[sflag:s7] =	ssyncset.done @!p2 $0x0  }
0xc9: {  	[sflag:s7] =	ssyncadd.s32 @!p2 $0xFFFFD800;
	s7 =	simm.s32 @!p2 $0x8  }
0xca: {  	_ =	swait.ge @!p2 [sflag:s7], $0x2800  }
0xcb: {  	s13 =	rddreg [dreg:$0xb];
	[sflag:s7] =	ssyncset.done @!p2 $0x0  }
0xcc: {  	s15 =	rddreg [dreg:$0xa];
	[sflag:s7] =	ssyncadd.s32 @!p2 $0xFFFFD800;
	s19 =	sadd.s32 s14, s13  }
0xcd: {  	[tilespmem:s3], [sflag:$0x9] =	stream.linear.gather [hbm4b:s19+s3], $0x50, $0x38;
	[tilespmem:$0x1DC80] =	vst v63  }
0xce: {  	s20 =	rddreg [dreg:$0x9];
	s16 =	sadd.s32 s14, s15;
	s15 =	simm.s32 $0x200  }
0xcf: {  	[tilespmem:s15], [sflag:$0xD] =	stream.linear.gather [hbm4b:s16+s3], $0x50, $0x38;
	[tilespmem:$0x1DC80] =	vst v63  }
0xd0: {  	s17 =	rddreg [dreg:$0x8];
	s7 =	sadd.s32 s14, s20;
	s16 =	simm.s32 $0x80  }
0xd1: {  	[tilespmem:s16], [sflag:$0xA] =	stream.linear.gather [hbm4b:s7+s3], $0x50, $0x38;
	[tilespmem:$0x1DC80] =	vst v63  }
0xd2: {  	s18 =	rddreg [dreg:$0x7];
	s13 =	sadd.s32 s14, s17;
	s17 =	simm.s32 $0x280  }
0xd3: {  	[tilespmem:s17], [sflag:$0xE] =	stream.linear.gather [hbm4b:s13+s3], $0x50, $0x38;
	[tilespmem:$0x1DC80] =	vst v63  }
0xd4: {  	s19 =	rddreg [dreg:$0x6];
	s7 =	sadd.s32 s14, s18;
	s18 =	simm.s32 $0x100  }
0xd5: {  	[tilespmem:s18], [sflag:$0xB] =	stream.linear.gather [hbm4b:s7+s3], $0x50, $0x38;
	[tilespmem:$0x1DC80] =	vst v63  }
0xd6: {  	s20 =	rddreg [dreg:$0x5];
	s13 =	sadd.s32 s14, s19;
	s19 =	simm.s32 $0x300  }
0xd7: {  	[tilespmem:s19], [sflag:$0xF] =	stream.linear.gather [hbm4b:s13+s3], $0x50, $0x38;
	[tilespmem:$0x1DC80] =	vst v63  }
0xd8: {  	s7 =	sadd.s32 s14, s20;
	s20 =	simm.s32 $0x180;
	s13 =	rddreg [dreg:$0x4]  }
0xd9: {  	[tilespmem:s20], [sflag:$0xC] =	stream.linear.gather [hbm4b:s7+s3], $0x50, $0x38;
	[tilespmem:$0x1DC80] =	vst v63  }
0xda: {  	s14 =	sadd.s32 s14, s13  }
0xdb: {  	[tilespmem:s21], [sflag:$0x10] =	stream.linear.gather [hbm4b:s14+s3], $0x50, $0x38;
	[tilespmem:$0x1DC80] =	vst v63  }
0xdc: {  	_ =	swait.ge [sflag:s23], $0x50  }
0xdd: {  	[sflag:s23] =	ssyncset.done $0x0  }
0xde: {  	s13 =	simm.s32 $0x400;
	[sflag:s23] =	ssyncadd.s32 $0xFFFFFFB0  }
0xdf: {  	[tilespmem:s13], [sflag:$0x1] =	stream.indirect.gather [hbm4b:s4+s24], $0x80, s3, s24, $0xb8;
	[tilespmem:$0x1DC80] =	vst v63  }
0xe0: {  	_ =	swait.ge [sflag:s26], $0x50  }
0xe1: {  	[sflag:s26] =	ssyncset.done $0x0  }
0xe2: {  	[sflag:s26] =	ssyncadd.s32 $0xFFFFFFB0  }
0xe3: {  	[tilespmem:s28], [sflag:$0x2] =	stream.indirect.gather [hbm4b:s4+s24], $0x80, s16, s24, $0xb8;
	[tilespmem:$0x1DC80] =	vst v63  }
0xe4: {  	_ =	swait.ge [sflag:s29], $0x50  }
0xe5: {  	[sflag:s29] =	ssyncset.done $0x0  }
0xe6: {  	[sflag:s29] =	ssyncadd.s32 $0xFFFFFFB0  }
0xe7: {  	[tilespmem:s30], [sflag:$0x3] =	stream.indirect.gather [hbm4b:s4+s24], $0x80, s18, s24, $0xb8;
	[tilespmem:$0x1DC80] =	vst v63  }
0xe8: {  	_ =	swait.ge [sflag:s31], $0x50  }
0xe9: {  	[sflag:s31] =	ssyncset.done $0x0  }
0xea: {  	[sflag:s31] =	ssyncadd.s32 $0xFFFFFFB0  }
0xeb: {  	[tilespmem:s0], [sflag:$0x4] =	stream.indirect.gather [hbm4b:s4+s24], $0x80, s20, s24, $0xb8;
	[tilespmem:$0x1DC80] =	vst v63  }
0xec: {  	_ =	swait.ge [sflag:s1], $0x2800  }
0xed: {  	[sflag:s1] =	ssyncset.done $0x0  }
0xee: {  	[sflag:s1] =	ssyncadd.s32 $0xFFFFD800  }
0xef: {  	_ =	swait.ge [sflag:s5], $0x50  }
0xf0: {  	[sflag:s5] =	ssyncset.done $0x0  }
0xf1: {  	[sflag:s5] =	ssyncadd.s32 $0xFFFFFFB0  }
0xf2: {  	[spmem:s2] =	stream.indirect.scatter.add.f32 [tilespmem:s13], [sflag:$0x5], $0x80, s15, s24, $0xb8;
	[tilespmem:$0x1DC80] =	vst v63  }
0xf3: {  	_ =	swait.ge [sflag:s6], $0x2800  }
0xf4: {  	[sflag:s6] =	ssyncset.done $0x0  }
0xf5: {  	[sflag:s6] =	ssyncadd.s32 $0xFFFFD800  }
0xf6: {  	_ =	swait.ge [sflag:s8], $0x50  }
0xf7: {  	[sflag:s8] =	ssyncset.done $0x0  }
0xf8: {  	[sflag:s8] =	ssyncadd.s32 $0xFFFFFFB0  }
0xf9: {  	[spmem:s2] =	stream.indirect.scatter.add.f32 [tilespmem:s28], [sflag:$0x6], $0x80, s17, s24, $0xb8;
	[tilespmem:$0x1DC80] =	vst v63  }
0xfa: {  	_ =	swait.ge [sflag:s9], $0x2800  }
0xfb: {  	[sflag:s9] =	ssyncset.done $0x0  }
0xfc: {  	[sflag:s9] =	ssyncadd.s32 $0xFFFFD800  }
0xfd: {  	_ =	swait.ge [sflag:s10], $0x50  }
0xfe: {  	[sflag:s10] =	ssyncset.done $0x0  }
0xff: {  	[sflag:s10] =	ssyncadd.s32 $0xFFFFFFB0  }
0x100: {  	[spmem:s2] =	stream.indirect.scatter.add.f32 [tilespmem:s30], [sflag:$0x7], $0x80, s19, s24, $0xb8;
	[tilespmem:$0x1DC80] =	vst v63  }
0x101: {  	_ =	swait.ge [sflag:s11], $0x2800  }
0x102: {  	[sflag:s11] =	ssyncset.done $0x0  }
0x103: {  	[sflag:s11] =	ssyncadd.s32 $0xFFFFD800  }
0x104: {  	_ =	swait.ge [sflag:s12], $0x50  }
0x105: {  	[sflag:s12] =	ssyncset.done $0x0  }
0x106: {  	s17 =	simm.s32 $0x5;
	[sflag:s12] =	ssyncadd.s32 $0xFFFFFFB0  }
0x107: {  	[spmem:s2] =	stream.indirect.scatter.add.f32 [tilespmem:s0], [sflag:$0x8], $0x80, s21, s24, $0xb8;
	[tilespmem:$0x1DC80] =	vst v63  }
0x108: {  	_ =	swait.ge [sflag:s17], $0x2800  }
0x109: {  	[sflag:s17] =	ssyncset.done $0x0  }
0x10a: {  	s18 =	simm.s32 $0x6;
	[sflag:s17] =	ssyncadd.s32 $0xFFFFD800  }
0x10b: {  	_ =	swait.ge [sflag:s18], $0x2800  }
0x10c: {  	[sflag:s18] =	ssyncset.done $0x0  }
0x10d: {  	s19 =	simm.s32 $0x7;
	[sflag:s18] =	ssyncadd.s32 $0xFFFFD800  }
0x10e: {  	_ =	swait.ge [sflag:s19], $0x2800  }
0x10f: {  	[sflag:s19] =	ssyncset.done $0x0  }
0x110: {  	s21 =	simm.s32 $0x8;
	[sflag:s19] =	ssyncadd.s32 $0xFFFFD800  }
0x111: {  	_ =	swait.ge [sflag:s21], $0x2800  }
0x112: {  	[sflag:s21] =	ssyncset.done $0x0  }
0x113: {  	s14 =	rddreg [dreg:$0x11];
	[sflag:s21] =	ssyncadd.s32 $0xFFFFD800  }
0x114: {  	[tilespmem:s3], [sflag:$0x11] =	stream.linear.gather [hbm4b:s14+s3], $0x50, $0x38;
	[tilespmem:$0x1DC80] =	vst v63  }
0x115: {  	s14 =	simm.s32 $0x11  }
0x116: {  	_ =	swait.ge [sflag:s14], $0x50  }
0x117: {  	[sflag:s14] =	ssyncset.done $0x0  }
0x118: {  	s16 =	rddreg [dreg:$0x12];
	[sflag:s14] =	ssyncadd.s32 $0xFFFFFFB0  }
0x119: {  	[tilespmem:s15], [sflag:$0x11] =	stream.linear.gather [hbm4b:s16+s3], $0x50, $0x38;
	[tilespmem:$0x1DC80] =	vst v63  }
0x11a: {  	_ =	swait.ge [sflag:s14], $0x50  }
0x11b: {  	[sflag:s14] =	ssyncset.done $0x0  }
0x11c: {  	[sflag:s14] =	ssyncadd.s32 $0xFFFFFFB0  }
0x11d: {  	[tilespmem:s13], [sflag:$0x1] =	stream.indirect.gather [hbm4b:s4+s24], $0x80, s3, s24, $0xb8;
	[tilespmem:$0x1DC80] =	vst v63  }
0x11e: {  	_ =	swait.ge [sflag:s1], $0x2800  }
0x11f: {  	[sflag:s1] =	ssyncset.done $0x0  }
0x120: {  	[sflag:s1] =	ssyncadd.s32 $0xFFFFD800  }
0x121: {  	[spmem:s2] =	stream.indirect.scatter.add.f32 [tilespmem:s13], [sflag:$0x11], $0x80, s15, s24, $0xb8;
	[tilespmem:$0x1DC80] =	vst v63  }
0x122: {  	_ =	swait.ge [sflag:s14], $0x2800  }
0x123: {  	[sflag:s14] =	ssyncset.done $0x0  }
0x124: {  	[sflag:s14] =	ssyncadd.s32 $0xFFFFD800  }
0x125: {  	[bflag:$0x0] =	sbarrier.arrive $0xFFFF  }
0x126: {  	s15 =	rddreg [dreg:$0xe]  }
0x127: {  	s17 =	rddreg [dreg:$0x13]  }
0x128: {  	s18 =	rddreg [dreg:$0x17]  }
0x129: {  	[hbm:s17], [sflag:s15] =	dma.local [spmem:s18], $0x2700  }
0x12a: {  	_ =	swait.ge [sflag:s14], $0x2700  }
0x12b: {  	[sflag:s14] =	ssyncset.done $0x0;
	s7 =	rddreg [dreg:$0x14]  }
0x12c: {  	s13 =	rddreg [dreg:$0x18];
	[sflag:s14] =	ssyncadd.s32 $0xFFFFD900  }
0x12d: {  	[hbm:s7], [sflag:s15] =	dma.local @!p0 [spmem:s13], $0x100  }
0x12e: {  	s7 =	simm.s32 @!p0 $0x11  }
0x12f: {  	_ =	swait.ge @!p0 [sflag:s7], $0x100  }
0x130: {  	s19 =	rddreg [dreg:$0x16]  }
0x131: {  	s21 =	rddreg [dreg:$0x15];
	s16 =	sadd.s32 $0x1, s19  }
0x132: {  	p1 =	sne.s32 s16, s21  }
.Ltmp1:
0x133: {  	_ = 	snop;
	(pc) =	sbr.rel @p1 .LBB2_1-.Ltmp1, $3  }
0x134: {  	_ =	sdelay $0x1  }
0x135: {  	[sflag:s7] =	ssyncset.done @!p0 $0x0  }
0x136: {  	s20 =	simm.s32 $0x380;
	[sflag:s7] =	ssyncadd.s32 @!p0 $0xFFFFFF00  }
0x137: {  	_ =	sfence.sel $0x180000  }
0x138: {  	[bflag:$0x0] =	sbarrier.arrive $0xFFFF  }
0x139: {  	_ =	strace $0x9000004D  }
0x13a: {  	s0 =	stileid.u32;
	[bflag:$0x2] =	sbarrier.arrive $0xFFFF  }
0x13b: {  	p0 =	sne.s32 s0, $0x0;
	s0 =	rddreg [dreg:$0x3]  }
0x13c: {  	s0 =	sadd.s32 @!p0 $0x100000, s0  }
0x13d: {  	[sflag:s0] =	ssyncadd.tile.s32 @!p0 $0x1;
	_ =	shalt  }
.Lfunc_end2:
_tile_overlayer_lowered:
.L_overlay_start_2:
0x13e: {  	(tag) =	ssettag $0x2  }
0x13f: {  	s0 =	rddreg [dreg:$0x0];
	s2 =	stileid.u32  }
0x140: {  	s1 =	rddreg [dreg:$0x1];
	p0 =	sne.s32 s2, $0x0  }
0x141: {  	s3 =	rddreg [dreg:$0x2];
	[bflag:$0x3] =	sbarrier.arrive $0xFFFF;
	s2 =	simm.s32 @!p0 $0x1C11  }
0x142: {  	[timem:s3], [sflag:s2] =	dma.local @!p0 [hbm:s0], s1  }
0x143: {  	s0 =	simm.s32 @!p0 $0x11  }
0x144: {  	_ =	swait.ge @!p0 [sflag:s0], s1  }
0x145: {  	s1 =	ssub.s32 @!p0 $0x0, s1;
	[sflag:s0] =	ssyncset.done @!p0 $0x0  }
0x146: {  	[sflag:s0] =	ssyncadd.s32 @!p0 s1  }
0x147: {  	[bflag:$0x3] =	sbarrier.arrive $0xFFFF  }
0x148: {  	_ =	shalt  }

// kernel: kernel.19.cloned.1.call-start
scs
__scs_entry_jumppad:
0x0: {  	(pc) =	sbr.rel $0x88, $3  }
0x1: {  	(tag) =	ssettag $0x0;
	lr =	simm.s32 $0x1  }
0x2: {  	[smem:$0x3F95] =	sst lr;
	_ =	strace $0xD0000000  }
0x3: {  	_ = 	snop  }
0x4: {  	_ = 	snop  }
0x5: {  	_ = 	snop  }
0x6: {  	_ = 	snop  }
0x7: {  	_ = 	snop  }
__scs_overlays_trampoline_lowered:
0x8: {  	[smem:$0x3FA4] =	sst s0  }
0x9: {  	[smem:$0x3FA5] =	sst s1  }
0xa: {  	[smem:$0x3FA6] =	sst s2  }
0xb: {  	[smem:$0x3FA7] =	sst s3  }
0xc: {  	[smem:$0x3FA8] =	sst s4  }
0xd: {  	[smem:$0x3FA9] =	sst s5  }
0xe: {  	[smem:$0x3FAA] =	sst s6  }
0xf: {  	[smem:$0x3FAB] =	sst s7  }
0x10: {  	[smem:$0x3FAC] =	sst s8  }
0x11: {  	[smem:$0x3FAD] =	sst s9;
	s0 =	simm.s32 @!p0 $0x0  }
0x12: {  	s1 =	sld [smem:$0x3F93];
	s0 =	simm.s32 @p0 $0x1  }
0x13: {  	[smem:$0x3FAE] =	sst s0;
	s0 =	simm.s32 @!p1 $0x0  }
0x14: {  	s2 =	sld [smem:$0x3F92];
	s0 =	simm.s32 @p1 $0x1  }
0x15: {  	[smem:$0x3FAF] =	sst s0;
	s0 =	simm.s32 @!p2 $0x0  }
0x16: {  	s3 =	sld [smem:$0x3FDB];
	s0 =	simm.s32 @p2 $0x1  }
0x17: {  	s4 =	simm.s32 $0x1BF5;
	[smem:$0x3FB1] =	sst s0  }
0x18: {  	s0 =	sld [smem:$0x3F94];
	_ =	swait.ge [sflag:s4], $0x0  }
0x19: {  	s7 =	sld [smem:$0x3F95]  }
0x1a: {  	s8 =	sadd.s32 $0xFFFFE003, lr  }
0x1b: {  	s9 =	sadd.s32 $0xFFFFFEF7, lr;
	s5 =	simm.s32 $0xFFFFFFFF;
	p2 =	slt.u32 s8, $0xFFFFF086  }
0x1c: {  	p1 =	slt.u32 s9, $0xF7A;
	s5 =	simm.s32 @!p2 $0x0  }
0x1d: {  	s5 =	simm.s32 @p1 $0x1;
	p0 =	seq.s32 s7, s2  }
0x1e: {  	s7 =	smul.u32 @!p0 $0xF7A, s2;
	p2 =	seq.s32 @!p0 s5, $0x0  }
0x1f: {  	s9 =	smul.u32 $0xF7A, s1;
	s8 =	simm.s32 @!p0 $0x1BF5;
	p2 =	por !p2, p0  }
0x20: {  	[sflag:s8] =	ssyncset.s32 @!p0 $0xFFFFF086;
	s6 =	sadd.s32 @!p0 s3, s7;
	s7 =	simm.s32 @!p0 $0x108  }
0x21: {  	s3 =	sadd.s32 s3, s9;
	s6 =	sadd.s32 @!p0 $0x88, s6;
	s7 =	simm.s32 @p2 $0x1082  }
0x22: {  	[simem:s7], [sflag:s8] =	dma.local @!p0 [hbm:s6], $0xF7A  }
0x23: {  	s9 =	sor.u32 $0xD0000000, s2;
	s6 =	simm.s32 $0x108;
	_ =	swait.ge @!p0 [sflag:s8], $0x0  }
0x24: {  	s3 =	sadd.s32 $0x88, s3;
	s6 =	simm.s32 @!p1 $0x1082;
	[sflag:s4] =	ssyncset.s32 $0xFFFFF086  }
0x25: {  	[simem:s6], [sflag:s4] =	dma.local [hbm:s3], $0xF7A  }
0x26: {  	[smem:$0x3F95] =	sst s1;
	(tag) =	ssettag s2;
	_ =	strace s9  }
0x27: {  	s1 =	sld [smem:$0x3FA5]  }
0x28: {  	s2 =	sld [smem:$0x3FA6]  }
0x29: {  	s4 =	sld [smem:$0x3FA8]  }
0x2a: {  	p0 =	seq.s32 s5, $0x0;
	s5 =	sld [smem:$0x3FA9]  }
0x2b: {  	s6 =	sld [smem:$0x3FAA]  }
0x2c: {  	s7 =	sld [smem:$0x3FAB]  }
0x2d: {  	s3 =	simm.s32 $0x108;
	s8 =	sld [smem:$0x3FAC]  }
0x2e: {  	s3 =	simm.s32 @!p0 $0x1082;
	s9 =	sld [smem:$0x3FAD]  }
0x2f: {  	lr =	sadd.s32 s0, s3;
	s0 =	sld [smem:$0x3FA4]  }
0x30: {  	s3 =	sld [smem:$0x3FA7]  }
0x31: {  	[smem:$0x3FB0] =	sst s10  }
0x32: {  	s10 =	sld [smem:$0x3FAE];
	_ =	sdelay $0x3  }
0x33: {  	p0 =	seq.s32 s10, $0x1;
	s10 =	sld [smem:$0x3FB0];
	_ =	sdelay $0x3  }
0x34: {  	[smem:$0x3FB0] =	sst s10  }
0x35: {  	s10 =	sld [smem:$0x3FAF];
	_ =	sdelay $0x3  }
0x36: {  	p1 =	seq.s32 s10, $0x1;
	s10 =	sld [smem:$0x3FB0];
	_ =	sdelay $0x3  }
0x37: {  	[smem:$0x3FB0] =	sst s10  }
0x38: {  	s10 =	sld [smem:$0x3FB1]  }
0x39: {  	_ = 	snop;
	(pc) =	sbr.ind lr, $3  }
0x3a: {  	_ = 	snop  }
0x3b: {  	_ = 	snop  }
0x3c: {  	p2 =	seq.s32 s10, $0x1;
	s10 =	sld [smem:$0x3FB0]  }
0x3d: {  	_ =	shalt  }
0x3e: {  	_ =	shalt  }
0x3f: {  	_ =	shalt  }
0x40: {  	_ =	shalt  }
0x41: {  	_ =	shalt  }
0x42: {  	_ =	shalt  }
0x43: {  	_ =	shalt  }
0x44: {  	_ =	shalt  }
0x45: {  	_ =	shalt  }
0x46: {  	_ =	shalt  }
0x47: {  	_ =	shalt  }
0x48: {  	_ =	shalt  }
0x49: {  	_ =	shalt  }
0x4a: {  	_ =	shalt  }
0x4b: {  	_ =	shalt  }
0x4c: {  	_ =	shalt  }
0x4d: {  	_ =	shalt  }
0x4e: {  	_ =	shalt  }
0x4f: {  	_ =	shalt  }
0x50: {  	_ =	shalt  }
0x51: {  	_ =	shalt  }
0x52: {  	_ =	shalt  }
0x53: {  	_ =	shalt  }
0x54: {  	_ =	shalt  }
0x55: {  	_ =	shalt  }
0x56: {  	_ =	shalt  }
0x57: {  	_ =	shalt  }
0x58: {  	_ =	shalt  }
0x59: {  	_ =	shalt  }
0x5a: {  	_ =	shalt  }
0x5b: {  	_ =	shalt  }
0x5c: {  	_ =	shalt  }
0x5d: {  	_ =	shalt  }
0x5e: {  	_ =	shalt  }
0x5f: {  	_ =	shalt  }
0x60: {  	_ =	shalt  }
0x61: {  	_ =	shalt  }
0x62: {  	_ =	shalt  }
0x63: {  	_ =	shalt  }
0x64: {  	_ =	shalt  }
0x65: {  	_ =	shalt  }
0x66: {  	_ =	shalt  }
0x67: {  	_ =	shalt  }
0x68: {  	_ =	shalt  }
0x69: {  	_ =	shalt  }
0x6a: {  	_ =	shalt  }
0x6b: {  	_ =	shalt  }
0x6c: {  	_ =	shalt  }
0x6d: {  	_ =	shalt  }
0x6e: {  	_ =	shalt  }
0x6f: {  	_ =	shalt  }
0x70: {  	_ =	shalt  }
0x71: {  	_ =	shalt  }
0x72: {  	_ =	shalt  }
0x73: {  	_ =	shalt  }
0x74: {  	_ =	shalt  }
0x75: {  	_ =	shalt  }
0x76: {  	_ =	shalt  }
0x77: {  	_ =	shalt  }
0x78: {  	_ =	shalt  }
0x79: {  	_ =	shalt  }
0x7a: {  	_ =	shalt  }
0x7b: {  	_ =	shalt  }
0x7c: {  	_ =	shalt  }
0x7d: {  	_ =	shalt  }
0x7e: {  	_ =	shalt  }
0x7f: {  	_ =	shalt  }
0x80: {  	_ =	shalt  }
0x81: {  	_ =	shalt  }
0x82: {  	_ =	shalt  }
0x83: {  	_ =	shalt  }
0x84: {  	_ =	shalt  }
0x85: {  	_ =	shalt  }
0x86: {  	_ =	shalt  }
0x87: {  	_ =	shalt  }
.Lfunc_end0:
.L_simem_size_0:
called_computation.3_lowered:
.L_overlay_start_0:
0x88: {  	s2 =	sld [smem:$0x3FD9]  }
0x89: {  	s3 =	sld [smem:$0x3FFE];
	_ =	sdelay $0x1  }
0x8a: {  	s1 =	srdreg.scid  }
0x8b: {  	s0 =	sand.u32 $0x1, s1  }
0x8c: {  	s17 =	sshll.u32 s0, $0xA;
	s2 =	sadd.s32 s3, s2  }
0x8d: {  	s2 =	sadd.s32 s2, s17  }
0x8e: {  	[smem:$0x3FBC] =	sst s2  }
0x8f: {  	_ = 	snop  }
0x90: {  	s2 =	sld [smem:$0x3FD0];
	(tm) =	ssettm $0x1  }
0x91: {  	s18 =	sld [smem:$0x3FFB];
	_ =	sdelay $0x3  }
0x92: {  	_ =	strace s18  }
0x93: {  	s3 =	sld [smem:$0x3FFC];
	_ =	sdelay $0x3  }
0x94: {  	_ =	strace s3  }
0x95: {  	s3 =	sld [smem:$0x3FFD];
	_ =	sdelay $0x3  }
0x96: {  	_ =	strace s3  }
0x97: {  	_ =	strace $0x8FFFFFFF  }
0x98: {  	s19 =	sld [smem:$0x3FDB];
	_ =	sdelay $0x1  }
0x99: {  	s4 =	simm.s32 $_scs_section_size  }
0x9a: {  	s5 =	simm.s32 $_size__tile_overlayer_lowered;
	s6 =	simm.s32 $_tile_overlayer_lowered  }
0x9b: {  	s22 =	simm.s32 $0x1BFF;
	s21 =	sshll.u32 s6, $0x1;
	s3 =	sadd.s32 s4, s19  }
0x9c: {  	s7 =	simm.s32 $0x0;
	s20 =	sshll.u32 s5, $0x1;
	s5 =	sadd.s32 s21, s3  }
0x9d: {  	[timem:s7], [sflag:s22] =	dma.local [hbm:s5], s20  }
0x9e: {  	_ =	swait.ge [sflag:s22], s20  }
0x9f: {  	s4 =	ssub.s32 $0x0, s20;
	[sflag:s22] =	ssyncset.done $0x0  }
0xa0: {  	[sflag:s22] =	ssyncadd.s32 s4;
	_ =	sdelay $0x1  }
0xa1: {  	s23 =	simm.s32 $0x1B8B  }
0xa2: {  	_ =	swait.ge [sflag:s23], $0x1  }
0xa3: {  	[sflag:s23] =	ssyncset.done $0x0  }
0xa4: {  	s25 =	simm.s32 $0x1B8E;
	s24 =	sld [smem:$0x3FFE];
	[sflag:s23] =	ssyncadd.s32 $0xFFFFFFFF  }
0xa5: {  	s26 =	simm.s32 $execute0_lowered;
	[smem:$0x3FD2] =	sst s25  }
0xa6: {  	s5 =	sshll.u32 s26, $0x1;
	_ =	strace $0x8000004F;
	[dreg:$0x1] =	wrdreg $0xFFFFFFFF  }
0xa7: {  	s28 =	simm.s32 $_size_execute0_lowered;
	s3 =	sadd.s32 s3, s5;
	[dreg:$0x0] =	wrdreg $0x0  }
0xa8: {  	s5 =	sshll.u32 s28, $0x1;
	[dreg:$0x2] =	wrdreg s3  }
0xa9: {  	[dreg:$0x3] =	wrdreg s5  }
0xaa: {  	[dreg:$0x4] =	wrdreg $0xC0  }
0xab: {  	_ =	task [dreg:s7], $0x5FFFF  }
0xac: {  	[dreg:$0x1] =	wrdreg $0xFFFFFFFF  }
0xad: {  	[dreg:$0x0] =	wrdreg $0x60  }
0xae: {  	[dreg:$0x2] =	wrdreg s24  }
0xaf: {  	[dreg:$0x3] =	wrdreg s2  }
0xb0: {  	[dreg:$0x4] =	wrdreg $0xA4000  }
0xb1: {  	[dreg:$0x5] =	wrdreg $0x9  }
0xb2: {  	_ =	task.clear_ibuf [dreg:s7], $0x6FFFF;
	_ =	strace $0x9000004F  }
0xb3: {  	s29 =	simm.s32 $0x9;
	_ =	strace $0x80000051  }
0xb4: {  	_ =	swait.ge [sflag:s29], $0x1  }
0xb5: {  	[sflag:s29] =	ssyncadd.s32 $0xFFFFFFFF  }
0xb6: {  	_ =	strace $0x90000051  }
0xb7: {  	_ =	sfence  }
0xb8: {  	s30 =	sld [smem:$0x0];
	_ =	sdelay $0x2  }
0xb9: {  	s31 =	sshll.u32 s1, $0xD;
	s1 =	sshrl.u32 s1, $0x2  }
0xba: {  	s3 =	sand.u32 $0x4000, s31;
	s1 =	sadd.s32 s1, s30  }
0xbb: {  	s0 =	sor.u32 s3, s0;
	s1 =	sshll.u32 s1, $0x11  }
0xbc: {  	s0 =	sor.u32 s1, s0  }
0xbd: {  	s0 =	sadd.s32 $0x8F2B, s0  }
0xbe: {  	[sflag:s0] =	ssyncadd.remote.s32 $0x1  }
0xbf: {  	_ =	sfence.sel $0xFFFF  }
0xc0: {  	[dreg:$0x0] =	wrdreg $0xFFFFFFFF;
	(pc) =	sbr.abs _section_cstart, $3  }
0xc1: {  	[dreg:$0x1] =	wrdreg $0xFFFFFFFF  }
0xc2: {  	_ =	task.clear_ibuf [dreg:s7], $0x2FFFF;
	_ =	strace $0x9FFFFFFF  }
0xc3: {  	(tm) =	ssettm $0x7FFFFFFF  }
tec
execute0_lowered:
.L_overlay_start_1:
0x0: {  	(tag) =	ssettag $0x1  }
0x1: {  	s1 =	rddreg [dreg:$0x0]  }
0x2: {  	s0 =	rddreg [dreg:$0x1]  }
0x3: {  	s2 =	rddreg [dreg:$0x2]  }
0x4: {  	s3 =	simm.s32 $0x0;
	s14 =	stileid.u32;
	s7 =	srdreg.scid  }
0x5: {  	s28 =	simm.s32 $0x2C00;
	s29 =	simm.s32 $0xB;
	s30 =	simm.s32 $0x5400  }
0x6: {  	s31 =	simm.s32 $0xC;
	[smem:$0x7FF] =	sst s3;
	s5 =	smul.u32 $0x13800, s14  }
0x7: {  	s4 =	sadd.s32 $0xD000, s1;
	s8 =	sadd.s32 $0x3200, s1;
	s7 =	sand.u32 $0x1, s7  }
0x8: {  	s11 =	smul.u32 $0x4E000, s14;
	s12 =	sadd.s32 $0x5B400, s1;
	s19 =	sshll.u32 s14, $0x6  }
0x9: {  	s21 =	smul.u32 $0x2710, s14;
	s22 =	sadd.s32 $0x138000, s2;
	p0 =	sne.s32 s14, $0xF  }
0xa: {  	_ =	strace $0x80000050;
	s9 =	ssub.s32 $0x2, s7;
	s10 =	sshll.u32 s7, $0x4  }
0xb: {  	s20 =	smul.u32 $0x27100, s7;
	s15 =	sor.u32 $0x1C11, s19;
	[dreg:$0xf] =	wrdreg s22  }
0xc: {  	s7 =	smul.u32 $0x138800, s7;
	s6 =	sshrl.u32 s5, $0x3;
	s13 =	sshrl.u32 s9, $0x1  }
0xd: {  	s10 =	sor.u32 s14, s10;
	s11 =	sshrl.u32 s11, $0x2;
	s14 =	simm.s32 $0x11  }
0xe: {  	[dreg:$0xe] =	wrdreg s15;
	s6 =	sadd.s32 s6, s1;
	s9 =	ssub.s32 s9, s13  }
0xf: {  	s10 =	smul.u32 $0x2710, s10;
	s11 =	sadd.s32 s11, s2;
	s1 =	sadd.s32 $0x5B200, s1  }
0x10: {  	s5 =	sadd.s32 s5, s7;
	s7 =	sshrl.u32 s7, $0x3;
	[dreg:$0xc] =	wrdreg s11  }
0x11: {  	s6 =	sadd.s32 $0x34200, s6;
	[dreg:$0x10] =	wrdreg s1;
	s25 =	sshrl.u32 s5, $0x3  }
0x12: {  	[dreg:$0xd] =	wrdreg s6;
	s10 =	sshrl.u32 s10, $0x3;
	s6 =	sadd.s32 s21, s20  }
0x13: {  	s5 =	simm.s32 $0xD;
	s23 =	sadd.s32 $0x4D8, s10;
	s24 =	sadd.s32 $0xF0, s6  }
0x14: {  	s11 =	sadd.s32 $0xA0, s6;
	s18 =	sadd.s32 $0x50, s6;
	s10 =	sadd.s32 s0, s23  }
0x15: {  	s1 =	sadd.s32 s8, s23;
	s26 =	sshrl.u32 s24, $0x3;
	[dreg:$0x11] =	wrdreg s10  }
0x16: {  	s16 =	sshrl.u32 s11, $0x3;
	[dreg:$0x12] =	wrdreg s1;
	s1 =	sadd.s32 s12, s25  }
0x17: {  	s20 =	sshrl.u32 s18, $0x3;
	s10 =	sadd.s32 s26, s8;
	[dreg:$0x13] =	wrdreg s1  }
0x18: {  	s23 =	sshrl.u32 s6, $0x3;
	s13 =	sadd.s32 s26, s0;
	[dreg:$0x4] =	wrdreg s10  }
0x19: {  	s24 =	sadd.s32 s12, s7;
	s17 =	sadd.s32 s16, s8;
	[dreg:$0x5] =	wrdreg s13  }
0x1a: {  	s11 =	simm.s32 $0x4;
	s19 =	sadd.s32 s16, s0;
	[dreg:$0x6] =	wrdreg s17  }
0x1b: {  	s21 =	sadd.s32 s20, s8;
	s22 =	sadd.s32 s20, s0;
	[dreg:$0x7] =	wrdreg s19  }
0x1c: {  	s25 =	sadd.s32 s23, s8;
	s6 =	sadd.s32 $0x27000, s24;
	[dreg:$0x8] =	wrdreg s21  }
0x1d: {  	s0 =	sadd.s32 s23, s0;
	s26 =	smax.u32 s9, $0x1;
	[dreg:$0x9] =	wrdreg s22  }
0x1e: {  	s20 =	simm.s32 $0x380;
	s23 =	simm.s32 $0x9;
	[dreg:$0x14] =	wrdreg s6  }
0x1f: {  	s24 =	simm.s32 $0x50;
	s8 =	simm.s32 $0xE;
	[dreg:$0xa] =	wrdreg s25  }
0x20: {  	s9 =	simm.s32 $0x3;
	s12 =	simm.s32 $0x10;
	[dreg:$0x15] =	wrdreg s26  }
0x21: {  	s16 =	simm.s32 $0x0;
	[dreg:$0xb] =	wrdreg s0;
	s26 =	simm.s32 $0xA  }
0x22: {  	s0 =	simm.s32 $0x7C00;
	s1 =	simm.s32 $0x1;
	s6 =	simm.s32 $0x2  }
0x23: {  	s10 =	simm.s32 $0xF;
	s25 =	simm.s32 $0x380;
	s22 =	simm.s32 $0x300  }
.LBB2_1:
0x24: {  	[dreg:$0x16] =	wrdreg s16  }
0x25: {  	s7 =	rddreg [dreg:$0xc]  }
0x26: {  	s16 =	rddreg [dreg:$0xd];
	s13 =	sshrl.u32 s7, $0x3  }
0x27: {  	[dreg:$0x17] =	wrdreg s13  }
0x28: {  	[spmem:s13], [sflag:s15] =	dma.local [hbm:s16], $0x2700  }
0x29: {  	_ =	swait.ge [sflag:s14], $0x2700  }
0x2a: {  	s7 =	rddreg [dreg:$0xf]  }
0x2b: {  	[sflag:s14] =	ssyncset.done $0x0;
	s13 =	sshrl.u32 @!p0 s7, $0x3;
	s7 =	rddreg [dreg:$0x10]  }
0x2c: {  	[sflag:s14] =	ssyncadd.s32 $0xFFFFD900;
	[dreg:$0x18] =	wrdreg s13  }
0x2d: {  	[spmem:s13], [sflag:s15] =	dma.local @!p0 [hbm:s7], $0x100  }
0x2e: {  	s7 =	simm.s32 @!p0 $0x11  }
0x2f: {  	_ =	swait.ge @!p0 [sflag:s7], $0x100  }
0x30: {  	[sflag:s7] =	ssyncset.done @!p0 $0x0  }
0x31: {  	p1 =	por $0x1, $0x1;
	[sflag:s7] =	ssyncadd.s32 @!p0 $0xFFFFFF00  }
0x32: {  	s7 =	simm.s32 @!p1 $0x5;
	[bflag:$0x0] =	sbarrier.arrive $0xFFFF  }
0x33: {  	_ =	swait.ge @!p1 [sflag:s7], $0x2800  }
0x34: {  	[sflag:s7] =	ssyncset.done @!p1 $0x0  }
0x35: {  	[sflag:s7] =	ssyncadd.s32 @!p1 $0xFFFFD800;
	s7 =	simm.s32 @!p1 $0x6  }
0x36: {  	_ =	swait.ge @!p1 [sflag:s7], $0x2800  }
0x37: {  	[sflag:s7] =	ssyncset.done @!p1 $0x0  }
0x38: {  	[sflag:s7] =	ssyncadd.s32 @!p1 $0xFFFFD800;
	s7 =	simm.s32 @!p1 $0x7  }
0x39: {  	_ =	swait.ge @!p1 [sflag:s7], $0x2800  }
0x3a: {  	[sflag:s7] =	ssyncset.done @!p1 $0x0  }
0x3b: {  	[sflag:s7] =	ssyncadd.s32 @!p1 $0xFFFFD800;
	s7 =	simm.s32 @!p1 $0x8  }
0x3c: {  	_ =	swait.ge @!p1 [sflag:s7], $0x2800  }
0x3d: {  	s17 =	rddreg [dreg:$0xb];
	[sflag:s7] =	ssyncset.done @!p1 $0x0  }
0x3e: {  	s18 =	rddreg [dreg:$0xa];
	[sflag:s7] =	ssyncadd.s32 @!p1 $0xFFFFD800;
	s19 =	sadd.s32 $0x0, s17  }
0x3f: {  	[tilespmem:s3], [sflag:$0x9] =	stream.linear.gather [hbm4b:s19+s3], $0x50, $0x38;
	[tilespmem:$0x1DC80] =	vst v63  }
0x40: {  	s13 =	simm.s32 $0x200;
	s21 =	rddreg [dreg:$0x9];
	s15 =	sadd.s32 $0x0, s18  }
0x41: {  	[tilespmem:s13], [sflag:$0xD] =	stream.linear.gather [hbm4b:s15+s3], $0x50, $0x38;
	[tilespmem:$0x1DC80] =	vst v63  }
0x42: {  	s16 =	rddreg [dreg:$0x8];
	s7 =	sadd.s32 $0x0, s21;
	s15 =	simm.s32 $0x80  }
0x43: {  	[tilespmem:s15], [sflag:$0xA] =	stream.linear.gather [hbm4b:s7+s3], $0x50, $0x38;
	[tilespmem:$0x1DC80] =	vst v63  }
0x44: {  	s17 =	rddreg [dreg:$0x7];
	s14 =	sadd.s32 $0x0, s16;
	s16 =	simm.s32 $0x280  }
0x45: {  	[tilespmem:s16], [sflag:$0xE] =	stream.linear.gather [hbm4b:s14+s3], $0x50, $0x38;
	[tilespmem:$0x1DC80] =	vst v63  }
0x46: {  	s18 =	rddreg [dreg:$0x6];
	s7 =	sadd.s32 $0x0, s17;
	s17 =	simm.s32 $0x100  }
0x47: {  	[tilespmem:s17], [sflag:$0xB] =	stream.linear.gather [hbm4b:s7+s3], $0x50, $0x38;
	[tilespmem:$0x1DC80] =	vst v63  }
0x48: {  	s19 =	rddreg [dreg:$0x5];
	s14 =	sadd.s32 $0x0, s18;
	s18 =	simm.s32 $0x300  }
0x49: {  	[tilespmem:s18], [sflag:$0xF] =	stream.linear.gather [hbm4b:s14+s3], $0x50, $0x38;
	[tilespmem:$0x1DC80] =	vst v63  }
0x4a: {  	s21 =	rddreg [dreg:$0x4];
	s7 =	sadd.s32 $0x0, s19;
	s19 =	simm.s32 $0x180  }
0x4b: {  	[tilespmem:s19], [sflag:$0xC] =	stream.linear.gather [hbm4b:s7+s3], $0x50, $0x38;
	[tilespmem:$0x1DC80] =	vst v63  }
0x4c: {  	s14 =	sadd.s32 $0x0, s21  }
0x4d: {  	[tilespmem:s20], [sflag:$0x10] =	stream.linear.gather [hbm4b:s14+s3], $0x50, $0x38;
	[tilespmem:$0x1DC80] =	vst v63  }
0x4e: {  	_ =	swait.ge [sflag:s23], $0x50  }
0x4f: {  	[sflag:s23] =	ssyncset.done $0x0  }
0x50: {  	s21 =	simm.s32 $0x400;
	[sflag:s23] =	ssyncadd.s32 $0xFFFFFFB0  }
0x51: {  	[tilespmem:s21], [sflag:$0x1] =	stream.indirect.gather [hbm4b:s4+s24], $0x80, s3, s24, $0xb8;
	[tilespmem:$0x1DC80] =	vst v63  }
0x52: {  	_ =	swait.ge [sflag:s26], $0x50  }
0x53: {  	[sflag:s26] =	ssyncset.done $0x0  }
0x54: {  	[sflag:s26] =	ssyncadd.s32 $0xFFFFFFB0  }
0x55: {  	[tilespmem:s28], [sflag:$0x2] =	stream.indirect.gather [hbm4b:s4+s24], $0x80, s15, s24, $0xb8;
	[tilespmem:$0x1DC80] =	vst v63  }
0x56: {  	_ =	swait.ge [sflag:s29], $0x50  }
0x57: {  	[sflag:s29] =	ssyncset.done $0x0  }
0x58: {  	[sflag:s29] =	ssyncadd.s32 $0xFFFFFFB0  }
0x59: {  	[tilespmem:s30], [sflag:$0x3] =	stream.indirect.gather [hbm4b:s4+s24], $0x80, s17, s24, $0xb8;
	[tilespmem:$0x1DC80] =	vst v63  }
0x5a: {  	_ =	swait.ge [sflag:s31], $0x50  }
0x5b: {  	[sflag:s31] =	ssyncset.done $0x0  }
0x5c: {  	[sflag:s31] =	ssyncadd.s32 $0xFFFFFFB0  }
0x5d: {  	[tilespmem:s0], [sflag:$0x4] =	stream.indirect.gather [hbm4b:s4+s24], $0x80, s19, s24, $0xb8;
	[tilespmem:$0x1DC80] =	vst v63  }
0x5e: {  	_ =	swait.ge [sflag:s1], $0x2800  }
0x5f: {  	[sflag:s1] =	ssyncset.done $0x0  }
0x60: {  	[sflag:s1] =	ssyncadd.s32 $0xFFFFD800  }
0x61: {  	_ =	swait.ge [sflag:s5], $0x50  }
0x62: {  	[sflag:s5] =	ssyncset.done $0x0  }
0x63: {  	[sflag:s5] =	ssyncadd.s32 $0xFFFFFFB0  }
0x64: {  	[spmem:s2] =	stream.indirect.scatter.add.f32 [tilespmem:s21], [sflag:$0x5], $0x80, s13, s24, $0xb8;
	[tilespmem:$0x1DC80] =	vst v63  }
0x65: {  	_ =	swait.ge [sflag:s6], $0x2800  }
0x66: {  	[sflag:s6] =	ssyncset.done $0x0  }
0x67: {  	[sflag:s6] =	ssyncadd.s32 $0xFFFFD800  }
0x68: {  	_ =	swait.ge [sflag:s8], $0x50  }
0x69: {  	[sflag:s8] =	ssyncset.done $0x0  }
0x6a: {  	[sflag:s8] =	ssyncadd.s32 $0xFFFFFFB0  }
0x6b: {  	[spmem:s2] =	stream.indirect.scatter.add.f32 [tilespmem:s28], [sflag:$0x6], $0x80, s16, s24, $0xb8;
	[tilespmem:$0x1DC80] =	vst v63  }
0x6c: {  	_ =	swait.ge [sflag:s9], $0x2800  }
0x6d: {  	[sflag:s9] =	ssyncset.done $0x0  }
0x6e: {  	[sflag:s9] =	ssyncadd.s32 $0xFFFFD800  }
0x6f: {  	_ =	swait.ge [sflag:s10], $0x50  }
0x70: {  	[sflag:s10] =	ssyncset.done $0x0  }
0x71: {  	[sflag:s10] =	ssyncadd.s32 $0xFFFFFFB0  }
0x72: {  	[spmem:s2] =	stream.indirect.scatter.add.f32 [tilespmem:s30], [sflag:$0x7], $0x80, s18, s24, $0xb8;
	[tilespmem:$0x1DC80] =	vst v63  }
0x73: {  	_ =	swait.ge [sflag:s11], $0x2800  }
0x74: {  	[sflag:s11] =	ssyncset.done $0x0  }
0x75: {  	[sflag:s11] =	ssyncadd.s32 $0xFFFFD800  }
0x76: {  	p2 =	por $0x0, $0x0;
	_ =	swait.ge [sflag:s12], $0x50  }
0x77: {  	s7 =	simm.s32 $0x50;
	s14 =	simm.s32 $0x28;
	[sflag:s12] =	ssyncset.done $0x0  }
.LBB2_2:
0x78: {  	s13 =	simm.s32 @!p2 $0x5;
	[sflag:s12] =	ssyncadd.s32 $0xFFFFFFB0  }
0x79: {  	[spmem:s2] =	stream.indirect.scatter.add.f32 [tilespmem:s0], [sflag:$0x8], $0x80, s25, s24, $0xb8;
	[tilespmem:$0x1DC80] =	vst v63  }
0x7a: {  	_ =	swait.ge @!p2 [sflag:s13], $0x2800  }
0x7b: {  	[sflag:s13] =	ssyncset.done @!p2 $0x0  }
0x7c: {  	[sflag:s13] =	ssyncadd.s32 @!p2 $0xFFFFD800;
	s13 =	simm.s32 @!p2 $0x6  }
0x7d: {  	_ =	swait.ge @!p2 [sflag:s13], $0x2800  }
0x7e: {  	[sflag:s13] =	ssyncset.done @!p2 $0x0  }
0x7f: {  	[sflag:s13] =	ssyncadd.s32 @!p2 $0xFFFFD800;
	s13 =	simm.s32 @!p2 $0x7  }
0x80: {  	_ =	swait.ge @!p2 [sflag:s13], $0x2800  }
0x81: {  	[sflag:s13] =	ssyncset.done @!p2 $0x0  }
0x82: {  	[sflag:s13] =	ssyncadd.s32 @!p2 $0xFFFFD800;
	s13 =	simm.s32 @!p2 $0x8  }
0x83: {  	_ =	swait.ge @!p2 [sflag:s13], $0x2800  }
0x84: {  	s16 =	rddreg [dreg:$0xb];
	[sflag:s13] =	ssyncset.done @!p2 $0x0  }
0x85: {  	s17 =	rddreg [dreg:$0xa];
	[sflag:s13] =	ssyncadd.s32 @!p2 $0xFFFFD800;
	s18 =	sadd.s32 s14, s16  }
0x86: {  	[tilespmem:s3], [sflag:$0x9] =	stream.linear.gather [hbm4b:s18+s3], $0x50, $0x38;
	[tilespmem:$0x1DC80] =	vst v63  }
0x87: {  	s19 =	rddreg [dreg:$0x9];
	s20 =	sadd.s32 s14, s17;
	s18 =	simm.s32 $0x200  }
0x88: {  	[tilespmem:s18], [sflag:$0xD] =	stream.linear.gather [hbm4b:s20+s3], $0x50, $0x38;
	[tilespmem:$0x1DC80] =	vst v63  }
0x89: {  	s21 =	rddreg [dreg:$0x8];
	s20 =	sadd.s32 s14, s19;
	s19 =	simm.s32 $0x80  }
0x8a: {  	[tilespmem:s19], [sflag:$0xA] =	stream.linear.gather [hbm4b:s20+s3], $0x50, $0x38;
	[tilespmem:$0x1DC80] =	vst v63  }
0x8b: {  	s16 =	rddreg [dreg:$0x7];
	s21 =	sadd.s32 s14, s21;
	s20 =	simm.s32 $0x280  }
0x8c: {  	[tilespmem:s20], [sflag:$0xE] =	stream.linear.gather [hbm4b:s21+s3], $0x50, $0x38;
	[tilespmem:$0x1DC80] =	vst v63  }
0x8d: {  	s17 =	rddreg [dreg:$0x6];
	s13 =	sadd.s32 s14, s16;
	s21 =	simm.s32 $0x100  }
0x8e: {  	[tilespmem:s21], [sflag:$0xB] =	stream.linear.gather [hbm4b:s13+s3], $0x50, $0x38;
	[tilespmem:$0x1DC80] =	vst v63  }
0x8f: {  	s16 =	rddreg [dreg:$0x5];
	s13 =	sadd.s32 s14, s17  }
0x90: {  	[tilespmem:s22], [sflag:$0xF] =	stream.linear.gather [hbm4b:s13+s3], $0x50, $0x38;
	[tilespmem:$0x1DC80] =	vst v63  }
0x91: {  	s17 =	rddreg [dreg:$0x4];
	s13 =	sadd.s32 s14, s16;
	s16 =	simm.s32 $0x180  }
0x92: {  	[tilespmem:s16], [sflag:$0xC] =	stream.linear.gather [hbm4b:s13+s3], $0x50, $0x38;
	[tilespmem:$0x1DC80] =	vst v63  }
0x93: {  	s17 =	sadd.s32 s14, s17  }
0x94: {  	[tilespmem:s25], [sflag:$0x10] =	stream.linear.gather [hbm4b:s17+s3], $0x50, $0x38;
	[tilespmem:$0x1DC80] =	vst v63  }
0x95: {  	_ =	swait.ge [sflag:s23], $0x50  }
0x96: {  	[sflag:s23] =	ssyncset.done $0x0  }
0x97: {  	s17 =	simm.s32 $0x400;
	[sflag:s23] =	ssyncadd.s32 $0xFFFFFFB0  }
0x98: {  	[tilespmem:s17], [sflag:$0x1] =	stream.indirect.gather [hbm4b:s4+s24], $0x80, s3, s24, $0xb8;
	[tilespmem:$0x1DC80] =	vst v63  }
0x99: {  	_ =	swait.ge [sflag:s26], $0x50  }
0x9a: {  	[sflag:s26] =	ssyncset.done $0x0  }
0x9b: {  	[sflag:s26] =	ssyncadd.s32 $0xFFFFFFB0  }
0x9c: {  	[tilespmem:s28], [sflag:$0x2] =	stream.indirect.gather [hbm4b:s4+s24], $0x80, s19, s24, $0xb8;
	[tilespmem:$0x1DC80] =	vst v63  }
0x9d: {  	_ =	swait.ge [sflag:s29], $0x50  }
0x9e: {  	[sflag:s29] =	ssyncset.done $0x0  }
0x9f: {  	[sflag:s29] =	ssyncadd.s32 $0xFFFFFFB0  }
0xa0: {  	[tilespmem:s30], [sflag:$0x3] =	stream.indirect.gather [hbm4b:s4+s24], $0x80, s21, s24, $0xb8;
	[tilespmem:$0x1DC80] =	vst v63  }
0xa1: {  	_ =	swait.ge [sflag:s31], $0x50  }
0xa2: {  	[sflag:s31] =	ssyncset.done $0x0  }
0xa3: {  	[sflag:s31] =	ssyncadd.s32 $0xFFFFFFB0  }
0xa4: {  	[tilespmem:s0], [sflag:$0x4] =	stream.indirect.gather [hbm4b:s4+s24], $0x80, s16, s24, $0xb8;
	[tilespmem:$0x1DC80] =	vst v63  }
0xa5: {  	_ =	swait.ge [sflag:s1], $0x2800  }
0xa6: {  	[sflag:s1] =	ssyncset.done $0x0  }
0xa7: {  	[sflag:s1] =	ssyncadd.s32 $0xFFFFD800  }
0xa8: {  	_ =	swait.ge [sflag:s5], $0x50  }
0xa9: {  	[sflag:s5] =	ssyncset.done $0x0  }
0xaa: {  	[sflag:s5] =	ssyncadd.s32 $0xFFFFFFB0  }
0xab: {  	[spmem:s2] =	stream.indirect.scatter.add.f32 [tilespmem:s17], [sflag:$0x5], $0x80, s18, s24, $0xb8;
	[tilespmem:$0x1DC80] =	vst v63  }
0xac: {  	_ =	swait.ge [sflag:s6], $0x2800  }
0xad: {  	[sflag:s6] =	ssyncset.done $0x0  }
0xae: {  	[sflag:s6] =	ssyncadd.s32 $0xFFFFD800  }
0xaf: {  	_ =	swait.ge [sflag:s8], $0x50  }
0xb0: {  	[sflag:s8] =	ssyncset.done $0x0  }
0xb1: {  	[sflag:s8] =	ssyncadd.s32 $0xFFFFFFB0  }
0xb2: {  	[spmem:s2] =	stream.indirect.scatter.add.f32 [tilespmem:s28], [sflag:$0x6], $0x80, s20, s24, $0xb8;
	[tilespmem:$0x1DC80] =	vst v63  }
0xb3: {  	_ =	swait.ge [sflag:s9], $0x2800  }
0xb4: {  	[sflag:s9] =	ssyncset.done $0x0  }
0xb5: {  	[sflag:s9] =	ssyncadd.s32 $0xFFFFD800  }
0xb6: {  	_ =	swait.ge [sflag:s10], $0x50  }
0xb7: {  	s15 =	smov.u32 s7;
	s7 =	sadd.s32 $0x28, s7;
	[sflag:s10] =	ssyncset.done $0x0  }
0xb8: {  	p1 =	sne.s32 s7, $0x4D8;
	[sflag:s10] =	ssyncadd.s32 $0xFFFFFFB0  }
0xb9: {  	[spmem:s2] =	stream.indirect.scatter.add.f32 [tilespmem:s30], [sflag:$0x7], $0x80, s22, s24, $0xb8;
	[tilespmem:$0x1DC80] =	vst v63  }
.Ltmp0:
0xba: {  	_ =	swait.ge [sflag:s11], $0x2800;
	(pc) =	sbr.rel @p1 .LBB2_2-.Ltmp0, $4  }
0xbb: {  	[sflag:s11] =	ssyncset.done $0x0  }
0xbc: {  	[sflag:s11] =	ssyncadd.s32 $0xFFFFD800  }
0xbd: {  	s14 =	smov.u32 s15;
	_ =	swait.ge [sflag:s12], $0x50  }
0xbe: {  	p2 =	seq.s32 s14, $0x0;
	[sflag:s12] =	ssyncset.done $0x0  }
0xbf: {  	s7 =	simm.s32 @!p2 $0x5;
	[sflag:s12] =	ssyncadd.s32 $0xFFFFFFB0;
	s21 =	simm.s32 $0x380  }
0xc0: {  	[spmem:s2] =	stream.indirect.scatter.add.f32 [tilespmem:s0], [sflag:$0x8], $0x80, s21, s24, $0xb8;
	[tilespmem:$0x1DC80] =	vst v63  }
0xc1: {  	_ =	swait.ge @!p2 [sflag:s7], $0x2800  }
0xc2: {  	[sflag:s7] =	ssyncset.done @!p2 $0x0  }
0xc3: {  	[sflag:s7] =	ssyncadd.s32 @!p2 $0xFFFFD800;
	s7 =	simm.s32 @!p2 $0x6  }
0xc4: {  	_ =	swait.ge @!p2 [sflag:s7], $0x2800  }
0xc5: {  	[sflag:s7] =	ssyncset.done @!p2 $0x0  }
0xc6: {  	[sflag:s7] =	ssyncadd.s32 @!p2 $0xFFFFD800;
	s7 =	simm.s32 @!p2 $0x7  }
0xc7: {  	_ =	swait.ge @!p2 [sflag:s7], $0x2800  }
0xc8: {  	[sflag:s7] =	ssyncset.done @!p2 $0x0  }
0xc9: {  	[sflag:s7] =	ssyncadd.s32 @!p2 $0xFFFFD800;
	s7 =	simm.s32 @!p2 $0x8  }
0xca: {  	_ =	swait.ge @!p2 [sflag:s7], $0x2800  }
0xcb: {  	s13 =	rddreg [dreg:$0xb];
	[sflag:s7] =	ssyncset.done @!p2 $0x0  }
0xcc: {  	s15 =	rddreg [dreg:$0xa];
	[sflag:s7] =	ssyncadd.s32 @!p2 $0xFFFFD800;
	s19 =	sadd.s32 s14, s13  }
0xcd: {  	[tilespmem:s3], [sflag:$0x9] =	stream.linear.gather [hbm4b:s19+s3], $0x50, $0x38;
	[tilespmem:$0x1DC80] =	vst v63  }
0xce: {  	s20 =	rddreg [dreg:$0x9];
	s16 =	sadd.s32 s14, s15;
	s15 =	simm.s32 $0x200  }
0xcf: {  	[tilespmem:s15], [sflag:$0xD] =	stream.linear.gather [hbm4b:s16+s3], $0x50, $0x38;
	[tilespmem:$0x1DC80] =	vst v63  }
0xd0: {  	s17 =	rddreg [dreg:$0x8];
	s7 =	sadd.s32 s14, s20;
	s16 =	simm.s32 $0x80  }
0xd1: {  	[tilespmem:s16], [sflag:$0xA] =	stream.linear.gather [hbm4b:s7+s3], $0x50, $0x38;
	[tilespmem:$0x1DC80] =	vst v63  }
0xd2: {  	s18 =	rddreg [dreg:$0x7];
	s13 =	sadd.s32 s14, s17;
	s17 =	simm.s32 $0x280  }
0xd3: {  	[tilespmem:s17], [sflag:$0xE] =	stream.linear.gather [hbm4b:s13+s3], $0x50, $0x38;
	[tilespmem:$0x1DC80] =	vst v63  }
0xd4: {  	s19 =	rddreg [dreg:$0x6];
	s7 =	sadd.s32 s14, s18;
	s18 =	simm.s32 $0x100  }
0xd5: {  	[tilespmem:s18], [sflag:$0xB] =	stream.linear.gather [hbm4b:s7+s3], $0x50, $0x38;
	[tilespmem:$0x1DC80] =	vst v63  }
0xd6: {  	s20 =	rddreg [dreg:$0x5];
	s13 =	sadd.s32 s14, s19;
	s19 =	simm.s32 $0x300  }
0xd7: {  	[tilespmem:s19], [sflag:$0xF] =	stream.linear.gather [hbm4b:s13+s3], $0x50, $0x38;
	[tilespmem:$0x1DC80] =	vst v63  }
0xd8: {  	s7 =	sadd.s32 s14, s20;
	s20 =	simm.s32 $0x180;
	s13 =	rddreg [dreg:$0x4]  }
0xd9: {  	[tilespmem:s20], [sflag:$0xC] =	stream.linear.gather [hbm4b:s7+s3], $0x50, $0x38;
	[tilespmem:$0x1DC80] =	vst v63  }
0xda: {  	s14 =	sadd.s32 s14, s13  }
0xdb: {  	[tilespmem:s21], [sflag:$0x10] =	stream.linear.gather [hbm4b:s14+s3], $0x50, $0x38;
	[tilespmem:$0x1DC80] =	vst v63  }
0xdc: {  	_ =	swait.ge [sflag:s23], $0x50  }
0xdd: {  	[sflag:s23] =	ssyncset.done $0x0  }
0xde: {  	s13 =	simm.s32 $0x400;
	[sflag:s23] =	ssyncadd.s32 $0xFFFFFFB0  }
0xdf: {  	[tilespmem:s13], [sflag:$0x1] =	stream.indirect.gather [hbm4b:s4+s24], $0x80, s3, s24, $0xb8;
	[tilespmem:$0x1DC80] =	vst v63  }
0xe0: {  	_ =	swait.ge [sflag:s26], $0x50  }
0xe1: {  	[sflag:s26] =	ssyncset.done $0x0  }
0xe2: {  	[sflag:s26] =	ssyncadd.s32 $0xFFFFFFB0  }
0xe3: {  	[tilespmem:s28], [sflag:$0x2] =	stream.indirect.gather [hbm4b:s4+s24], $0x80, s16, s24, $0xb8;
	[tilespmem:$0x1DC80] =	vst v63  }
0xe4: {  	_ =	swait.ge [sflag:s29], $0x50  }
0xe5: {  	[sflag:s29] =	ssyncset.done $0x0  }
0xe6: {  	[sflag:s29] =	ssyncadd.s32 $0xFFFFFFB0  }
0xe7: {  	[tilespmem:s30], [sflag:$0x3] =	stream.indirect.gather [hbm4b:s4+s24], $0x80, s18, s24, $0xb8;
	[tilespmem:$0x1DC80] =	vst v63  }
0xe8: {  	_ =	swait.ge [sflag:s31], $0x50  }
0xe9: {  	[sflag:s31] =	ssyncset.done $0x0  }
0xea: {  	[sflag:s31] =	ssyncadd.s32 $0xFFFFFFB0  }
0xeb: {  	[tilespmem:s0], [sflag:$0x4] =	stream.indirect.gather [hbm4b:s4+s24], $0x80, s20, s24, $0xb8;
	[tilespmem:$0x1DC80] =	vst v63  }
0xec: {  	_ =	swait.ge [sflag:s1], $0x2800  }
0xed: {  	[sflag:s1] =	ssyncset.done $0x0  }
0xee: {  	[sflag:s1] =	ssyncadd.s32 $0xFFFFD800  }
0xef: {  	_ =	swait.ge [sflag:s5], $0x50  }
0xf0: {  	[sflag:s5] =	ssyncset.done $0x0  }
0xf1: {  	[sflag:s5] =	ssyncadd.s32 $0xFFFFFFB0  }
0xf2: {  	[spmem:s2] =	stream.indirect.scatter.add.f32 [tilespmem:s13], [sflag:$0x5], $0x80, s15, s24, $0xb8;
	[tilespmem:$0x1DC80] =	vst v63  }
0xf3: {  	_ =	swait.ge [sflag:s6], $0x2800  }
0xf4: {  	[sflag:s6] =	ssyncset.done $0x0  }
0xf5: {  	[sflag:s6] =	ssyncadd.s32 $0xFFFFD800  }
0xf6: {  	_ =	swait.ge [sflag:s8], $0x50  }
0xf7: {  	[sflag:s8] =	ssyncset.done $0x0  }
0xf8: {  	[sflag:s8] =	ssyncadd.s32 $0xFFFFFFB0  }
0xf9: {  	[spmem:s2] =	stream.indirect.scatter.add.f32 [tilespmem:s28], [sflag:$0x6], $0x80, s17, s24, $0xb8;
	[tilespmem:$0x1DC80] =	vst v63  }
0xfa: {  	_ =	swait.ge [sflag:s9], $0x2800  }
0xfb: {  	[sflag:s9] =	ssyncset.done $0x0  }
0xfc: {  	[sflag:s9] =	ssyncadd.s32 $0xFFFFD800  }
0xfd: {  	_ =	swait.ge [sflag:s10], $0x50  }
0xfe: {  	[sflag:s10] =	ssyncset.done $0x0  }
0xff: {  	[sflag:s10] =	ssyncadd.s32 $0xFFFFFFB0  }
0x100: {  	[spmem:s2] =	stream.indirect.scatter.add.f32 [tilespmem:s30], [sflag:$0x7], $0x80, s19, s24, $0xb8;
	[tilespmem:$0x1DC80] =	vst v63  }
0x101: {  	_ =	swait.ge [sflag:s11], $0x2800  }
0x102: {  	[sflag:s11] =	ssyncset.done $0x0  }
0x103: {  	[sflag:s11] =	ssyncadd.s32 $0xFFFFD800  }
0x104: {  	_ =	swait.ge [sflag:s12], $0x50  }
0x105: {  	[sflag:s12] =	ssyncset.done $0x0  }
0x106: {  	s17 =	simm.s32 $0x5;
	[sflag:s12] =	ssyncadd.s32 $0xFFFFFFB0  }
0x107: {  	[spmem:s2] =	stream.indirect.scatter.add.f32 [tilespmem:s0], [sflag:$0x8], $0x80, s21, s24, $0xb8;
	[tilespmem:$0x1DC80] =	vst v63  }
0x108: {  	_ =	swait.ge [sflag:s17], $0x2800  }
0x109: {  	[sflag:s17] =	ssyncset.done $0x0  }
0x10a: {  	s18 =	simm.s32 $0x6;
	[sflag:s17] =	ssyncadd.s32 $0xFFFFD800  }
0x10b: {  	_ =	swait.ge [sflag:s18], $0x2800  }
0x10c: {  	[sflag:s18] =	ssyncset.done $0x0  }
0x10d: {  	s19 =	simm.s32 $0x7;
	[sflag:s18] =	ssyncadd.s32 $0xFFFFD800  }
0x10e: {  	_ =	swait.ge [sflag:s19], $0x2800  }
0x10f: {  	[sflag:s19] =	ssyncset.done $0x0  }
0x110: {  	s21 =	simm.s32 $0x8;
	[sflag:s19] =	ssyncadd.s32 $0xFFFFD800  }
0x111: {  	_ =	swait.ge [sflag:s21], $0x2800  }
0x112: {  	[sflag:s21] =	ssyncset.done $0x0  }
0x113: {  	s14 =	rddreg [dreg:$0x11];
	[sflag:s21] =	ssyncadd.s32 $0xFFFFD800  }
0x114: {  	[tilespmem:s3], [sflag:$0x11] =	stream.linear.gather [hbm4b:s14+s3], $0x50, $0x38;
	[tilespmem:$0x1DC80] =	vst v63  }
0x115: {  	s14 =	simm.s32 $0x11  }
0x116: {  	_ =	swait.ge [sflag:s14], $0x50  }
0x117: {  	[sflag:s14] =	ssyncset.done $0x0  }
0x118: {  	s16 =	rddreg [dreg:$0x12];
	[sflag:s14] =	ssyncadd.s32 $0xFFFFFFB0  }
0x119: {  	[tilespmem:s15], [sflag:$0x11] =	stream.linear.gather [hbm4b:s16+s3], $0x50, $0x38;
	[tilespmem:$0x1DC80] =	vst v63  }
0x11a: {  	_ =	swait.ge [sflag:s14], $0x50  }
0x11b: {  	[sflag:s14] =	ssyncset.done $0x0  }
0x11c: {  	[sflag:s14] =	ssyncadd.s32 $0xFFFFFFB0  }
0x11d: {  	[tilespmem:s13], [sflag:$0x1] =	stream.indirect.gather [hbm4b:s4+s24], $0x80, s3, s24, $0xb8;
	[tilespmem:$0x1DC80] =	vst v63  }
0x11e: {  	_ =	swait.ge [sflag:s1], $0x2800  }
0x11f: {  	[sflag:s1] =	ssyncset.done $0x0  }
0x120: {  	[sflag:s1] =	ssyncadd.s32 $0xFFFFD800  }
0x121: {  	[spmem:s2] =	stream.indirect.scatter.add.f32 [tilespmem:s13], [sflag:$0x11], $0x80, s15, s24, $0xb8;
	[tilespmem:$0x1DC80] =	vst v63  }
0x122: {  	_ =	swait.ge [sflag:s14], $0x2800  }
0x123: {  	[sflag:s14] =	ssyncset.done $0x0  }
0x124: {  	[sflag:s14] =	ssyncadd.s32 $0xFFFFD800  }
0x125: {  	[bflag:$0x0] =	sbarrier.arrive $0xFFFF  }
0x126: {  	s15 =	rddreg [dreg:$0xe]  }
0x127: {  	s17 =	rddreg [dreg:$0x13]  }
0x128: {  	s18 =	rddreg [dreg:$0x17]  }
0x129: {  	[hbm:s17], [sflag:s15] =	dma.local [spmem:s18], $0x2700  }
0x12a: {  	_ =	swait.ge [sflag:s14], $0x2700  }
0x12b: {  	[sflag:s14] =	ssyncset.done $0x0;
	s7 =	rddreg [dreg:$0x14]  }
0x12c: {  	s13 =	rddreg [dreg:$0x18];
	[sflag:s14] =	ssyncadd.s32 $0xFFFFD900  }
0x12d: {  	[hbm:s7], [sflag:s15] =	dma.local @!p0 [spmem:s13], $0x100  }
0x12e: {  	s7 =	simm.s32 @!p0 $0x11  }
0x12f: {  	_ =	swait.ge @!p0 [sflag:s7], $0x100  }
0x130: {  	s19 =	rddreg [dreg:$0x16]  }
0x131: {  	s21 =	rddreg [dreg:$0x15];
	s16 =	sadd.s32 $0x1, s19  }
0x132: {  	p1 =	sne.s32 s16, s21  }
.Ltmp1:
0x133: {  	_ = 	snop;
	(pc) =	sbr.rel @p1 .LBB2_1-.Ltmp1, $3  }
0x134: {  	_ =	sdelay $0x1  }
0x135: {  	[sflag:s7] =	ssyncset.done @!p0 $0x0  }
0x136: {  	s20 =	simm.s32 $0x380;
	[sflag:s7] =	ssyncadd.s32 @!p0 $0xFFFFFF00  }
0x137: {  	_ =	sfence.sel $0x180000  }
0x138: {  	[bflag:$0x0] =	sbarrier.arrive $0xFFFF  }
0x139: {  	_ =	strace $0x90000050  }
0x13a: {  	s0 =	stileid.u32;
	[bflag:$0x2] =	sbarrier.arrive $0xFFFF  }
0x13b: {  	p0 =	sne.s32 s0, $0x0;
	s0 =	rddreg [dreg:$0x3]  }
0x13c: {  	s0 =	sadd.s32 @!p0 $0x100000, s0  }
0x13d: {  	[sflag:s0] =	ssyncadd.tile.s32 @!p0 $0x1;
	_ =	shalt  }
.Lfunc_end2:
_tile_overlayer_lowered:
.L_overlay_start_2:
0x13e: {  	(tag) =	ssettag $0x2  }
0x13f: {  	s0 =	rddreg [dreg:$0x0];
	s2 =	stileid.u32  }
0x140: {  	s1 =	rddreg [dreg:$0x1];
	p0 =	sne.s32 s2, $0x0  }
0x141: {  	s3 =	rddreg [dreg:$0x2];
	[bflag:$0x3] =	sbarrier.arrive $0xFFFF;
	s2 =	simm.s32 @!p0 $0x1C11  }
0x142: {  	[timem:s3], [sflag:s2] =	dma.local @!p0 [hbm:s0], s1  }
0x143: {  	s0 =	simm.s32 @!p0 $0x11  }
0x144: {  	_ =	swait.ge @!p0 [sflag:s0], s1  }
0x145: {  	s1 =	ssub.s32 @!p0 $0x0, s1;
	[sflag:s0] =	ssyncset.done @!p0 $0x0  }
0x146: {  	[sflag:s0] =	ssyncadd.s32 @!p0 s1  }
0x147: {  	[bflag:$0x3] =	sbarrier.arrive $0xFFFF  }
0x148: {  	_ =	shalt  }

</sc_bundles>
